<compile_context>
chip_gen: v7x
topology: tpu7x:2x2x1
jax: 0.10.2.dev20260603
libtpu: 0.0.44.dev20260713+nightly
codegen_flags: <defaults>
</compile_context>

<pallas_src>
import jax
import jax.numpy as jnp
from jax import lax
from jax.experimental import pallas as pl
from jax.experimental.pallas import tpu as pltpu
from jax.experimental.pallas import tpu_sc as plsc

_IDX = 137
_NC, _NS = 2, 16
_NW = _NC * _NS
_CH = 16


def _sc_body(x_hbm, params_hbm, out_hbm, chunk_a, chunk_b, chunk_c, params_v,
             sem_in_a, sem_in_b, sem_in_c, sem_out_a, sem_out_b, sem_out_c):
    B, C, N = x_hbm.shape
    wid = lax.axis_index("s") * _NC + lax.axis_index("c")
    bpw = B // _NW
    base = wid * bpw
    nchunks = bpw // _CH

    pltpu.sync_copy(params_hbm, params_v)
    pv = params_v[...]
    wn0 = pv[0]
    wn1 = pv[1]
    wall_pos = pv[2]
    radius = pv[3]

    lane = lax.iota(jnp.int32, 16)
    w0_start = (_IDX // 16) * 16
    sel = lane == (_IDX - w0_start)

    bufs = (chunk_a, chunk_b, chunk_c)
    in_sems = (sem_in_a, sem_in_b, sem_in_c)
    out_sems = (sem_out_a, sem_out_b, sem_out_c)
    nbuf = len(bufs)

    def fix(chunk_v):
        def fix_batch(i, c2):
            p0 = chunk_v[i, 0, pl.ds(w0_start, 16)]
            p1 = chunk_v[i, 1, pl.ds(w0_start, 16)]
            v0 = chunk_v[i, 2, pl.ds(w0_start, 16)]
            v1 = chunk_v[i, 3, pl.ds(w0_start, 16)]

            vn = v0 * wn0 + v1 * wn1
            nv0 = v0 - 2.0 * vn * wn0
            nv1 = v1 - 2.0 * vn * wn1

            pn = p0 * wn0 + p1 * wn1
            pen = jnp.maximum(wall_pos + radius - pn, 0.0)
            np0 = p0 + pen * wn0
            np1 = p1 + pen * wn1

            chunk_v[i, 0, pl.ds(w0_start, 16)] = jnp.where(sel, np0, p0)
            chunk_v[i, 1, pl.ds(w0_start, 16)] = jnp.where(sel, np1, p1)
            chunk_v[i, 2, pl.ds(w0_start, 16)] = jnp.where(sel, nv0, v0)
            chunk_v[i, 3, pl.ds(w0_start, 16)] = jnp.where(sel, nv1, v1)
            return c2

        lax.fori_loop(0, _CH, fix_batch, 0)

    def start_in(k, b):
        return pltpu.async_copy(
            x_hbm.at[pl.ds(base + k * _CH, _CH)], bufs[b], in_sems[b])

    def start_out(k, b):
        return pltpu.async_copy(
            bufs[b], out_hbm.at[pl.ds(base + k * _CH, _CH)], out_sems[b])

    in_descs = {}
    out_descs = {}
    out_waited = set()
    for k in range(min(nbuf - 1, nchunks)):
        in_descs[k] = start_in(k, k % nbuf)
    for k in range(nchunks):
        b = k % nbuf
        in_descs[k].wait()
        fix(bufs[b])
        out_descs[k] = start_out(k, b)
        nk = k + nbuf - 1
        if nk < nchunks:
            bn = nk % nbuf
            if nk >= nbuf:
                out_descs[nk - nbuf].wait()
                out_waited.add(nk - nbuf)
            in_descs[nk] = start_in(nk, bn)
    for k in range(nchunks):
        if k not in out_waited:
            out_descs[k].wait()


def kernel(state, ball_idx, wall_normal, wall_pos, radius):
    B, N, C = state.shape
    xt = state.transpose(0, 2, 1)
    params = jnp.zeros((16,), jnp.float32)
    params = params.at[0].set(wall_normal[0]).at[1].set(wall_normal[1])
    params = params.at[2].set(jnp.asarray(wall_pos, jnp.float32))
    params = params.at[3].set(jnp.asarray(radius, jnp.float32))

    mesh = plsc.VectorSubcoreMesh(core_axis_name="c", subcore_axis_name="s")
    out = pl.kernel(
        _sc_body,
        out_type=jax.ShapeDtypeStruct((B, C, N), jnp.float32),
        mesh=mesh,
        scratch_types=[
            pltpu.VMEM((_CH, C, N), jnp.float32),
            pltpu.VMEM((_CH, C, N), jnp.float32),
            pltpu.VMEM((_CH, C, N), jnp.float32),
            pltpu.VMEM((16,), jnp.float32),
            pltpu.SemaphoreType.DMA,
            pltpu.SemaphoreType.DMA,
            pltpu.SemaphoreType.DMA,
            pltpu.SemaphoreType.DMA,
            pltpu.SemaphoreType.DMA,
            pltpu.SemaphoreType.DMA,
        ],
    )(xt, params)
    return out.transpose(0, 2, 1)

# --- scband reference (transcript-rebuilt; emitter-appended) ---
"""Pipeline reference for scband-wall-jump-map-89129161327132 (READ-ONLY COPY).

The authoritative reference and input builder live on the scoring server;
editing this copy changes nothing except your own understanding.
"""

import jax, jax.numpy as jnp
import numpy as np

B, N = 8192, 512
BALL_IDX = 137

def setup_inputs(seed: int = 0) -> dict:
    key = jax.random.key(seed)
    k1, k2, k3, k4 = jax.random.split(key, 4)
    state = jax.random.normal(k1, (B, N, 4), dtype=jnp.float32)
    wall_normal = jax.random.normal(k2, (2,), dtype=jnp.float32)
    wall_pos = jax.random.uniform(k3, (), dtype=jnp.float32)
    radius = jax.random.uniform(k4, (), dtype=jnp.float32)
    return {"state": state, "ball_idx": BALL_IDX, "wall_normal": wall_normal, "wall_pos": wall_pos, "radius": radius}

def reference(state, ball_idx, wall_normal, wall_pos, radius):
    pos = state[:, :, :2]
    vel = state[:, :, 2:]
    v = vel[:, ball_idx]
    p = pos[:, ball_idx]
    vn = jnp.sum(v * wall_normal, axis=-1, keepdims=True)
    vel = vel.at[:, ball_idx].set(v - 2.0 * vn * wall_normal)
    pn = jnp.sum(p * wall_normal, axis=-1, keepdims=True)
    penetration = wall_pos + radius - pn
    pos = pos.at[:, ball_idx].set(p + jnp.maximum(penetration, 0.0) * wall_normal)
    return jnp.concatenate([pos, vel], axis=-1)

if __name__ == "__main__":
    import jax
    _d = setup_inputs()
    print(jax.jit(kernel)(*tuple(_d.values())))

</pallas_src>

<mosaic_0001>
#map = affine_map<(d0, d1) -> (0, 0, 0)>
#map1 = affine_map<(d0, d1) -> (0)>
module attributes {stable_mosaic.version = 14 : i64} {
  func.func @_sc_body(%arg0: i32, %arg1: i32, %arg2: memref<8192x4x512xf32, #tpu.memory_space<hbm>>, %arg3: memref<16xf32, #tpu.memory_space<hbm>>, %arg4: memref<8192x4x512xf32, #tpu.memory_space<hbm>>, %arg5: memref<16x4x512xf32, #tpu.memory_space<vmem>>, %arg6: memref<16x4x512xf32, #tpu.memory_space<vmem>>, %arg7: memref<16x4x512xf32, #tpu.memory_space<vmem>>, %arg8: memref<16xf32, #tpu.memory_space<vmem>>, %arg9: memref<!tpu.dma_semaphore, #tpu.memory_space<semaphore_mem>>, %arg10: memref<!tpu.dma_semaphore, #tpu.memory_space<semaphore_mem>>, %arg11: memref<!tpu.dma_semaphore, #tpu.memory_space<semaphore_mem>>, %arg12: memref<!tpu.dma_semaphore, #tpu.memory_space<semaphore_mem>>, %arg13: memref<!tpu.dma_semaphore, #tpu.memory_space<semaphore_mem>>, %arg14: memref<!tpu.dma_semaphore, #tpu.memory_space<semaphore_mem>>) attributes {dimension_semantics = [#tpu.dimension_semantics<core_parallel>, #tpu.dimension_semantics<subcore_parallel>], iteration_bounds = array<i64: 2, 16>, scalar_prefetch = 0 : i64, scratch_operands = 10 : i64, tpu.core_type = #tpu.core_type<sc_vector_subcore>, window_params = [{transform_indices = #map}, {transform_indices = #map1}, {transform_indices = #map}]} {
    %mul3A = arith.constant 2 : i32
    %mul3A_0 = arith.muli %arg1, %mul3A : i32
    %add3A = arith.addi %mul3A_0, %arg0 : i32
    %mul3A_1 = arith.constant 256 : i32
    %mul3A_2 = arith.muli %add3A, %mul3A_1 : i32
    "tpu.region"() ({
      %run_scoped3A = tpu.sem_alloc : memref<!tpu.dma_semaphore, #tpu.memory_space<semaphore_mem>>
      tpu.enqueue_dma source(%arg3 : memref<16xf32, #tpu.memory_space<hbm>>) target(%arg8 : memref<16xf32, #tpu.memory_space<vmem>>) target_semaphore(%run_scoped3A : memref<!tpu.dma_semaphore, #tpu.memory_space<semaphore_mem>>)
      tpu.wait_dma2 semaphore(%run_scoped3A : memref<!tpu.dma_semaphore, #tpu.memory_space<semaphore_mem>>) src(%arg3 : memref<16xf32, #tpu.memory_space<hbm>>) dst(%arg8 : memref<16xf32, #tpu.memory_space<vmem>>)
      tpu.yield
    }) : () -> ()
    %get3A = arith.constant 0 : index
    %get3A_3 = tpu.vector_load %arg8[%get3A] {strides = array<i32>} : memref<16xf32, #tpu.memory_space<vmem>>, vector<16xf32>,
    %get3A_4 = vector.shape_cast %get3A_3 : vector<16xf32> to vector<16xf32>
    %slice3A = vector.extract_strided_slice %get3A_4 {offsets = [0], sizes = [1], strides = [1]} : vector<16xf32> to vector<1xf32>
    %squeeze3A = vector.extract %slice3A[0] : f32 from vector<1xf32>
    %slice3A_5 = vector.extract_strided_slice %get3A_4 {offsets = [1], sizes = [1], strides = [1]} : vector<16xf32> to vector<1xf32>
    %squeeze3A_6 = vector.extract %slice3A_5[0] : f32 from vector<1xf32>
    %slice3A_7 = vector.extract_strided_slice %get3A_4 {offsets = [2], sizes = [1], strides = [1]} : vector<16xf32> to vector<1xf32>
    %squeeze3A_8 = vector.extract %slice3A_7[0] : f32 from vector<1xf32>
    %slice3A_9 = vector.extract_strided_slice %get3A_4 {offsets = [3], sizes = [1], strides = [1]} : vector<16xf32> to vector<1xf32>
    %squeeze3A_10 = vector.extract %slice3A_9[0] : f32 from vector<1xf32>
    %iota3A = tpu.iota {dimensions = array<i32: 0>} : vector<16xi32>
    %eq3A = arith.constant 9 : i32
    %eq3A_11 = vector.broadcast %eq3A : i32 to vector<16xi32>
    %eq3A_12 = arith.cmpi eq, %iota3A, %eq3A_11 : vector<16xi32>
    %add3A_13 = arith.constant 0 : i32
    %add3A_14 = arith.addi %mul3A_2, %add3A_13 : i32
    %dma_start3A = arith.constant 0 : i32
    %dma_start3A_15 = arith.constant 0 : i32
    %dma_start3A_16 = tpu.memref_slice %arg2[%add3A_14, %dma_start3A, %dma_start3A_15] : memref<8192x4x512xf32, #tpu.memory_space<hbm>> -> memref<16x4x512xf32, #tpu.memory_space<hbm>>
    %dma_start3A_17 = arith.constant 0 : i32
    %dma_start3A_18 = arith.constant 0 : i32
    %dma_start3A_19 = tpu.memref_slice %arg2[%add3A_14, %dma_start3A_17, %dma_start3A_18] : memref<8192x4x512xf32, #tpu.memory_space<hbm>> -> memref<16x4x512xf32, #tpu.memory_space<hbm>>
    tpu.enqueue_dma source(%dma_start3A_19 : memref<16x4x512xf32, #tpu.memory_space<hbm>>) target(%arg5 : memref<16x4x512xf32, #tpu.memory_space<vmem>>) target_semaphore(%arg9 : memref<!tpu.dma_semaphore, #tpu.memory_space<semaphore_mem>>)
    %add3A_20 = arith.constant 16 : i32
    %add3A_21 = arith.addi %mul3A_2, %add3A_20 : i32
    %dma_start3A_22 = arith.constant 0 : i32
    %dma_start3A_23 = arith.constant 0 : i32
    %dma_start3A_24 = tpu.memref_slice %arg2[%add3A_21, %dma_start3A_22, %dma_start3A_23] : memref<8192x4x512xf32, #tpu.memory_space<hbm>> -> memref<16x4x512xf32, #tpu.memory_space<hbm>>
    %dma_start3A_25 = arith.constant 0 : i32
    %dma_start3A_26 = arith.constant 0 : i32
    %dma_start3A_27 = tpu.memref_slice %arg2[%add3A_21, %dma_start3A_25, %dma_start3A_26] : memref<8192x4x512xf32, #tpu.memory_space<hbm>> -> memref<16x4x512xf32, #tpu.memory_space<hbm>>
    tpu.enqueue_dma source(%dma_start3A_27 : memref<16x4x512xf32, #tpu.memory_space<hbm>>) target(%arg6 : memref<16x4x512xf32, #tpu.memory_space<vmem>>) target_semaphore(%arg10 : memref<!tpu.dma_semaphore, #tpu.memory_space<semaphore_mem>>)
    %dma_wait3A = arith.constant 0 : i32
    %dma_wait3A_28 = arith.constant 0 : i32
    %dma_wait3A_29 = tpu.memref_slice %arg2[%add3A_14, %dma_wait3A, %dma_wait3A_28] : memref<8192x4x512xf32, #tpu.memory_space<hbm>> -> memref<16x4x512xf32, #tpu.memory_space<hbm>>
    %dma_wait3A_30 = arith.constant 0 : i32
    %dma_wait3A_31 = arith.constant 0 : i32
    %dma_wait3A_32 = tpu.memref_slice %arg2[%add3A_14, %dma_wait3A_30, %dma_wait3A_31] : memref<8192x4x512xf32, #tpu.memory_space<hbm>> -> memref<16x4x512xf32, #tpu.memory_space<hbm>>
    tpu.wait_dma2 semaphore(%arg9 : memref<!tpu.dma_semaphore, #tpu.memory_space<semaphore_mem>>) src(%dma_wait3A_32 : memref<16x4x512xf32, #tpu.memory_space<hbm>>) dst(%arg5 : memref<16x4x512xf32, #tpu.memory_space<vmem>>)
    %scan3A = arith.constant 0 : i32
    %scan3A_33 = arith.constant 0 : i32
    %scan3A_34 = arith.constant 16 : i32
    %scan3A_35 = arith.addi %scan3A_33, %scan3A_34 : i32
    %scan3A_36 = arith.constant 1 : i32
    scf.for %scan3A_554 = %scan3A_33 to %scan3A_35 step %scan3A_36  : i32 {
      %get3A_555 = arith.constant 0 : i32
      %get3A_556 = arith.index_cast %scan3A_554 : i32 to index
      %get3A_557 = arith.index_cast %get3A_555 : i32 to index
      %get3A_558 = arith.constant 128 : index
      %get3A_559 = tpu.vector_load %arg5[%get3A_556, %get3A_557, %get3A_558] {strides = array<i32>} : memref<16x4x512xf32, #tpu.memory_space<vmem>>, vector<1x1x16xf32>,
      %get3A_560 = vector.shape_cast %get3A_559 : vector<1x1x16xf32> to vector<16xf32>
      %get3A_561 = arith.constant 1 : i32
      %get3A_562 = arith.index_cast %scan3A_554 : i32 to index
      %get3A_563 = arith.index_cast %get3A_561 : i32 to index
      %get3A_564 = arith.constant 128 : index
      %get3A_565 = tpu.vector_load %arg5[%get3A_562, %get3A_563, %get3A_564] {strides = array<i32>} : memref<16x4x512xf32, #tpu.memory_space<vmem>>, vector<1x1x16xf32>,
      %get3A_566 = vector.shape_cast %get3A_565 : vector<1x1x16xf32> to vector<16xf32>
      %get3A_567 = arith.constant 2 : i32
      %get3A_568 = arith.index_cast %scan3A_554 : i32 to index
      %get3A_569 = arith.index_cast %get3A_567 : i32 to index
      %get3A_570 = arith.constant 128 : index
      %get3A_571 = tpu.vector_load %arg5[%get3A_568, %get3A_569, %get3A_570] {strides = array<i32>} : memref<16x4x512xf32, #tpu.memory_space<vmem>>, vector<1x1x16xf32>,
      %get3A_572 = vector.shape_cast %get3A_571 : vector<1x1x16xf32> to vector<16xf32>
      %get3A_573 = arith.constant 3 : i32
      %get3A_574 = arith.index_cast %scan3A_554 : i32 to index
      %get3A_575 = arith.index_cast %get3A_573 : i32 to index
      %get3A_576 = arith.constant 128 : index
      %get3A_577 = tpu.vector_load %arg5[%get3A_574, %get3A_575, %get3A_576] {strides = array<i32>} : memref<16x4x512xf32, #tpu.memory_space<vmem>>, vector<1x1x16xf32>,
      %get3A_578 = vector.shape_cast %get3A_577 : vector<1x1x16xf32> to vector<16xf32>
      %mul3A_579 = vector.broadcast %squeeze3A : f32 to vector<16xf32>
      %mul3A_580 = arith.mulf %get3A_572, %mul3A_579 : vector<16xf32>
      %mul3A_581 = vector.broadcast %squeeze3A_6 : f32 to vector<16xf32>
      %mul3A_582 = arith.mulf %get3A_578, %mul3A_581 : vector<16xf32>
      %add3A_583 = arith.addf %mul3A_580, %mul3A_582 : vector<16xf32>
      %mul3A_584 = arith.constant 2.000000e+00 : f32
      %mul3A_585 = vector.broadcast %mul3A_584 : f32 to vector<16xf32>
      %mul3A_586 = arith.mulf %mul3A_585, %add3A_583 : vector<16xf32>
      %mul3A_587 = vector.broadcast %squeeze3A : f32 to vector<16xf32>
      %mul3A_588 = arith.mulf %mul3A_586, %mul3A_587 : vector<16xf32>
      %sub3A = arith.subf %get3A_572, %mul3A_588 : vector<16xf32>
      %mul3A_589 = arith.constant 2.000000e+00 : f32
      %mul3A_590 = vector.broadcast %mul3A_589 : f32 to vector<16xf32>
      %mul3A_591 = arith.mulf %mul3A_590, %add3A_583 : vector<16xf32>
      %mul3A_592 = vector.broadcast %squeeze3A_6 : f32 to vector<16xf32>
      %mul3A_593 = arith.mulf %mul3A_591, %mul3A_592 : vector<16xf32>
      %sub3A_594 = arith.subf %get3A_578, %mul3A_593 : vector<16xf32>
      %mul3A_595 = vector.broadcast %squeeze3A : f32 to vector<16xf32>
      %mul3A_596 = arith.mulf %get3A_560, %mul3A_595 : vector<16xf32>
      %mul3A_597 = vector.broadcast %squeeze3A_6 : f32 to vector<16xf32>
      %mul3A_598 = arith.mulf %get3A_566, %mul3A_597 : vector<16xf32>
      %add3A_599 = arith.addf %mul3A_596, %mul3A_598 : vector<16xf32>
      %add3A_600 = arith.addf %squeeze3A_8, %squeeze3A_10 : f32
      %sub3A_601 = vector.broadcast %add3A_600 : f32 to vector<16xf32>
      %sub3A_602 = arith.subf %sub3A_601, %add3A_599 : vector<16xf32>
      %max3A = arith.constant 0.000000e+00 : f32
      %max3A_603 = vector.broadcast %max3A : f32 to vector<16xf32>
      %max3A_604 = arith.maximumf %sub3A_602, %max3A_603 : vector<16xf32>
      %mul3A_605 = vector.broadcast %squeeze3A : f32 to vector<16xf32>
      %mul3A_606 = arith.mulf %max3A_604, %mul3A_605 : vector<16xf32>
      %add3A_607 = arith.addf %get3A_560, %mul3A_606 : vector<16xf32>
      %mul3A_608 = vector.broadcast %squeeze3A_6 : f32 to vector<16xf32>
      %mul3A_609 = arith.mulf %max3A_604, %mul3A_608 : vector<16xf32>
      %add3A_610 = arith.addf %get3A_566, %mul3A_609 : vector<16xf32>
      %select_n3A = arith.select %eq3A_12, %add3A_607, %get3A_560 : vector<16xi1>, vector<16xf32>
      %swap3A = arith.constant 0 : i32
      %swap3A_611 = arith.index_cast %scan3A_554 : i32 to index
      %swap3A_612 = arith.index_cast %swap3A : i32 to index
      %swap3A_613 = arith.constant 128 : index
      %swap3A_614 = tpu.vector_load %arg5[%swap3A_611, %swap3A_612, %swap3A_613] {strides = array<i32>} : memref<16x4x512xf32, #tpu.memory_space<vmem>>, vector<1x1x16xf32>,
      %swap3A_615 = vector.shape_cast %swap3A_614 : vector<1x1x16xf32> to vector<16xf32>
      %swap3A_616 = vector.shape_cast %select_n3A : vector<16xf32> to vector<1x1x16xf32>
      tpu.vector_store %arg5[%swap3A_611, %swap3A_612, %swap3A_613], %swap3A_616 {strides = array<i32>} : memref<16x4x512xf32, #tpu.memory_space<vmem>>, vector<1x1x16xf32>,
      %select_n3A_617 = arith.select %eq3A_12, %add3A_610, %get3A_566 : vector<16xi1>, vector<16xf32>
      %swap3A_618 = arith.constant 1 : i32
      %swap3A_619 = arith.index_cast %scan3A_554 : i32 to index
      %swap3A_620 = arith.index_cast %swap3A_618 : i32 to index
      %swap3A_621 = arith.constant 128 : index
      %swap3A_622 = tpu.vector_load %arg5[%swap3A_619, %swap3A_620, %swap3A_621] {strides = array<i32>} : memref<16x4x512xf32, #tpu.memory_space<vmem>>, vector<1x1x16xf32>,
      %swap3A_623 = vector.shape_cast %swap3A_622 : vector<1x1x16xf32> to vector<16xf32>
      %swap3A_624 = vector.shape_cast %select_n3A_617 : vector<16xf32> to vector<1x1x16xf32>
      tpu.vector_store %arg5[%swap3A_619, %swap3A_620, %swap3A_621], %swap3A_624 {strides = array<i32>} : memref<16x4x512xf32, #tpu.memory_space<vmem>>, vector<1x1x16xf32>,
      %select_n3A_625 = arith.select %eq3A_12, %sub3A, %get3A_572 : vector<16xi1>, vector<16xf32>
      %swap3A_626 = arith.constant 2 : i32
      %swap3A_627 = arith.index_cast %scan3A_554 : i32 to index
      %swap3A_628 = arith.index_cast %swap3A_626 : i32 to index
      %swap3A_629 = arith.constant 128 : index
      %swap3A_630 = tpu.vector_load %arg5[%swap3A_627, %swap3A_628, %swap3A_629] {strides = array<i32>} : memref<16x4x512xf32, #tpu.memory_space<vmem>>, vector<1x1x16xf32>,
      %swap3A_631 = vector.shape_cast %swap3A_630 : vector<1x1x16xf32> to vector<16xf32>
      %swap3A_632 = vector.shape_cast %select_n3A_625 : vector<16xf32> to vector<1x1x16xf32>
      tpu.vector_store %arg5[%swap3A_627, %swap3A_628, %swap3A_629], %swap3A_632 {strides = array<i32>} : memref<16x4x512xf32, #tpu.memory_space<vmem>>, vector<1x1x16xf32>,
      %select_n3A_633 = arith.select %eq3A_12, %sub3A_594, %get3A_578 : vector<16xi1>, vector<16xf32>
      %swap3A_634 = arith.constant 3 : i32
      %swap3A_635 = arith.index_cast %scan3A_554 : i32 to index
      %swap3A_636 = arith.index_cast %swap3A_634 : i32 to index
      %swap3A_637 = arith.constant 128 : index
      %swap3A_638 = tpu.vector_load %arg5[%swap3A_635, %swap3A_636, %swap3A_637] {strides = array<i32>} : memref<16x4x512xf32, #tpu.memory_space<vmem>>, vector<1x1x16xf32>,
      %swap3A_639 = vector.shape_cast %swap3A_638 : vector<1x1x16xf32> to vector<16xf32>
      %swap3A_640 = vector.shape_cast %select_n3A_633 : vector<16xf32> to vector<1x1x16xf32>
      tpu.vector_store %arg5[%swap3A_635, %swap3A_636, %swap3A_637], %swap3A_640 {strides = array<i32>} : memref<16x4x512xf32, #tpu.memory_space<vmem>>, vector<1x1x16xf32>,
    }
    %scan3A_37 = arith.constant 16 : i32
    %add3A_38 = arith.constant 0 : i32
    %add3A_39 = arith.addi %mul3A_2, %add3A_38 : i32
    %dma_start3A_40 = arith.constant 0 : i32
    %dma_start3A_41 = arith.constant 0 : i32
    %dma_start3A_42 = tpu.memref_slice %arg4[%add3A_39, %dma_start3A_40, %dma_start3A_41] : memref<8192x4x512xf32, #tpu.memory_space<hbm>> -> memref<16x4x512xf32, #tpu.memory_space<hbm>>
    %dma_start3A_43 = arith.constant 0 : i32
    %dma_start3A_44 = arith.constant 0 : i32
    %dma_start3A_45 = tpu.memref_slice %arg4[%add3A_39, %dma_start3A_43, %dma_start3A_44] : memref<8192x4x512xf32, #tpu.memory_space<hbm>> -> memref<16x4x512xf32, #tpu.memory_space<hbm>>
    tpu.enqueue_dma source(%arg5 : memref<16x4x512xf32, #tpu.memory_space<vmem>>) target(%dma_start3A_45 : memref<16x4x512xf32, #tpu.memory_space<hbm>>) target_semaphore(%arg12 : memref<!tpu.dma_semaphore, #tpu.memory_space<semaphore_mem>>)
    %add3A_46 = arith.constant 32 : i32
    %add3A_47 = arith.addi %mul3A_2, %add3A_46 : i32
    %dma_start3A_48 = arith.constant 0 : i32
    %dma_start3A_49 = arith.constant 0 : i32
    %dma_start3A_50 = tpu.memref_slice %arg2[%add3A_47, %dma_start3A_48, %dma_start3A_49] : memref<8192x4x512xf32, #tpu.memory_space<hbm>> -> memref<16x4x512xf32, #tpu.memory_space<hbm>>
    %dma_start3A_51 = arith.constant 0 : i32
    %dma_start3A_52 = arith.constant 0 : i32
    %dma_start3A_53 = tpu.memref_slice %arg2[%add3A_47, %dma_start3A_51, %dma_start3A_52] : memref<8192x4x512xf32, #tpu.memory_space<hbm>> -> memref<16x4x512xf32, #tpu.memory_space<hbm>>
    tpu.enqueue_dma source(%dma_start3A_53 : memref<16x4x512xf32, #tpu.memory_space<hbm>>) target(%arg7 : memref<16x4x512xf32, #tpu.memory_space<vmem>>) target_semaphore(%arg11 : memref<!tpu.dma_semaphore, #tpu.memory_space<semaphore_mem>>)
    %dma_wait3A_54 = arith.constant 0 : i32
    %dma_wait3A_55 = arith.constant 0 : i32
    %dma_wait3A_56 = tpu.memref_slice %arg2[%add3A_21, %dma_wait3A_54, %dma_wait3A_55] : memref<8192x4x512xf32, #tpu.memory_space<hbm>> -> memref<16x4x512xf32, #tpu.memory_space<hbm>>
    %dma_wait3A_57 = arith.constant 0 : i32
    %dma_wait3A_58 = arith.constant 0 : i32
    %dma_wait3A_59 = tpu.memref_slice %arg2[%add3A_21, %dma_wait3A_57, %dma_wait3A_58] : memref<8192x4x512xf32, #tpu.memory_space<hbm>> -> memref<16x4x512xf32, #tpu.memory_space<hbm>>
    tpu.wait_dma2 semaphore(%arg10 : memref<!tpu.dma_semaphore, #tpu.memory_space<semaphore_mem>>) src(%dma_wait3A_59 : memref<16x4x512xf32, #tpu.memory_space<hbm>>) dst(%arg6 : memref<16x4x512xf32, #tpu.memory_space<vmem>>)
    %scan3A_60 = arith.constant 0 : i32
    %scan3A_61 = arith.constant 0 : i32
    %scan3A_62 = arith.constant 16 : i32
    %scan3A_63 = arith.addi %scan3A_61, %scan3A_62 : i32
    %scan3A_64 = arith.constant 1 : i32
    scf.for %scan3A_554 = %scan3A_61 to %scan3A_63 step %scan3A_64  : i32 {
      %get3A_555 = arith.constant 0 : i32
      %get3A_556 = arith.index_cast %scan3A_554 : i32 to index
      %get3A_557 = arith.index_cast %get3A_555 : i32 to index
      %get3A_558 = arith.constant 128 : index
      %get3A_559 = tpu.vector_load %arg6[%get3A_556, %get3A_557, %get3A_558] {strides = array<i32>} : memref<16x4x512xf32, #tpu.memory_space<vmem>>, vector<1x1x16xf32>,
      %get3A_560 = vector.shape_cast %get3A_559 : vector<1x1x16xf32> to vector<16xf32>
      %get3A_561 = arith.constant 1 : i32
      %get3A_562 = arith.index_cast %scan3A_554 : i32 to index
      %get3A_563 = arith.index_cast %get3A_561 : i32 to index
      %get3A_564 = arith.constant 128 : index
      %get3A_565 = tpu.vector_load %arg6[%get3A_562, %get3A_563, %get3A_564] {strides = array<i32>} : memref<16x4x512xf32, #tpu.memory_space<vmem>>, vector<1x1x16xf32>,
      %get3A_566 = vector.shape_cast %get3A_565 : vector<1x1x16xf32> to vector<16xf32>
      %get3A_567 = arith.constant 2 : i32
      %get3A_568 = arith.index_cast %scan3A_554 : i32 to index
      %get3A_569 = arith.index_cast %get3A_567 : i32 to index
      %get3A_570 = arith.constant 128 : index
      %get3A_571 = tpu.vector_load %arg6[%get3A_568, %get3A_569, %get3A_570] {strides = array<i32>} : memref<16x4x512xf32, #tpu.memory_space<vmem>>, vector<1x1x16xf32>,
      %get3A_572 = vector.shape_cast %get3A_571 : vector<1x1x16xf32> to vector<16xf32>
      %get3A_573 = arith.constant 3 : i32
      %get3A_574 = arith.index_cast %scan3A_554 : i32 to index
      %get3A_575 = arith.index_cast %get3A_573 : i32 to index
      %get3A_576 = arith.constant 128 : index
      %get3A_577 = tpu.vector_load %arg6[%get3A_574, %get3A_575, %get3A_576] {strides = array<i32>} : memref<16x4x512xf32, #tpu.memory_space<vmem>>, vector<1x1x16xf32>,
      %get3A_578 = vector.shape_cast %get3A_577 : vector<1x1x16xf32> to vector<16xf32>
      %mul3A_579 = vector.broadcast %squeeze3A : f32 to vector<16xf32>
      %mul3A_580 = arith.mulf %get3A_572, %mul3A_579 : vector<16xf32>
      %mul3A_581 = vector.broadcast %squeeze3A_6 : f32 to vector<16xf32>
      %mul3A_582 = arith.mulf %get3A_578, %mul3A_581 : vector<16xf32>
      %add3A_583 = arith.addf %mul3A_580, %mul3A_582 : vector<16xf32>
      %mul3A_584 = arith.constant 2.000000e+00 : f32
      %mul3A_585 = vector.broadcast %mul3A_584 : f32 to vector<16xf32>
      %mul3A_586 = arith.mulf %mul3A_585, %add3A_583 : vector<16xf32>
      %mul3A_587 = vector.broadcast %squeeze3A : f32 to vector<16xf32>
      %mul3A_588 = arith.mulf %mul3A_586, %mul3A_587 : vector<16xf32>
      %sub3A = arith.subf %get3A_572, %mul3A_588 : vector<16xf32>
      %mul3A_589 = arith.constant 2.000000e+00 : f32
      %mul3A_590 = vector.broadcast %mul3A_589 : f32 to vector<16xf32>
      %mul3A_591 = arith.mulf %mul3A_590, %add3A_583 : vector<16xf32>
      %mul3A_592 = vector.broadcast %squeeze3A_6 : f32 to vector<16xf32>
      %mul3A_593 = arith.mulf %mul3A_591, %mul3A_592 : vector<16xf32>
      %sub3A_594 = arith.subf %get3A_578, %mul3A_593 : vector<16xf32>
      %mul3A_595 = vector.broadcast %squeeze3A : f32 to vector<16xf32>
      %mul3A_596 = arith.mulf %get3A_560, %mul3A_595 : vector<16xf32>
      %mul3A_597 = vector.broadcast %squeeze3A_6 : f32 to vector<16xf32>
      %mul3A_598 = arith.mulf %get3A_566, %mul3A_597 : vector<16xf32>
      %add3A_599 = arith.addf %mul3A_596, %mul3A_598 : vector<16xf32>
      %add3A_600 = arith.addf %squeeze3A_8, %squeeze3A_10 : f32
      %sub3A_601 = vector.broadcast %add3A_600 : f32 to vector<16xf32>
      %sub3A_602 = arith.subf %sub3A_601, %add3A_599 : vector<16xf32>
      %max3A = arith.constant 0.000000e+00 : f32
      %max3A_603 = vector.broadcast %max3A : f32 to vector<16xf32>
      %max3A_604 = arith.maximumf %sub3A_602, %max3A_603 : vector<16xf32>
      %mul3A_605 = vector.broadcast %squeeze3A : f32 to vector<16xf32>
      %mul3A_606 = arith.mulf %max3A_604, %mul3A_605 : vector<16xf32>
      %add3A_607 = arith.addf %get3A_560, %mul3A_606 : vector<16xf32>
      %mul3A_608 = vector.broadcast %squeeze3A_6 : f32 to vector<16xf32>
      %mul3A_609 = arith.mulf %max3A_604, %mul3A_608 : vector<16xf32>
      %add3A_610 = arith.addf %get3A_566, %mul3A_609 : vector<16xf32>
      %select_n3A = arith.select %eq3A_12, %add3A_607, %get3A_560 : vector<16xi1>, vector<16xf32>
      %swap3A = arith.constant 0 : i32
      %swap3A_611 = arith.index_cast %scan3A_554 : i32 to index
      %swap3A_612 = arith.index_cast %swap3A : i32 to index
      %swap3A_613 = arith.constant 128 : index
      %swap3A_614 = tpu.vector_load %arg6[%swap3A_611, %swap3A_612, %swap3A_613] {strides = array<i32>} : memref<16x4x512xf32, #tpu.memory_space<vmem>>, vector<1x1x16xf32>,
      %swap3A_615 = vector.shape_cast %swap3A_614 : vector<1x1x16xf32> to vector<16xf32>
      %swap3A_616 = vector.shape_cast %select_n3A : vector<16xf32> to vector<1x1x16xf32>
      tpu.vector_store %arg6[%swap3A_611, %swap3A_612, %swap3A_613], %swap3A_616 {strides = array<i32>} : memref<16x4x512xf32, #tpu.memory_space<vmem>>, vector<1x1x16xf32>,
      %select_n3A_617 = arith.select %eq3A_12, %add3A_610, %get3A_566 : vector<16xi1>, vector<16xf32>
      %swap3A_618 = arith.constant 1 : i32
      %swap3A_619 = arith.index_cast %scan3A_554 : i32 to index
      %swap3A_620 = arith.index_cast %swap3A_618 : i32 to index
      %swap3A_621 = arith.constant 128 : index
      %swap3A_622 = tpu.vector_load %arg6[%swap3A_619, %swap3A_620, %swap3A_621] {strides = array<i32>} : memref<16x4x512xf32, #tpu.memory_space<vmem>>, vector<1x1x16xf32>,
      %swap3A_623 = vector.shape_cast %swap3A_622 : vector<1x1x16xf32> to vector<16xf32>
      %swap3A_624 = vector.shape_cast %select_n3A_617 : vector<16xf32> to vector<1x1x16xf32>
      tpu.vector_store %arg6[%swap3A_619, %swap3A_620, %swap3A_621], %swap3A_624 {strides = array<i32>} : memref<16x4x512xf32, #tpu.memory_space<vmem>>, vector<1x1x16xf32>,
      %select_n3A_625 = arith.select %eq3A_12, %sub3A, %get3A_572 : vector<16xi1>, vector<16xf32>
      %swap3A_626 = arith.constant 2 : i32
      %swap3A_627 = arith.index_cast %scan3A_554 : i32 to index
      %swap3A_628 = arith.index_cast %swap3A_626 : i32 to index
      %swap3A_629 = arith.constant 128 : index
      %swap3A_630 = tpu.vector_load %arg6[%swap3A_627, %swap3A_628, %swap3A_629] {strides = array<i32>} : memref<16x4x512xf32, #tpu.memory_space<vmem>>, vector<1x1x16xf32>,
      %swap3A_631 = vector.shape_cast %swap3A_630 : vector<1x1x16xf32> to vector<16xf32>
      %swap3A_632 = vector.shape_cast %select_n3A_625 : vector<16xf32> to vector<1x1x16xf32>
      tpu.vector_store %arg6[%swap3A_627, %swap3A_628, %swap3A_629], %swap3A_632 {strides = array<i32>} : memref<16x4x512xf32, #tpu.memory_space<vmem>>, vector<1x1x16xf32>,
      %select_n3A_633 = arith.select %eq3A_12, %sub3A_594, %get3A_578 : vector<16xi1>, vector<16xf32>
      %swap3A_634 = arith.constant 3 : i32
      %swap3A_635 = arith.index_cast %scan3A_554 : i32 to index
      %swap3A_636 = arith.index_cast %swap3A_634 : i32 to index
      %swap3A_637 = arith.constant 128 : index
      %swap3A_638 = tpu.vector_load %arg6[%swap3A_635, %swap3A_636, %swap3A_637] {strides = array<i32>} : memref<16x4x512xf32, #tpu.memory_space<vmem>>, vector<1x1x16xf32>,
      %swap3A_639 = vector.shape_cast %swap3A_638 : vector<1x1x16xf32> to vector<16xf32>
      %swap3A_640 = vector.shape_cast %select_n3A_633 : vector<16xf32> to vector<1x1x16xf32>
      tpu.vector_store %arg6[%swap3A_635, %swap3A_636, %swap3A_637], %swap3A_640 {strides = array<i32>} : memref<16x4x512xf32, #tpu.memory_space<vmem>>, vector<1x1x16xf32>,
    }
    %scan3A_65 = arith.constant 16 : i32
    %add3A_66 = arith.constant 16 : i32
    %add3A_67 = arith.addi %mul3A_2, %add3A_66 : i32
    %dma_start3A_68 = arith.constant 0 : i32
    %dma_start3A_69 = arith.constant 0 : i32
    %dma_start3A_70 = tpu.memref_slice %arg4[%add3A_67, %dma_start3A_68, %dma_start3A_69] : memref<8192x4x512xf32, #tpu.memory_space<hbm>> -> memref<16x4x512xf32, #tpu.memory_space<hbm>>
    %dma_start3A_71 = arith.constant 0 : i32
    %dma_start3A_72 = arith.constant 0 : i32
    %dma_start3A_73 = tpu.memref_slice %arg4[%add3A_67, %dma_start3A_71, %dma_start3A_72] : memref<8192x4x512xf32, #tpu.memory_space<hbm>> -> memref<16x4x512xf32, #tpu.memory_space<hbm>>
    tpu.enqueue_dma source(%arg6 : memref<16x4x512xf32, #tpu.memory_space<vmem>>) target(%dma_start3A_73 : memref<16x4x512xf32, #tpu.memory_space<hbm>>) target_semaphore(%arg13 : memref<!tpu.dma_semaphore, #tpu.memory_space<semaphore_mem>>)
    %dma_wait3A_74 = arith.constant 0 : i32
    %dma_wait3A_75 = arith.constant 0 : i32
    %dma_wait3A_76 = tpu.memref_slice %arg4[%add3A_39, %dma_wait3A_74, %dma_wait3A_75] : memref<8192x4x512xf32, #tpu.memory_space<hbm>> -> memref<16x4x512xf32, #tpu.memory_space<hbm>>
    %dma_wait3A_77 = arith.constant 0 : i32
    %dma_wait3A_78 = arith.constant 0 : i32
    %dma_wait3A_79 = tpu.memref_slice %arg4[%add3A_39, %dma_wait3A_77, %dma_wait3A_78] : memref<8192x4x512xf32, #tpu.memory_space<hbm>> -> memref<16x4x512xf32, #tpu.memory_space<hbm>>
    tpu.wait_dma2 semaphore(%arg12 : memref<!tpu.dma_semaphore, #tpu.memory_space<semaphore_mem>>) src(%arg5 : memref<16x4x512xf32, #tpu.memory_space<vmem>>) dst(%dma_wait3A_79 : memref<16x4x512xf32, #tpu.memory_space<hbm>>)
    %add3A_80 = arith.constant 48 : i32
    %add3A_81 = arith.addi %mul3A_2, %add3A_80 : i32
    %dma_start3A_82 = arith.constant 0 : i32
    %dma_start3A_83 = arith.constant 0 : i32
    %dma_start3A_84 = tpu.memref_slice %arg2[%add3A_81, %dma_start3A_82, %dma_start3A_83] : memref<8192x4x512xf32, #tpu.memory_space<hbm>> -> memref<16x4x512xf32, #tpu.memory_space<hbm>>
    %dma_start3A_85 = arith.constant 0 : i32
    %dma_start3A_86 = arith.constant 0 : i32
    %dma_start3A_87 = tpu.memref_slice %arg2[%add3A_81, %dma_start3A_85, %dma_start3A_86] : memref<8192x4x512xf32, #tpu.memory_space<hbm>> -> memref<16x4x512xf32, #tpu.memory_space<hbm>>
    tpu.enqueue_dma source(%dma_start3A_87 : memref<16x4x512xf32, #tpu.memory_space<hbm>>) target(%arg5 : memref<16x4x512xf32, #tpu.memory_space<vmem>>) target_semaphore(%arg9 : memref<!tpu.dma_semaphore, #tpu.memory_space<semaphore_mem>>)
    %dma_wait3A_88 = arith.constant 0 : i32
    %dma_wait3A_89 = arith.constant 0 : i32
    %dma_wait3A_90 = tpu.memref_slice %arg2[%add3A_47, %dma_wait3A_88, %dma_wait3A_89] : memref<8192x4x512xf32, #tpu.memory_space<hbm>> -> memref<16x4x512xf32, #tpu.memory_space<hbm>>
    %dma_wait3A_91 = arith.constant 0 : i32
    %dma_wait3A_92 = arith.constant 0 : i32
    %dma_wait3A_93 = tpu.memref_slice %arg2[%add3A_47, %dma_wait3A_91, %dma_wait3A_92] : memref<8192x4x512xf32, #tpu.memory_space<hbm>> -> memref<16x4x512xf32, #tpu.memory_space<hbm>>
    tpu.wait_dma2 semaphore(%arg11 : memref<!tpu.dma_semaphore, #tpu.memory_space<semaphore_mem>>) src(%dma_wait3A_93 : memref<16x4x512xf32, #tpu.memory_space<hbm>>) dst(%arg7 : memref<16x4x512xf32, #tpu.memory_space<vmem>>)
    %scan3A_94 = arith.constant 0 : i32
    %scan3A_95 = arith.constant 0 : i32
    %scan3A_96 = arith.constant 16 : i32
    %scan3A_97 = arith.addi %scan3A_95, %scan3A_96 : i32
    %scan3A_98 = arith.constant 1 : i32
    scf.for %scan3A_554 = %scan3A_95 to %scan3A_97 step %scan3A_98  : i32 {
      %get3A_555 = arith.constant 0 : i32
      %get3A_556 = arith.index_cast %scan3A_554 : i32 to index
      %get3A_557 = arith.index_cast %get3A_555 : i32 to index
      %get3A_558 = arith.constant 128 : index
      %get3A_559 = tpu.vector_load %arg7[%get3A_556, %get3A_557, %get3A_558] {strides = array<i32>} : memref<16x4x512xf32, #tpu.memory_space<vmem>>, vector<1x1x16xf32>,
      %get3A_560 = vector.shape_cast %get3A_559 : vector<1x1x16xf32> to vector<16xf32>
      %get3A_561 = arith.constant 1 : i32
      %get3A_562 = arith.index_cast %scan3A_554 : i32 to index
      %get3A_563 = arith.index_cast %get3A_561 : i32 to index
      %get3A_564 = arith.constant 128 : index
      %get3A_565 = tpu.vector_load %arg7[%get3A_562, %get3A_563, %get3A_564] {strides = array<i32>} : memref<16x4x512xf32, #tpu.memory_space<vmem>>, vector<1x1x16xf32>,
      %get3A_566 = vector.shape_cast %get3A_565 : vector<1x1x16xf32> to vector<16xf32>
      %get3A_567 = arith.constant 2 : i32
      %get3A_568 = arith.index_cast %scan3A_554 : i32 to index
      %get3A_569 = arith.index_cast %get3A_567 : i32 to index
      %get3A_570 = arith.constant 128 : index
      %get3A_571 = tpu.vector_load %arg7[%get3A_568, %get3A_569, %get3A_570] {strides = array<i32>} : memref<16x4x512xf32, #tpu.memory_space<vmem>>, vector<1x1x16xf32>,
      %get3A_572 = vector.shape_cast %get3A_571 : vector<1x1x16xf32> to vector<16xf32>
      %get3A_573 = arith.constant 3 : i32
      %get3A_574 = arith.index_cast %scan3A_554 : i32 to index
      %get3A_575 = arith.index_cast %get3A_573 : i32 to index
      %get3A_576 = arith.constant 128 : index
      %get3A_577 = tpu.vector_load %arg7[%get3A_574, %get3A_575, %get3A_576] {strides = array<i32>} : memref<16x4x512xf32, #tpu.memory_space<vmem>>, vector<1x1x16xf32>,
      %get3A_578 = vector.shape_cast %get3A_577 : vector<1x1x16xf32> to vector<16xf32>
      %mul3A_579 = vector.broadcast %squeeze3A : f32 to vector<16xf32>
      %mul3A_580 = arith.mulf %get3A_572, %mul3A_579 : vector<16xf32>
      %mul3A_581 = vector.broadcast %squeeze3A_6 : f32 to vector<16xf32>
      %mul3A_582 = arith.mulf %get3A_578, %mul3A_581 : vector<16xf32>
      %add3A_583 = arith.addf %mul3A_580, %mul3A_582 : vector<16xf32>
      %mul3A_584 = arith.constant 2.000000e+00 : f32
      %mul3A_585 = vector.broadcast %mul3A_584 : f32 to vector<16xf32>
      %mul3A_586 = arith.mulf %mul3A_585, %add3A_583 : vector<16xf32>
      %mul3A_587 = vector.broadcast %squeeze3A : f32 to vector<16xf32>
      %mul3A_588 = arith.mulf %mul3A_586, %mul3A_587 : vector<16xf32>
      %sub3A = arith.subf %get3A_572, %mul3A_588 : vector<16xf32>
      %mul3A_589 = arith.constant 2.000000e+00 : f32
      %mul3A_590 = vector.broadcast %mul3A_589 : f32 to vector<16xf32>
      %mul3A_591 = arith.mulf %mul3A_590, %add3A_583 : vector<16xf32>
      %mul3A_592 = vector.broadcast %squeeze3A_6 : f32 to vector<16xf32>
      %mul3A_593 = arith.mulf %mul3A_591, %mul3A_592 : vector<16xf32>
      %sub3A_594 = arith.subf %get3A_578, %mul3A_593 : vector<16xf32>
      %mul3A_595 = vector.broadcast %squeeze3A : f32 to vector<16xf32>
      %mul3A_596 = arith.mulf %get3A_560, %mul3A_595 : vector<16xf32>
      %mul3A_597 = vector.broadcast %squeeze3A_6 : f32 to vector<16xf32>
      %mul3A_598 = arith.mulf %get3A_566, %mul3A_597 : vector<16xf32>
      %add3A_599 = arith.addf %mul3A_596, %mul3A_598 : vector<16xf32>
      %add3A_600 = arith.addf %squeeze3A_8, %squeeze3A_10 : f32
      %sub3A_601 = vector.broadcast %add3A_600 : f32 to vector<16xf32>
      %sub3A_602 = arith.subf %sub3A_601, %add3A_599 : vector<16xf32>
      %max3A = arith.constant 0.000000e+00 : f32
      %max3A_603 = vector.broadcast %max3A : f32 to vector<16xf32>
      %max3A_604 = arith.maximumf %sub3A_602, %max3A_603 : vector<16xf32>
      %mul3A_605 = vector.broadcast %squeeze3A : f32 to vector<16xf32>
      %mul3A_606 = arith.mulf %max3A_604, %mul3A_605 : vector<16xf32>
      %add3A_607 = arith.addf %get3A_560, %mul3A_606 : vector<16xf32>
      %mul3A_608 = vector.broadcast %squeeze3A_6 : f32 to vector<16xf32>
      %mul3A_609 = arith.mulf %max3A_604, %mul3A_608 : vector<16xf32>
      %add3A_610 = arith.addf %get3A_566, %mul3A_609 : vector<16xf32>
      %select_n3A = arith.select %eq3A_12, %add3A_607, %get3A_560 : vector<16xi1>, vector<16xf32>
      %swap3A = arith.constant 0 : i32
      %swap3A_611 = arith.index_cast %scan3A_554 : i32 to index
      %swap3A_612 = arith.index_cast %swap3A : i32 to index
      %swap3A_613 = arith.constant 128 : index
      %swap3A_614 = tpu.vector_load %arg7[%swap3A_611, %swap3A_612, %swap3A_613] {strides = array<i32>} : memref<16x4x512xf32, #tpu.memory_space<vmem>>, vector<1x1x16xf32>,
      %swap3A_615 = vector.shape_cast %swap3A_614 : vector<1x1x16xf32> to vector<16xf32>
      %swap3A_616 = vector.shape_cast %select_n3A : vector<16xf32> to vector<1x1x16xf32>
      tpu.vector_store %arg7[%swap3A_611, %swap3A_612, %swap3A_613], %swap3A_616 {strides = array<i32>} : memref<16x4x512xf32, #tpu.memory_space<vmem>>, vector<1x1x16xf32>,
      %select_n3A_617 = arith.select %eq3A_12, %add3A_610, %get3A_566 : vector<16xi1>, vector<16xf32>
      %swap3A_618 = arith.constant 1 : i32
      %swap3A_619 = arith.index_cast %scan3A_554 : i32 to index
      %swap3A_620 = arith.index_cast %swap3A_618 : i32 to index
      %swap3A_621 = arith.constant 128 : index
      %swap3A_622 = tpu.vector_load %arg7[%swap3A_619, %swap3A_620, %swap3A_621] {strides = array<i32>} : memref<16x4x512xf32, #tpu.memory_space<vmem>>, vector<1x1x16xf32>,
      %swap3A_623 = vector.shape_cast %swap3A_622 : vector<1x1x16xf32> to vector<16xf32>
      %swap3A_624 = vector.shape_cast %select_n3A_617 : vector<16xf32> to vector<1x1x16xf32>
      tpu.vector_store %arg7[%swap3A_619, %swap3A_620, %swap3A_621], %swap3A_624 {strides = array<i32>} : memref<16x4x512xf32, #tpu.memory_space<vmem>>, vector<1x1x16xf32>,
      %select_n3A_625 = arith.select %eq3A_12, %sub3A, %get3A_572 : vector<16xi1>, vector<16xf32>
      %swap3A_626 = arith.constant 2 : i32
      %swap3A_627 = arith.index_cast %scan3A_554 : i32 to index
      %swap3A_628 = arith.index_cast %swap3A_626 : i32 to index
      %swap3A_629 = arith.constant 128 : index
      %swap3A_630 = tpu.vector_load %arg7[%swap3A_627, %swap3A_628, %swap3A_629] {strides = array<i32>} : memref<16x4x512xf32, #tpu.memory_space<vmem>>, vector<1x1x16xf32>,
      %swap3A_631 = vector.shape_cast %swap3A_630 : vector<1x1x16xf32> to vector<16xf32>
      %swap3A_632 = vector.shape_cast %select_n3A_625 : vector<16xf32> to vector<1x1x16xf32>
      tpu.vector_store %arg7[%swap3A_627, %swap3A_628, %swap3A_629], %swap3A_632 {strides = array<i32>} : memref<16x4x512xf32, #tpu.memory_space<vmem>>, vector<1x1x16xf32>,
      %select_n3A_633 = arith.select %eq3A_12, %sub3A_594, %get3A_578 : vector<16xi1>, vector<16xf32>
      %swap3A_634 = arith.constant 3 : i32
      %swap3A_635 = arith.index_cast %scan3A_554 : i32 to index
      %swap3A_636 = arith.index_cast %swap3A_634 : i32 to index
      %swap3A_637 = arith.constant 128 : index
      %swap3A_638 = tpu.vector_load %arg7[%swap3A_635, %swap3A_636, %swap3A_637] {strides = array<i32>} : memref<16x4x512xf32, #tpu.memory_space<vmem>>, vector<1x1x16xf32>,
      %swap3A_639 = vector.shape_cast %swap3A_638 : vector<1x1x16xf32> to vector<16xf32>
      %swap3A_640 = vector.shape_cast %select_n3A_633 : vector<16xf32> to vector<1x1x16xf32>
      tpu.vector_store %arg7[%swap3A_635, %swap3A_636, %swap3A_637], %swap3A_640 {strides = array<i32>} : memref<16x4x512xf32, #tpu.memory_space<vmem>>, vector<1x1x16xf32>,
    }
    %scan3A_99 = arith.constant 16 : i32
    %add3A_100 = arith.constant 32 : i32
    %add3A_101 = arith.addi %mul3A_2, %add3A_100 : i32
    %dma_start3A_102 = arith.constant 0 : i32
    %dma_start3A_103 = arith.constant 0 : i32
    %dma_start3A_104 = tpu.memref_slice %arg4[%add3A_101, %dma_start3A_102, %dma_start3A_103] : memref<8192x4x512xf32, #tpu.memory_space<hbm>> -> memref<16x4x512xf32, #tpu.memory_space<hbm>>
    %dma_start3A_105 = arith.constant 0 : i32
    %dma_start3A_106 = arith.constant 0 : i32
    %dma_start3A_107 = tpu.memref_slice %arg4[%add3A_101, %dma_start3A_105, %dma_start3A_106] : memref<8192x4x512xf32, #tpu.memory_space<hbm>> -> memref<16x4x512xf32, #tpu.memory_space<hbm>>
    tpu.enqueue_dma source(%arg7 : memref<16x4x512xf32, #tpu.memory_space<vmem>>) target(%dma_start3A_107 : memref<16x4x512xf32, #tpu.memory_space<hbm>>) target_semaphore(%arg14 : memref<!tpu.dma_semaphore, #tpu.memory_space<semaphore_mem>>)
    %dma_wait3A_108 = arith.constant 0 : i32
    %dma_wait3A_109 = arith.constant 0 : i32
    %dma_wait3A_110 = tpu.memref_slice %arg4[%add3A_67, %dma_wait3A_108, %dma_wait3A_109] : memref<8192x4x512xf32, #tpu.memory_space<hbm>> -> memref<16x4x512xf32, #tpu.memory_space<hbm>>
    %dma_wait3A_111 = arith.constant 0 : i32
    %dma_wait3A_112 = arith.constant 0 : i32
    %dma_wait3A_113 = tpu.memref_slice %arg4[%add3A_67, %dma_wait3A_111, %dma_wait3A_112] : memref<8192x4x512xf32, #tpu.memory_space<hbm>> -> memref<16x4x512xf32, #tpu.memory_space<hbm>>
    tpu.wait_dma2 semaphore(%arg13 : memref<!tpu.dma_semaphore, #tpu.memory_space<semaphore_mem>>) src(%arg6 : memref<16x4x512xf32, #tpu.memory_space<vmem>>) dst(%dma_wait3A_113 : memref<16x4x512xf32, #tpu.memory_space<hbm>>)
    %add3A_114 = arith.constant 64 : i32
    %add3A_115 = arith.addi %mul3A_2, %add3A_114 : i32
    %dma_start3A_116 = arith.constant 0 : i32
    %dma_start3A_117 = arith.constant 0 : i32
    %dma_start3A_118 = tpu.memref_slice %arg2[%add3A_115, %dma_start3A_116, %dma_start3A_117] : memref<8192x4x512xf32, #tpu.memory_space<hbm>> -> memref<16x4x512xf32, #tpu.memory_space<hbm>>
    %dma_start3A_119 = arith.constant 0 : i32
    %dma_start3A_120 = arith.constant 0 : i32
    %dma_start3A_121 = tpu.memref_slice %arg2[%add3A_115, %dma_start3A_119, %dma_start3A_120] : memref<8192x4x512xf32, #tpu.memory_space<hbm>> -> memref<16x4x512xf32, #tpu.memory_space<hbm>>
    tpu.enqueue_dma source(%dma_start3A_121 : memref<16x4x512xf32, #tpu.memory_space<hbm>>) target(%arg6 : memref<16x4x512xf32, #tpu.memory_space<vmem>>) target_semaphore(%arg10 : memref<!tpu.dma_semaphore, #tpu.memory_space<semaphore_mem>>)
    %dma_wait3A_122 = arith.constant 0 : i32
    %dma_wait3A_123 = arith.constant 0 : i32
    %dma_wait3A_124 = tpu.memref_slice %arg2[%add3A_81, %dma_wait3A_122, %dma_wait3A_123] : memref<8192x4x512xf32, #tpu.memory_space<hbm>> -> memref<16x4x512xf32, #tpu.memory_space<hbm>>
    %dma_wait3A_125 = arith.constant 0 : i32
    %dma_wait3A_126 = arith.constant 0 : i32
    %dma_wait3A_127 = tpu.memref_slice %arg2[%add3A_81, %dma_wait3A_125, %dma_wait3A_126] : memref<8192x4x512xf32, #tpu.memory_space<hbm>> -> memref<16x4x512xf32, #tpu.memory_space<hbm>>
    tpu.wait_dma2 semaphore(%arg9 : memref<!tpu.dma_semaphore, #tpu.memory_space<semaphore_mem>>) src(%dma_wait3A_127 : memref<16x4x512xf32, #tpu.memory_space<hbm>>) dst(%arg5 : memref<16x4x512xf32, #tpu.memory_space<vmem>>)
    %scan3A_128 = arith.constant 0 : i32
    %scan3A_129 = arith.constant 0 : i32
    %scan3A_130 = arith.constant 16 : i32
    %scan3A_131 = arith.addi %scan3A_129, %scan3A_130 : i32
    %scan3A_132 = arith.constant 1 : i32
    scf.for %scan3A_554 = %scan3A_129 to %scan3A_131 step %scan3A_132  : i32 {
      %get3A_555 = arith.constant 0 : i32
      %get3A_556 = arith.index_cast %scan3A_554 : i32 to index
      %get3A_557 = arith.index_cast %get3A_555 : i32 to index
      %get3A_558 = arith.constant 128 : index
      %get3A_559 = tpu.vector_load %arg5[%get3A_556, %get3A_557, %get3A_558] {strides = array<i32>} : memref<16x4x512xf32, #tpu.memory_space<vmem>>, vector<1x1x16xf32>,
      %get3A_560 = vector.shape_cast %get3A_559 : vector<1x1x16xf32> to vector<16xf32>
      %get3A_561 = arith.constant 1 : i32
      %get3A_562 = arith.index_cast %scan3A_554 : i32 to index
      %get3A_563 = arith.index_cast %get3A_561 : i32 to index
      %get3A_564 = arith.constant 128 : index
      %get3A_565 = tpu.vector_load %arg5[%get3A_562, %get3A_563, %get3A_564] {strides = array<i32>} : memref<16x4x512xf32, #tpu.memory_space<vmem>>, vector<1x1x16xf32>,
      %get3A_566 = vector.shape_cast %get3A_565 : vector<1x1x16xf32> to vector<16xf32>
      %get3A_567 = arith.constant 2 : i32
      %get3A_568 = arith.index_cast %scan3A_554 : i32 to index
      %get3A_569 = arith.index_cast %get3A_567 : i32 to index
      %get3A_570 = arith.constant 128 : index
      %get3A_571 = tpu.vector_load %arg5[%get3A_568, %get3A_569, %get3A_570] {strides = array<i32>} : memref<16x4x512xf32, #tpu.memory_space<vmem>>, vector<1x1x16xf32>,
      %get3A_572 = vector.shape_cast %get3A_571 : vector<1x1x16xf32> to vector<16xf32>
      %get3A_573 = arith.constant 3 : i32
      %get3A_574 = arith.index_cast %scan3A_554 : i32 to index
      %get3A_575 = arith.index_cast %get3A_573 : i32 to index
      %get3A_576 = arith.constant 128 : index
      %get3A_577 = tpu.vector_load %arg5[%get3A_574, %get3A_575, %get3A_576] {strides = array<i32>} : memref<16x4x512xf32, #tpu.memory_space<vmem>>, vector<1x1x16xf32>,
      %get3A_578 = vector.shape_cast %get3A_577 : vector<1x1x16xf32> to vector<16xf32>
      %mul3A_579 = vector.broadcast %squeeze3A : f32 to vector<16xf32>
      %mul3A_580 = arith.mulf %get3A_572, %mul3A_579 : vector<16xf32>
      %mul3A_581 = vector.broadcast %squeeze3A_6 : f32 to vector<16xf32>
      %mul3A_582 = arith.mulf %get3A_578, %mul3A_581 : vector<16xf32>
      %add3A_583 = arith.addf %mul3A_580, %mul3A_582 : vector<16xf32>
      %mul3A_584 = arith.constant 2.000000e+00 : f32
      %mul3A_585 = vector.broadcast %mul3A_584 : f32 to vector<16xf32>
      %mul3A_586 = arith.mulf %mul3A_585, %add3A_583 : vector<16xf32>
      %mul3A_587 = vector.broadcast %squeeze3A : f32 to vector<16xf32>
      %mul3A_588 = arith.mulf %mul3A_586, %mul3A_587 : vector<16xf32>
      %sub3A = arith.subf %get3A_572, %mul3A_588 : vector<16xf32>
      %mul3A_589 = arith.constant 2.000000e+00 : f32
      %mul3A_590 = vector.broadcast %mul3A_589 : f32 to vector<16xf32>
      %mul3A_591 = arith.mulf %mul3A_590, %add3A_583 : vector<16xf32>
      %mul3A_592 = vector.broadcast %squeeze3A_6 : f32 to vector<16xf32>
      %mul3A_593 = arith.mulf %mul3A_591, %mul3A_592 : vector<16xf32>
      %sub3A_594 = arith.subf %get3A_578, %mul3A_593 : vector<16xf32>
      %mul3A_595 = vector.broadcast %squeeze3A : f32 to vector<16xf32>
      %mul3A_596 = arith.mulf %get3A_560, %mul3A_595 : vector<16xf32>
      %mul3A_597 = vector.broadcast %squeeze3A_6 : f32 to vector<16xf32>
      %mul3A_598 = arith.mulf %get3A_566, %mul3A_597 : vector<16xf32>
      %add3A_599 = arith.addf %mul3A_596, %mul3A_598 : vector<16xf32>
      %add3A_600 = arith.addf %squeeze3A_8, %squeeze3A_10 : f32
      %sub3A_601 = vector.broadcast %add3A_600 : f32 to vector<16xf32>
      %sub3A_602 = arith.subf %sub3A_601, %add3A_599 : vector<16xf32>
      %max3A = arith.constant 0.000000e+00 : f32
      %max3A_603 = vector.broadcast %max3A : f32 to vector<16xf32>
      %max3A_604 = arith.maximumf %sub3A_602, %max3A_603 : vector<16xf32>
      %mul3A_605 = vector.broadcast %squeeze3A : f32 to vector<16xf32>
      %mul3A_606 = arith.mulf %max3A_604, %mul3A_605 : vector<16xf32>
      %add3A_607 = arith.addf %get3A_560, %mul3A_606 : vector<16xf32>
      %mul3A_608 = vector.broadcast %squeeze3A_6 : f32 to vector<16xf32>
      %mul3A_609 = arith.mulf %max3A_604, %mul3A_608 : vector<16xf32>
      %add3A_610 = arith.addf %get3A_566, %mul3A_609 : vector<16xf32>
      %select_n3A = arith.select %eq3A_12, %add3A_607, %get3A_560 : vector<16xi1>, vector<16xf32>
      %swap3A = arith.constant 0 : i32
      %swap3A_611 = arith.index_cast %scan3A_554 : i32 to index
      %swap3A_612 = arith.index_cast %swap3A : i32 to index
      %swap3A_613 = arith.constant 128 : index
      %swap3A_614 = tpu.vector_load %arg5[%swap3A_611, %swap3A_612, %swap3A_613] {strides = array<i32>} : memref<16x4x512xf32, #tpu.memory_space<vmem>>, vector<1x1x16xf32>,
      %swap3A_615 = vector.shape_cast %swap3A_614 : vector<1x1x16xf32> to vector<16xf32>
      %swap3A_616 = vector.shape_cast %select_n3A : vector<16xf32> to vector<1x1x16xf32>
      tpu.vector_store %arg5[%swap3A_611, %swap3A_612, %swap3A_613], %swap3A_616 {strides = array<i32>} : memref<16x4x512xf32, #tpu.memory_space<vmem>>, vector<1x1x16xf32>,
      %select_n3A_617 = arith.select %eq3A_12, %add3A_610, %get3A_566 : vector<16xi1>, vector<16xf32>
      %swap3A_618 = arith.constant 1 : i32
      %swap3A_619 = arith.index_cast %scan3A_554 : i32 to index
      %swap3A_620 = arith.index_cast %swap3A_618 : i32 to index
      %swap3A_621 = arith.constant 128 : index
      %swap3A_622 = tpu.vector_load %arg5[%swap3A_619, %swap3A_620, %swap3A_621] {strides = array<i32>} : memref<16x4x512xf32, #tpu.memory_space<vmem>>, vector<1x1x16xf32>,
      %swap3A_623 = vector.shape_cast %swap3A_622 : vector<1x1x16xf32> to vector<16xf32>
      %swap3A_624 = vector.shape_cast %select_n3A_617 : vector<16xf32> to vector<1x1x16xf32>
      tpu.vector_store %arg5[%swap3A_619, %swap3A_620, %swap3A_621], %swap3A_624 {strides = array<i32>} : memref<16x4x512xf32, #tpu.memory_space<vmem>>, vector<1x1x16xf32>,
      %select_n3A_625 = arith.select %eq3A_12, %sub3A, %get3A_572 : vector<16xi1>, vector<16xf32>
      %swap3A_626 = arith.constant 2 : i32
      %swap3A_627 = arith.index_cast %scan3A_554 : i32 to index
      %swap3A_628 = arith.index_cast %swap3A_626 : i32 to index
      %swap3A_629 = arith.constant 128 : index
      %swap3A_630 = tpu.vector_load %arg5[%swap3A_627, %swap3A_628, %swap3A_629] {strides = array<i32>} : memref<16x4x512xf32, #tpu.memory_space<vmem>>, vector<1x1x16xf32>,
      %swap3A_631 = vector.shape_cast %swap3A_630 : vector<1x1x16xf32> to vector<16xf32>
      %swap3A_632 = vector.shape_cast %select_n3A_625 : vector<16xf32> to vector<1x1x16xf32>
      tpu.vector_store %arg5[%swap3A_627, %swap3A_628, %swap3A_629], %swap3A_632 {strides = array<i32>} : memref<16x4x512xf32, #tpu.memory_space<vmem>>, vector<1x1x16xf32>,
      %select_n3A_633 = arith.select %eq3A_12, %sub3A_594, %get3A_578 : vector<16xi1>, vector<16xf32>
      %swap3A_634 = arith.constant 3 : i32
      %swap3A_635 = arith.index_cast %scan3A_554 : i32 to index
      %swap3A_636 = arith.index_cast %swap3A_634 : i32 to index
      %swap3A_637 = arith.constant 128 : index
      %swap3A_638 = tpu.vector_load %arg5[%swap3A_635, %swap3A_636, %swap3A_637] {strides = array<i32>} : memref<16x4x512xf32, #tpu.memory_space<vmem>>, vector<1x1x16xf32>,
      %swap3A_639 = vector.shape_cast %swap3A_638 : vector<1x1x16xf32> to vector<16xf32>
      %swap3A_640 = vector.shape_cast %select_n3A_633 : vector<16xf32> to vector<1x1x16xf32>
      tpu.vector_store %arg5[%swap3A_635, %swap3A_636, %swap3A_637], %swap3A_640 {strides = array<i32>} : memref<16x4x512xf32, #tpu.memory_space<vmem>>, vector<1x1x16xf32>,
    }
    %scan3A_133 = arith.constant 16 : i32
    %add3A_134 = arith.constant 48 : i32
    %add3A_135 = arith.addi %mul3A_2, %add3A_134 : i32
    %dma_start3A_136 = arith.constant 0 : i32
    %dma_start3A_137 = arith.constant 0 : i32
    %dma_start3A_138 = tpu.memref_slice %arg4[%add3A_135, %dma_start3A_136, %dma_start3A_137] : memref<8192x4x512xf32, #tpu.memory_space<hbm>> -> memref<16x4x512xf32, #tpu.memory_space<hbm>>
    %dma_start3A_139 = arith.constant 0 : i32
    %dma_start3A_140 = arith.constant 0 : i32
    %dma_start3A_141 = tpu.memref_slice %arg4[%add3A_135, %dma_start3A_139, %dma_start3A_140] : memref<8192x4x512xf32, #tpu.memory_space<hbm>> -> memref<16x4x512xf32, #tpu.memory_space<hbm>>
    tpu.enqueue_dma source(%arg5 : memref<16x4x512xf32, #tpu.memory_space<vmem>>) target(%dma_start3A_141 : memref<16x4x512xf32, #tpu.memory_space<hbm>>) target_semaphore(%arg12 : memref<!tpu.dma_semaphore, #tpu.memory_space<semaphore_mem>>)
    %dma_wait3A_142 = arith.constant 0 : i32
    %dma_wait3A_143 = arith.constant 0 : i32
    %dma_wait3A_144 = tpu.memref_slice %arg4[%add3A_101, %dma_wait3A_142, %dma_wait3A_143] : memref<8192x4x512xf32, #tpu.memory_space<hbm>> -> memref<16x4x512xf32, #tpu.memory_space<hbm>>
    %dma_wait3A_145 = arith.constant 0 : i32
    %dma_wait3A_146 = arith.constant 0 : i32
    %dma_wait3A_147 = tpu.memref_slice %arg4[%add3A_101, %dma_wait3A_145, %dma_wait3A_146] : memref<8192x4x512xf32, #tpu.memory_space<hbm>> -> memref<16x4x512xf32, #tpu.memory_space<hbm>>
    tpu.wait_dma2 semaphore(%arg14 : memref<!tpu.dma_semaphore, #tpu.memory_space<semaphore_mem>>) src(%arg7 : memref<16x4x512xf32, #tpu.memory_space<vmem>>) dst(%dma_wait3A_147 : memref<16x4x512xf32, #tpu.memory_space<hbm>>)
    %add3A_148 = arith.constant 80 : i32
    %add3A_149 = arith.addi %mul3A_2, %add3A_148 : i32
    %dma_start3A_150 = arith.constant 0 : i32
    %dma_start3A_151 = arith.constant 0 : i32
    %dma_start3A_152 = tpu.memref_slice %arg2[%add3A_149, %dma_start3A_150, %dma_start3A_151] : memref<8192x4x512xf32, #tpu.memory_space<hbm>> -> memref<16x4x512xf32, #tpu.memory_space<hbm>>
    %dma_start3A_153 = arith.constant 0 : i32
    %dma_start3A_154 = arith.constant 0 : i32
    %dma_start3A_155 = tpu.memref_slice %arg2[%add3A_149, %dma_start3A_153, %dma_start3A_154] : memref<8192x4x512xf32, #tpu.memory_space<hbm>> -> memref<16x4x512xf32, #tpu.memory_space<hbm>>
    tpu.enqueue_dma source(%dma_start3A_155 : memref<16x4x512xf32, #tpu.memory_space<hbm>>) target(%arg7 : memref<16x4x512xf32, #tpu.memory_space<vmem>>) target_semaphore(%arg11 : memref<!tpu.dma_semaphore, #tpu.memory_space<semaphore_mem>>)
    %dma_wait3A_156 = arith.constant 0 : i32
    %dma_wait3A_157 = arith.constant 0 : i32
    %dma_wait3A_158 = tpu.memref_slice %arg2[%add3A_115, %dma_wait3A_156, %dma_wait3A_157] : memref<8192x4x512xf32, #tpu.memory_space<hbm>> -> memref<16x4x512xf32, #tpu.memory_space<hbm>>
    %dma_wait3A_159 = arith.constant 0 : i32
    %dma_wait3A_160 = arith.constant 0 : i32
    %dma_wait3A_161 = tpu.memref_slice %arg2[%add3A_115, %dma_wait3A_159, %dma_wait3A_160] : memref<8192x4x512xf32, #tpu.memory_space<hbm>> -> memref<16x4x512xf32, #tpu.memory_space<hbm>>
    tpu.wait_dma2 semaphore(%arg10 : memref<!tpu.dma_semaphore, #tpu.memory_space<semaphore_mem>>) src(%dma_wait3A_161 : memref<16x4x512xf32, #tpu.memory_space<hbm>>) dst(%arg6 : memref<16x4x512xf32, #tpu.memory_space<vmem>>)
    %scan3A_162 = arith.constant 0 : i32
    %scan3A_163 = arith.constant 0 : i32
    %scan3A_164 = arith.constant 16 : i32
    %scan3A_165 = arith.addi %scan3A_163, %scan3A_164 : i32
    %scan3A_166 = arith.constant 1 : i32
    scf.for %scan3A_554 = %scan3A_163 to %scan3A_165 step %scan3A_166  : i32 {
      %get3A_555 = arith.constant 0 : i32
      %get3A_556 = arith.index_cast %scan3A_554 : i32 to index
      %get3A_557 = arith.index_cast %get3A_555 : i32 to index
      %get3A_558 = arith.constant 128 : index
      %get3A_559 = tpu.vector_load %arg6[%get3A_556, %get3A_557, %get3A_558] {strides = array<i32>} : memref<16x4x512xf32, #tpu.memory_space<vmem>>, vector<1x1x16xf32>,
      %get3A_560 = vector.shape_cast %get3A_559 : vector<1x1x16xf32> to vector<16xf32>
      %get3A_561 = arith.constant 1 : i32
      %get3A_562 = arith.index_cast %scan3A_554 : i32 to index
      %get3A_563 = arith.index_cast %get3A_561 : i32 to index
      %get3A_564 = arith.constant 128 : index
      %get3A_565 = tpu.vector_load %arg6[%get3A_562, %get3A_563, %get3A_564] {strides = array<i32>} : memref<16x4x512xf32, #tpu.memory_space<vmem>>, vector<1x1x16xf32>,
      %get3A_566 = vector.shape_cast %get3A_565 : vector<1x1x16xf32> to vector<16xf32>
      %get3A_567 = arith.constant 2 : i32
      %get3A_568 = arith.index_cast %scan3A_554 : i32 to index
      %get3A_569 = arith.index_cast %get3A_567 : i32 to index
      %get3A_570 = arith.constant 128 : index
      %get3A_571 = tpu.vector_load %arg6[%get3A_568, %get3A_569, %get3A_570] {strides = array<i32>} : memref<16x4x512xf32, #tpu.memory_space<vmem>>, vector<1x1x16xf32>,
      %get3A_572 = vector.shape_cast %get3A_571 : vector<1x1x16xf32> to vector<16xf32>
      %get3A_573 = arith.constant 3 : i32
      %get3A_574 = arith.index_cast %scan3A_554 : i32 to index
      %get3A_575 = arith.index_cast %get3A_573 : i32 to index
      %get3A_576 = arith.constant 128 : index
      %get3A_577 = tpu.vector_load %arg6[%get3A_574, %get3A_575, %get3A_576] {strides = array<i32>} : memref<16x4x512xf32, #tpu.memory_space<vmem>>, vector<1x1x16xf32>,
      %get3A_578 = vector.shape_cast %get3A_577 : vector<1x1x16xf32> to vector<16xf32>
      %mul3A_579 = vector.broadcast %squeeze3A : f32 to vector<16xf32>
      %mul3A_580 = arith.mulf %get3A_572, %mul3A_579 : vector<16xf32>
      %mul3A_581 = vector.broadcast %squeeze3A_6 : f32 to vector<16xf32>
      %mul3A_582 = arith.mulf %get3A_578, %mul3A_581 : vector<16xf32>
      %add3A_583 = arith.addf %mul3A_580, %mul3A_582 : vector<16xf32>
      %mul3A_584 = arith.constant 2.000000e+00 : f32
      %mul3A_585 = vector.broadcast %mul3A_584 : f32 to vector<16xf32>
      %mul3A_586 = arith.mulf %mul3A_585, %add3A_583 : vector<16xf32>
      %mul3A_587 = vector.broadcast %squeeze3A : f32 to vector<16xf32>
      %mul3A_588 = arith.mulf %mul3A_586, %mul3A_587 : vector<16xf32>
      %sub3A = arith.subf %get3A_572, %mul3A_588 : vector<16xf32>
      %mul3A_589 = arith.constant 2.000000e+00 : f32
      %mul3A_590 = vector.broadcast %mul3A_589 : f32 to vector<16xf32>
      %mul3A_591 = arith.mulf %mul3A_590, %add3A_583 : vector<16xf32>
      %mul3A_592 = vector.broadcast %squeeze3A_6 : f32 to vector<16xf32>
      %mul3A_593 = arith.mulf %mul3A_591, %mul3A_592 : vector<16xf32>
      %sub3A_594 = arith.subf %get3A_578, %mul3A_593 : vector<16xf32>
      %mul3A_595 = vector.broadcast %squeeze3A : f32 to vector<16xf32>
      %mul3A_596 = arith.mulf %get3A_560, %mul3A_595 : vector<16xf32>
      %mul3A_597 = vector.broadcast %squeeze3A_6 : f32 to vector<16xf32>
      %mul3A_598 = arith.mulf %get3A_566, %mul3A_597 : vector<16xf32>
      %add3A_599 = arith.addf %mul3A_596, %mul3A_598 : vector<16xf32>
      %add3A_600 = arith.addf %squeeze3A_8, %squeeze3A_10 : f32
      %sub3A_601 = vector.broadcast %add3A_600 : f32 to vector<16xf32>
      %sub3A_602 = arith.subf %sub3A_601, %add3A_599 : vector<16xf32>
      %max3A = arith.constant 0.000000e+00 : f32
      %max3A_603 = vector.broadcast %max3A : f32 to vector<16xf32>
      %max3A_604 = arith.maximumf %sub3A_602, %max3A_603 : vector<16xf32>
      %mul3A_605 = vector.broadcast %squeeze3A : f32 to vector<16xf32>
      %mul3A_606 = arith.mulf %max3A_604, %mul3A_605 : vector<16xf32>
      %add3A_607 = arith.addf %get3A_560, %mul3A_606 : vector<16xf32>
      %mul3A_608 = vector.broadcast %squeeze3A_6 : f32 to vector<16xf32>
      %mul3A_609 = arith.mulf %max3A_604, %mul3A_608 : vector<16xf32>
      %add3A_610 = arith.addf %get3A_566, %mul3A_609 : vector<16xf32>
      %select_n3A = arith.select %eq3A_12, %add3A_607, %get3A_560 : vector<16xi1>, vector<16xf32>
      %swap3A = arith.constant 0 : i32
      %swap3A_611 = arith.index_cast %scan3A_554 : i32 to index
      %swap3A_612 = arith.index_cast %swap3A : i32 to index
      %swap3A_613 = arith.constant 128 : index
      %swap3A_614 = tpu.vector_load %arg6[%swap3A_611, %swap3A_612, %swap3A_613] {strides = array<i32>} : memref<16x4x512xf32, #tpu.memory_space<vmem>>, vector<1x1x16xf32>,
      %swap3A_615 = vector.shape_cast %swap3A_614 : vector<1x1x16xf32> to vector<16xf32>
      %swap3A_616 = vector.shape_cast %select_n3A : vector<16xf32> to vector<1x1x16xf32>
      tpu.vector_store %arg6[%swap3A_611, %swap3A_612, %swap3A_613], %swap3A_616 {strides = array<i32>} : memref<16x4x512xf32, #tpu.memory_space<vmem>>, vector<1x1x16xf32>,
      %select_n3A_617 = arith.select %eq3A_12, %add3A_610, %get3A_566 : vector<16xi1>, vector<16xf32>
      %swap3A_618 = arith.constant 1 : i32
      %swap3A_619 = arith.index_cast %scan3A_554 : i32 to index
      %swap3A_620 = arith.index_cast %swap3A_618 : i32 to index
      %swap3A_621 = arith.constant 128 : index
      %swap3A_622 = tpu.vector_load %arg6[%swap3A_619, %swap3A_620, %swap3A_621] {strides = array<i32>} : memref<16x4x512xf32, #tpu.memory_space<vmem>>, vector<1x1x16xf32>,
      %swap3A_623 = vector.shape_cast %swap3A_622 : vector<1x1x16xf32> to vector<16xf32>
      %swap3A_624 = vector.shape_cast %select_n3A_617 : vector<16xf32> to vector<1x1x16xf32>
      tpu.vector_store %arg6[%swap3A_619, %swap3A_620, %swap3A_621], %swap3A_624 {strides = array<i32>} : memref<16x4x512xf32, #tpu.memory_space<vmem>>, vector<1x1x16xf32>,
      %select_n3A_625 = arith.select %eq3A_12, %sub3A, %get3A_572 : vector<16xi1>, vector<16xf32>
      %swap3A_626 = arith.constant 2 : i32
      %swap3A_627 = arith.index_cast %scan3A_554 : i32 to index
      %swap3A_628 = arith.index_cast %swap3A_626 : i32 to index
      %swap3A_629 = arith.constant 128 : index
      %swap3A_630 = tpu.vector_load %arg6[%swap3A_627, %swap3A_628, %swap3A_629] {strides = array<i32>} : memref<16x4x512xf32, #tpu.memory_space<vmem>>, vector<1x1x16xf32>,
      %swap3A_631 = vector.shape_cast %swap3A_630 : vector<1x1x16xf32> to vector<16xf32>
      %swap3A_632 = vector.shape_cast %select_n3A_625 : vector<16xf32> to vector<1x1x16xf32>
      tpu.vector_store %arg6[%swap3A_627, %swap3A_628, %swap3A_629], %swap3A_632 {strides = array<i32>} : memref<16x4x512xf32, #tpu.memory_space<vmem>>, vector<1x1x16xf32>,
      %select_n3A_633 = arith.select %eq3A_12, %sub3A_594, %get3A_578 : vector<16xi1>, vector<16xf32>
      %swap3A_634 = arith.constant 3 : i32
      %swap3A_635 = arith.index_cast %scan3A_554 : i32 to index
      %swap3A_636 = arith.index_cast %swap3A_634 : i32 to index
      %swap3A_637 = arith.constant 128 : index
      %swap3A_638 = tpu.vector_load %arg6[%swap3A_635, %swap3A_636, %swap3A_637] {strides = array<i32>} : memref<16x4x512xf32, #tpu.memory_space<vmem>>, vector<1x1x16xf32>,
      %swap3A_639 = vector.shape_cast %swap3A_638 : vector<1x1x16xf32> to vector<16xf32>
      %swap3A_640 = vector.shape_cast %select_n3A_633 : vector<16xf32> to vector<1x1x16xf32>
      tpu.vector_store %arg6[%swap3A_635, %swap3A_636, %swap3A_637], %swap3A_640 {strides = array<i32>} : memref<16x4x512xf32, #tpu.memory_space<vmem>>, vector<1x1x16xf32>,
    }
    %scan3A_167 = arith.constant 16 : i32
    %add3A_168 = arith.constant 64 : i32
    %add3A_169 = arith.addi %mul3A_2, %add3A_168 : i32
    %dma_start3A_170 = arith.constant 0 : i32
    %dma_start3A_171 = arith.constant 0 : i32
    %dma_start3A_172 = tpu.memref_slice %arg4[%add3A_169, %dma_start3A_170, %dma_start3A_171] : memref<8192x4x512xf32, #tpu.memory_space<hbm>> -> memref<16x4x512xf32, #tpu.memory_space<hbm>>
    %dma_start3A_173 = arith.constant 0 : i32
    %dma_start3A_174 = arith.constant 0 : i32
    %dma_start3A_175 = tpu.memref_slice %arg4[%add3A_169, %dma_start3A_173, %dma_start3A_174] : memref<8192x4x512xf32, #tpu.memory_space<hbm>> -> memref<16x4x512xf32, #tpu.memory_space<hbm>>
    tpu.enqueue_dma source(%arg6 : memref<16x4x512xf32, #tpu.memory_space<vmem>>) target(%dma_start3A_175 : memref<16x4x512xf32, #tpu.memory_space<hbm>>) target_semaphore(%arg13 : memref<!tpu.dma_semaphore, #tpu.memory_space<semaphore_mem>>)
    %dma_wait3A_176 = arith.constant 0 : i32
    %dma_wait3A_177 = arith.constant 0 : i32
    %dma_wait3A_178 = tpu.memref_slice %arg4[%add3A_135, %dma_wait3A_176, %dma_wait3A_177] : memref<8192x4x512xf32, #tpu.memory_space<hbm>> -> memref<16x4x512xf32, #tpu.memory_space<hbm>>
    %dma_wait3A_179 = arith.constant 0 : i32
    %dma_wait3A_180 = arith.constant 0 : i32
    %dma_wait3A_181 = tpu.memref_slice %arg4[%add3A_135, %dma_wait3A_179, %dma_wait3A_180] : memref<8192x4x512xf32, #tpu.memory_space<hbm>> -> memref<16x4x512xf32, #tpu.memory_space<hbm>>
    tpu.wait_dma2 semaphore(%arg12 : memref<!tpu.dma_semaphore, #tpu.memory_space<semaphore_mem>>) src(%arg5 : memref<16x4x512xf32, #tpu.memory_space<vmem>>) dst(%dma_wait3A_181 : memref<16x4x512xf32, #tpu.memory_space<hbm>>)
    %add3A_182 = arith.constant 96 : i32
    %add3A_183 = arith.addi %mul3A_2, %add3A_182 : i32
    %dma_start3A_184 = arith.constant 0 : i32
    %dma_start3A_185 = arith.constant 0 : i32
    %dma_start3A_186 = tpu.memref_slice %arg2[%add3A_183, %dma_start3A_184, %dma_start3A_185] : memref<8192x4x512xf32, #tpu.memory_space<hbm>> -> memref<16x4x512xf32, #tpu.memory_space<hbm>>
    %dma_start3A_187 = arith.constant 0 : i32
    %dma_start3A_188 = arith.constant 0 : i32
    %dma_start3A_189 = tpu.memref_slice %arg2[%add3A_183, %dma_start3A_187, %dma_start3A_188] : memref<8192x4x512xf32, #tpu.memory_space<hbm>> -> memref<16x4x512xf32, #tpu.memory_space<hbm>>
    tpu.enqueue_dma source(%dma_start3A_189 : memref<16x4x512xf32, #tpu.memory_space<hbm>>) target(%arg5 : memref<16x4x512xf32, #tpu.memory_space<vmem>>) target_semaphore(%arg9 : memref<!tpu.dma_semaphore, #tpu.memory_space<semaphore_mem>>)
    %dma_wait3A_190 = arith.constant 0 : i32
    %dma_wait3A_191 = arith.constant 0 : i32
    %dma_wait3A_192 = tpu.memref_slice %arg2[%add3A_149, %dma_wait3A_190, %dma_wait3A_191] : memref<8192x4x512xf32, #tpu.memory_space<hbm>> -> memref<16x4x512xf32, #tpu.memory_space<hbm>>
    %dma_wait3A_193 = arith.constant 0 : i32
    %dma_wait3A_194 = arith.constant 0 : i32
    %dma_wait3A_195 = tpu.memref_slice %arg2[%add3A_149, %dma_wait3A_193, %dma_wait3A_194] : memref<8192x4x512xf32, #tpu.memory_space<hbm>> -> memref<16x4x512xf32, #tpu.memory_space<hbm>>
    tpu.wait_dma2 semaphore(%arg11 : memref<!tpu.dma_semaphore, #tpu.memory_space<semaphore_mem>>) src(%dma_wait3A_195 : memref<16x4x512xf32, #tpu.memory_space<hbm>>) dst(%arg7 : memref<16x4x512xf32, #tpu.memory_space<vmem>>)
    %scan3A_196 = arith.constant 0 : i32
    %scan3A_197 = arith.constant 0 : i32
    %scan3A_198 = arith.constant 16 : i32
    %scan3A_199 = arith.addi %scan3A_197, %scan3A_198 : i32
    %scan3A_200 = arith.constant 1 : i32
    scf.for %scan3A_554 = %scan3A_197 to %scan3A_199 step %scan3A_200  : i32 {
      %get3A_555 = arith.constant 0 : i32
      %get3A_556 = arith.index_cast %scan3A_554 : i32 to index
      %get3A_557 = arith.index_cast %get3A_555 : i32 to index
      %get3A_558 = arith.constant 128 : index
      %get3A_559 = tpu.vector_load %arg7[%get3A_556, %get3A_557, %get3A_558] {strides = array<i32>} : memref<16x4x512xf32, #tpu.memory_space<vmem>>, vector<1x1x16xf32>,
      %get3A_560 = vector.shape_cast %get3A_559 : vector<1x1x16xf32> to vector<16xf32>
      %get3A_561 = arith.constant 1 : i32
      %get3A_562 = arith.index_cast %scan3A_554 : i32 to index
      %get3A_563 = arith.index_cast %get3A_561 : i32 to index
      %get3A_564 = arith.constant 128 : index
      %get3A_565 = tpu.vector_load %arg7[%get3A_562, %get3A_563, %get3A_564] {strides = array<i32>} : memref<16x4x512xf32, #tpu.memory_space<vmem>>, vector<1x1x16xf32>,
      %get3A_566 = vector.shape_cast %get3A_565 : vector<1x1x16xf32> to vector<16xf32>
      %get3A_567 = arith.constant 2 : i32
      %get3A_568 = arith.index_cast %scan3A_554 : i32 to index
      %get3A_569 = arith.index_cast %get3A_567 : i32 to index
      %get3A_570 = arith.constant 128 : index
      %get3A_571 = tpu.vector_load %arg7[%get3A_568, %get3A_569, %get3A_570] {strides = array<i32>} : memref<16x4x512xf32, #tpu.memory_space<vmem>>, vector<1x1x16xf32>,
      %get3A_572 = vector.shape_cast %get3A_571 : vector<1x1x16xf32> to vector<16xf32>
      %get3A_573 = arith.constant 3 : i32
      %get3A_574 = arith.index_cast %scan3A_554 : i32 to index
      %get3A_575 = arith.index_cast %get3A_573 : i32 to index
      %get3A_576 = arith.constant 128 : index
      %get3A_577 = tpu.vector_load %arg7[%get3A_574, %get3A_575, %get3A_576] {strides = array<i32>} : memref<16x4x512xf32, #tpu.memory_space<vmem>>, vector<1x1x16xf32>,
      %get3A_578 = vector.shape_cast %get3A_577 : vector<1x1x16xf32> to vector<16xf32>
      %mul3A_579 = vector.broadcast %squeeze3A : f32 to vector<16xf32>
      %mul3A_580 = arith.mulf %get3A_572, %mul3A_579 : vector<16xf32>
      %mul3A_581 = vector.broadcast %squeeze3A_6 : f32 to vector<16xf32>
      %mul3A_582 = arith.mulf %get3A_578, %mul3A_581 : vector<16xf32>
      %add3A_583 = arith.addf %mul3A_580, %mul3A_582 : vector<16xf32>
      %mul3A_584 = arith.constant 2.000000e+00 : f32
      %mul3A_585 = vector.broadcast %mul3A_584 : f32 to vector<16xf32>
      %mul3A_586 = arith.mulf %mul3A_585, %add3A_583 : vector<16xf32>
      %mul3A_587 = vector.broadcast %squeeze3A : f32 to vector<16xf32>
      %mul3A_588 = arith.mulf %mul3A_586, %mul3A_587 : vector<16xf32>
      %sub3A = arith.subf %get3A_572, %mul3A_588 : vector<16xf32>
      %mul3A_589 = arith.constant 2.000000e+00 : f32
      %mul3A_590 = vector.broadcast %mul3A_589 : f32 to vector<16xf32>
      %mul3A_591 = arith.mulf %mul3A_590, %add3A_583 : vector<16xf32>
      %mul3A_592 = vector.broadcast %squeeze3A_6 : f32 to vector<16xf32>
      %mul3A_593 = arith.mulf %mul3A_591, %mul3A_592 : vector<16xf32>
      %sub3A_594 = arith.subf %get3A_578, %mul3A_593 : vector<16xf32>
      %mul3A_595 = vector.broadcast %squeeze3A : f32 to vector<16xf32>
      %mul3A_596 = arith.mulf %get3A_560, %mul3A_595 : vector<16xf32>
      %mul3A_597 = vector.broadcast %squeeze3A_6 : f32 to vector<16xf32>
      %mul3A_598 = arith.mulf %get3A_566, %mul3A_597 : vector<16xf32>
      %add3A_599 = arith.addf %mul3A_596, %mul3A_598 : vector<16xf32>
      %add3A_600 = arith.addf %squeeze3A_8, %squeeze3A_10 : f32
      %sub3A_601 = vector.broadcast %add3A_600 : f32 to vector<16xf32>
      %sub3A_602 = arith.subf %sub3A_601, %add3A_599 : vector<16xf32>
      %max3A = arith.constant 0.000000e+00 : f32
      %max3A_603 = vector.broadcast %max3A : f32 to vector<16xf32>
      %max3A_604 = arith.maximumf %sub3A_602, %max3A_603 : vector<16xf32>
      %mul3A_605 = vector.broadcast %squeeze3A : f32 to vector<16xf32>
      %mul3A_606 = arith.mulf %max3A_604, %mul3A_605 : vector<16xf32>
      %add3A_607 = arith.addf %get3A_560, %mul3A_606 : vector<16xf32>
      %mul3A_608 = vector.broadcast %squeeze3A_6 : f32 to vector<16xf32>
      %mul3A_609 = arith.mulf %max3A_604, %mul3A_608 : vector<16xf32>
      %add3A_610 = arith.addf %get3A_566, %mul3A_609 : vector<16xf32>
      %select_n3A = arith.select %eq3A_12, %add3A_607, %get3A_560 : vector<16xi1>, vector<16xf32>
      %swap3A = arith.constant 0 : i32
      %swap3A_611 = arith.index_cast %scan3A_554 : i32 to index
      %swap3A_612 = arith.index_cast %swap3A : i32 to index
      %swap3A_613 = arith.constant 128 : index
      %swap3A_614 = tpu.vector_load %arg7[%swap3A_611, %swap3A_612, %swap3A_613] {strides = array<i32>} : memref<16x4x512xf32, #tpu.memory_space<vmem>>, vector<1x1x16xf32>,
      %swap3A_615 = vector.shape_cast %swap3A_614 : vector<1x1x16xf32> to vector<16xf32>
      %swap3A_616 = vector.shape_cast %select_n3A : vector<16xf32> to vector<1x1x16xf32>
      tpu.vector_store %arg7[%swap3A_611, %swap3A_612, %swap3A_613], %swap3A_616 {strides = array<i32>} : memref<16x4x512xf32, #tpu.memory_space<vmem>>, vector<1x1x16xf32>,
      %select_n3A_617 = arith.select %eq3A_12, %add3A_610, %get3A_566 : vector<16xi1>, vector<16xf32>
      %swap3A_618 = arith.constant 1 : i32
      %swap3A_619 = arith.index_cast %scan3A_554 : i32 to index
      %swap3A_620 = arith.index_cast %swap3A_618 : i32 to index
      %swap3A_621 = arith.constant 128 : index
      %swap3A_622 = tpu.vector_load %arg7[%swap3A_619, %swap3A_620, %swap3A_621] {strides = array<i32>} : memref<16x4x512xf32, #tpu.memory_space<vmem>>, vector<1x1x16xf32>,
      %swap3A_623 = vector.shape_cast %swap3A_622 : vector<1x1x16xf32> to vector<16xf32>
      %swap3A_624 = vector.shape_cast %select_n3A_617 : vector<16xf32> to vector<1x1x16xf32>
      tpu.vector_store %arg7[%swap3A_619, %swap3A_620, %swap3A_621], %swap3A_624 {strides = array<i32>} : memref<16x4x512xf32, #tpu.memory_space<vmem>>, vector<1x1x16xf32>,
      %select_n3A_625 = arith.select %eq3A_12, %sub3A, %get3A_572 : vector<16xi1>, vector<16xf32>
      %swap3A_626 = arith.constant 2 : i32
      %swap3A_627 = arith.index_cast %scan3A_554 : i32 to index
      %swap3A_628 = arith.index_cast %swap3A_626 : i32 to index
      %swap3A_629 = arith.constant 128 : index
      %swap3A_630 = tpu.vector_load %arg7[%swap3A_627, %swap3A_628, %swap3A_629] {strides = array<i32>} : memref<16x4x512xf32, #tpu.memory_space<vmem>>, vector<1x1x16xf32>,
      %swap3A_631 = vector.shape_cast %swap3A_630 : vector<1x1x16xf32> to vector<16xf32>
      %swap3A_632 = vector.shape_cast %select_n3A_625 : vector<16xf32> to vector<1x1x16xf32>
      tpu.vector_store %arg7[%swap3A_627, %swap3A_628, %swap3A_629], %swap3A_632 {strides = array<i32>} : memref<16x4x512xf32, #tpu.memory_space<vmem>>, vector<1x1x16xf32>,
      %select_n3A_633 = arith.select %eq3A_12, %sub3A_594, %get3A_578 : vector<16xi1>, vector<16xf32>
      %swap3A_634 = arith.constant 3 : i32
      %swap3A_635 = arith.index_cast %scan3A_554 : i32 to index
      %swap3A_636 = arith.index_cast %swap3A_634 : i32 to index
      %swap3A_637 = arith.constant 128 : index
      %swap3A_638 = tpu.vector_load %arg7[%swap3A_635, %swap3A_636, %swap3A_637] {strides = array<i32>} : memref<16x4x512xf32, #tpu.memory_space<vmem>>, vector<1x1x16xf32>,
      %swap3A_639 = vector.shape_cast %swap3A_638 : vector<1x1x16xf32> to vector<16xf32>
      %swap3A_640 = vector.shape_cast %select_n3A_633 : vector<16xf32> to vector<1x1x16xf32>
      tpu.vector_store %arg7[%swap3A_635, %swap3A_636, %swap3A_637], %swap3A_640 {strides = array<i32>} : memref<16x4x512xf32, #tpu.memory_space<vmem>>, vector<1x1x16xf32>,
    }
    %scan3A_201 = arith.constant 16 : i32
    %add3A_202 = arith.constant 80 : i32
    %add3A_203 = arith.addi %mul3A_2, %add3A_202 : i32
    %dma_start3A_204 = arith.constant 0 : i32
    %dma_start3A_205 = arith.constant 0 : i32
    %dma_start3A_206 = tpu.memref_slice %arg4[%add3A_203, %dma_start3A_204, %dma_start3A_205] : memref<8192x4x512xf32, #tpu.memory_space<hbm>> -> memref<16x4x512xf32, #tpu.memory_space<hbm>>
    %dma_start3A_207 = arith.constant 0 : i32
    %dma_start3A_208 = arith.constant 0 : i32
    %dma_start3A_209 = tpu.memref_slice %arg4[%add3A_203, %dma_start3A_207, %dma_start3A_208] : memref<8192x4x512xf32, #tpu.memory_space<hbm>> -> memref<16x4x512xf32, #tpu.memory_space<hbm>>
    tpu.enqueue_dma source(%arg7 : memref<16x4x512xf32, #tpu.memory_space<vmem>>) target(%dma_start3A_209 : memref<16x4x512xf32, #tpu.memory_space<hbm>>) target_semaphore(%arg14 : memref<!tpu.dma_semaphore, #tpu.memory_space<semaphore_mem>>)
    %dma_wait3A_210 = arith.constant 0 : i32
    %dma_wait3A_211 = arith.constant 0 : i32
    %dma_wait3A_212 = tpu.memref_slice %arg4[%add3A_169, %dma_wait3A_210, %dma_wait3A_211] : memref<8192x4x512xf32, #tpu.memory_space<hbm>> -> memref<16x4x512xf32, #tpu.memory_space<hbm>>
    %dma_wait3A_213 = arith.constant 0 : i32
    %dma_wait3A_214 = arith.constant 0 : i32
    %dma_wait3A_215 = tpu.memref_slice %arg4[%add3A_169, %dma_wait3A_213, %dma_wait3A_214] : memref<8192x4x512xf32, #tpu.memory_space<hbm>> -> memref<16x4x512xf32, #tpu.memory_space<hbm>>
    tpu.wait_dma2 semaphore(%arg13 : memref<!tpu.dma_semaphore, #tpu.memory_space<semaphore_mem>>) src(%arg6 : memref<16x4x512xf32, #tpu.memory_space<vmem>>) dst(%dma_wait3A_215 : memref<16x4x512xf32, #tpu.memory_space<hbm>>)
    %add3A_216 = arith.constant 112 : i32
    %add3A_217 = arith.addi %mul3A_2, %add3A_216 : i32
    %dma_start3A_218 = arith.constant 0 : i32
    %dma_start3A_219 = arith.constant 0 : i32
    %dma_start3A_220 = tpu.memref_slice %arg2[%add3A_217, %dma_start3A_218, %dma_start3A_219] : memref<8192x4x512xf32, #tpu.memory_space<hbm>> -> memref<16x4x512xf32, #tpu.memory_space<hbm>>
    %dma_start3A_221 = arith.constant 0 : i32
    %dma_start3A_222 = arith.constant 0 : i32
    %dma_start3A_223 = tpu.memref_slice %arg2[%add3A_217, %dma_start3A_221, %dma_start3A_222] : memref<8192x4x512xf32, #tpu.memory_space<hbm>> -> memref<16x4x512xf32, #tpu.memory_space<hbm>>
    tpu.enqueue_dma source(%dma_start3A_223 : memref<16x4x512xf32, #tpu.memory_space<hbm>>) target(%arg6 : memref<16x4x512xf32, #tpu.memory_space<vmem>>) target_semaphore(%arg10 : memref<!tpu.dma_semaphore, #tpu.memory_space<semaphore_mem>>)
    %dma_wait3A_224 = arith.constant 0 : i32
    %dma_wait3A_225 = arith.constant 0 : i32
    %dma_wait3A_226 = tpu.memref_slice %arg2[%add3A_183, %dma_wait3A_224, %dma_wait3A_225] : memref<8192x4x512xf32, #tpu.memory_space<hbm>> -> memref<16x4x512xf32, #tpu.memory_space<hbm>>
    %dma_wait3A_227 = arith.constant 0 : i32
    %dma_wait3A_228 = arith.constant 0 : i32
    %dma_wait3A_229 = tpu.memref_slice %arg2[%add3A_183, %dma_wait3A_227, %dma_wait3A_228] : memref<8192x4x512xf32, #tpu.memory_space<hbm>> -> memref<16x4x512xf32, #tpu.memory_space<hbm>>
    tpu.wait_dma2 semaphore(%arg9 : memref<!tpu.dma_semaphore, #tpu.memory_space<semaphore_mem>>) src(%dma_wait3A_229 : memref<16x4x512xf32, #tpu.memory_space<hbm>>) dst(%arg5 : memref<16x4x512xf32, #tpu.memory_space<vmem>>)
    %scan3A_230 = arith.constant 0 : i32
    %scan3A_231 = arith.constant 0 : i32
    %scan3A_232 = arith.constant 16 : i32
    %scan3A_233 = arith.addi %scan3A_231, %scan3A_232 : i32
    %scan3A_234 = arith.constant 1 : i32
    scf.for %scan3A_554 = %scan3A_231 to %scan3A_233 step %scan3A_234  : i32 {
      %get3A_555 = arith.constant 0 : i32
      %get3A_556 = arith.index_cast %scan3A_554 : i32 to index
      %get3A_557 = arith.index_cast %get3A_555 : i32 to index
      %get3A_558 = arith.constant 128 : index
      %get3A_559 = tpu.vector_load %arg5[%get3A_556, %get3A_557, %get3A_558] {strides = array<i32>} : memref<16x4x512xf32, #tpu.memory_space<vmem>>, vector<1x1x16xf32>,
      %get3A_560 = vector.shape_cast %get3A_559 : vector<1x1x16xf32> to vector<16xf32>
      %get3A_561 = arith.constant 1 : i32
      %get3A_562 = arith.index_cast %scan3A_554 : i32 to index
      %get3A_563 = arith.index_cast %get3A_561 : i32 to index
      %get3A_564 = arith.constant 128 : index
      %get3A_565 = tpu.vector_load %arg5[%get3A_562, %get3A_563, %get3A_564] {strides = array<i32>} : memref<16x4x512xf32, #tpu.memory_space<vmem>>, vector<1x1x16xf32>,
      %get3A_566 = vector.shape_cast %get3A_565 : vector<1x1x16xf32> to vector<16xf32>
      %get3A_567 = arith.constant 2 : i32
      %get3A_568 = arith.index_cast %scan3A_554 : i32 to index
      %get3A_569 = arith.index_cast %get3A_567 : i32 to index
      %get3A_570 = arith.constant 128 : index
      %get3A_571 = tpu.vector_load %arg5[%get3A_568, %get3A_569, %get3A_570] {strides = array<i32>} : memref<16x4x512xf32, #tpu.memory_space<vmem>>, vector<1x1x16xf32>,
      %get3A_572 = vector.shape_cast %get3A_571 : vector<1x1x16xf32> to vector<16xf32>
      %get3A_573 = arith.constant 3 : i32
      %get3A_574 = arith.index_cast %scan3A_554 : i32 to index
      %get3A_575 = arith.index_cast %get3A_573 : i32 to index
      %get3A_576 = arith.constant 128 : index
      %get3A_577 = tpu.vector_load %arg5[%get3A_574, %get3A_575, %get3A_576] {strides = array<i32>} : memref<16x4x512xf32, #tpu.memory_space<vmem>>, vector<1x1x16xf32>,
      %get3A_578 = vector.shape_cast %get3A_577 : vector<1x1x16xf32> to vector<16xf32>
      %mul3A_579 = vector.broadcast %squeeze3A : f32 to vector<16xf32>
      %mul3A_580 = arith.mulf %get3A_572, %mul3A_579 : vector<16xf32>
      %mul3A_581 = vector.broadcast %squeeze3A_6 : f32 to vector<16xf32>
      %mul3A_582 = arith.mulf %get3A_578, %mul3A_581 : vector<16xf32>
      %add3A_583 = arith.addf %mul3A_580, %mul3A_582 : vector<16xf32>
      %mul3A_584 = arith.constant 2.000000e+00 : f32
      %mul3A_585 = vector.broadcast %mul3A_584 : f32 to vector<16xf32>
      %mul3A_586 = arith.mulf %mul3A_585, %add3A_583 : vector<16xf32>
      %mul3A_587 = vector.broadcast %squeeze3A : f32 to vector<16xf32>
      %mul3A_588 = arith.mulf %mul3A_586, %mul3A_587 : vector<16xf32>
      %sub3A = arith.subf %get3A_572, %mul3A_588 : vector<16xf32>
      %mul3A_589 = arith.constant 2.000000e+00 : f32
      %mul3A_590 = vector.broadcast %mul3A_589 : f32 to vector<16xf32>
      %mul3A_591 = arith.mulf %mul3A_590, %add3A_583 : vector<16xf32>
      %mul3A_592 = vector.broadcast %squeeze3A_6 : f32 to vector<16xf32>
      %mul3A_593 = arith.mulf %mul3A_591, %mul3A_592 : vector<16xf32>
      %sub3A_594 = arith.subf %get3A_578, %mul3A_593 : vector<16xf32>
      %mul3A_595 = vector.broadcast %squeeze3A : f32 to vector<16xf32>
      %mul3A_596 = arith.mulf %get3A_560, %mul3A_595 : vector<16xf32>
      %mul3A_597 = vector.broadcast %squeeze3A_6 : f32 to vector<16xf32>
      %mul3A_598 = arith.mulf %get3A_566, %mul3A_597 : vector<16xf32>
      %add3A_599 = arith.addf %mul3A_596, %mul3A_598 : vector<16xf32>
      %add3A_600 = arith.addf %squeeze3A_8, %squeeze3A_10 : f32
      %sub3A_601 = vector.broadcast %add3A_600 : f32 to vector<16xf32>
      %sub3A_602 = arith.subf %sub3A_601, %add3A_599 : vector<16xf32>
      %max3A = arith.constant 0.000000e+00 : f32
      %max3A_603 = vector.broadcast %max3A : f32 to vector<16xf32>
      %max3A_604 = arith.maximumf %sub3A_602, %max3A_603 : vector<16xf32>
      %mul3A_605 = vector.broadcast %squeeze3A : f32 to vector<16xf32>
      %mul3A_606 = arith.mulf %max3A_604, %mul3A_605 : vector<16xf32>
      %add3A_607 = arith.addf %get3A_560, %mul3A_606 : vector<16xf32>
      %mul3A_608 = vector.broadcast %squeeze3A_6 : f32 to vector<16xf32>
      %mul3A_609 = arith.mulf %max3A_604, %mul3A_608 : vector<16xf32>
      %add3A_610 = arith.addf %get3A_566, %mul3A_609 : vector<16xf32>
      %select_n3A = arith.select %eq3A_12, %add3A_607, %get3A_560 : vector<16xi1>, vector<16xf32>
      %swap3A = arith.constant 0 : i32
      %swap3A_611 = arith.index_cast %scan3A_554 : i32 to index
      %swap3A_612 = arith.index_cast %swap3A : i32 to index
      %swap3A_613 = arith.constant 128 : index
      %swap3A_614 = tpu.vector_load %arg5[%swap3A_611, %swap3A_612, %swap3A_613] {strides = array<i32>} : memref<16x4x512xf32, #tpu.memory_space<vmem>>, vector<1x1x16xf32>,
      %swap3A_615 = vector.shape_cast %swap3A_614 : vector<1x1x16xf32> to vector<16xf32>
      %swap3A_616 = vector.shape_cast %select_n3A : vector<16xf32> to vector<1x1x16xf32>
      tpu.vector_store %arg5[%swap3A_611, %swap3A_612, %swap3A_613], %swap3A_616 {strides = array<i32>} : memref<16x4x512xf32, #tpu.memory_space<vmem>>, vector<1x1x16xf32>,
      %select_n3A_617 = arith.select %eq3A_12, %add3A_610, %get3A_566 : vector<16xi1>, vector<16xf32>
      %swap3A_618 = arith.constant 1 : i32
      %swap3A_619 = arith.index_cast %scan3A_554 : i32 to index
      %swap3A_620 = arith.index_cast %swap3A_618 : i32 to index
      %swap3A_621 = arith.constant 128 : index
      %swap3A_622 = tpu.vector_load %arg5[%swap3A_619, %swap3A_620, %swap3A_621] {strides = array<i32>} : memref<16x4x512xf32, #tpu.memory_space<vmem>>, vector<1x1x16xf32>,
      %swap3A_623 = vector.shape_cast %swap3A_622 : vector<1x1x16xf32> to vector<16xf32>
      %swap3A_624 = vector.shape_cast %select_n3A_617 : vector<16xf32> to vector<1x1x16xf32>
      tpu.vector_store %arg5[%swap3A_619, %swap3A_620, %swap3A_621], %swap3A_624 {strides = array<i32>} : memref<16x4x512xf32, #tpu.memory_space<vmem>>, vector<1x1x16xf32>,
      %select_n3A_625 = arith.select %eq3A_12, %sub3A, %get3A_572 : vector<16xi1>, vector<16xf32>
      %swap3A_626 = arith.constant 2 : i32
      %swap3A_627 = arith.index_cast %scan3A_554 : i32 to index
      %swap3A_628 = arith.index_cast %swap3A_626 : i32 to index
      %swap3A_629 = arith.constant 128 : index
      %swap3A_630 = tpu.vector_load %arg5[%swap3A_627, %swap3A_628, %swap3A_629] {strides = array<i32>} : memref<16x4x512xf32, #tpu.memory_space<vmem>>, vector<1x1x16xf32>,
      %swap3A_631 = vector.shape_cast %swap3A_630 : vector<1x1x16xf32> to vector<16xf32>
      %swap3A_632 = vector.shape_cast %select_n3A_625 : vector<16xf32> to vector<1x1x16xf32>
      tpu.vector_store %arg5[%swap3A_627, %swap3A_628, %swap3A_629], %swap3A_632 {strides = array<i32>} : memref<16x4x512xf32, #tpu.memory_space<vmem>>, vector<1x1x16xf32>,
      %select_n3A_633 = arith.select %eq3A_12, %sub3A_594, %get3A_578 : vector<16xi1>, vector<16xf32>
      %swap3A_634 = arith.constant 3 : i32
      %swap3A_635 = arith.index_cast %scan3A_554 : i32 to index
      %swap3A_636 = arith.index_cast %swap3A_634 : i32 to index
      %swap3A_637 = arith.constant 128 : index
      %swap3A_638 = tpu.vector_load %arg5[%swap3A_635, %swap3A_636, %swap3A_637] {strides = array<i32>} : memref<16x4x512xf32, #tpu.memory_space<vmem>>, vector<1x1x16xf32>,
      %swap3A_639 = vector.shape_cast %swap3A_638 : vector<1x1x16xf32> to vector<16xf32>
      %swap3A_640 = vector.shape_cast %select_n3A_633 : vector<16xf32> to vector<1x1x16xf32>
      tpu.vector_store %arg5[%swap3A_635, %swap3A_636, %swap3A_637], %swap3A_640 {strides = array<i32>} : memref<16x4x512xf32, #tpu.memory_space<vmem>>, vector<1x1x16xf32>,
    }
    %scan3A_235 = arith.constant 16 : i32
    %add3A_236 = arith.constant 96 : i32
    %add3A_237 = arith.addi %mul3A_2, %add3A_236 : i32
    %dma_start3A_238 = arith.constant 0 : i32
    %dma_start3A_239 = arith.constant 0 : i32
    %dma_start3A_240 = tpu.memref_slice %arg4[%add3A_237, %dma_start3A_238, %dma_start3A_239] : memref<8192x4x512xf32, #tpu.memory_space<hbm>> -> memref<16x4x512xf32, #tpu.memory_space<hbm>>
    %dma_start3A_241 = arith.constant 0 : i32
    %dma_start3A_242 = arith.constant 0 : i32
    %dma_start3A_243 = tpu.memref_slice %arg4[%add3A_237, %dma_start3A_241, %dma_start3A_242] : memref<8192x4x512xf32, #tpu.memory_space<hbm>> -> memref<16x4x512xf32, #tpu.memory_space<hbm>>
    tpu.enqueue_dma source(%arg5 : memref<16x4x512xf32, #tpu.memory_space<vmem>>) target(%dma_start3A_243 : memref<16x4x512xf32, #tpu.memory_space<hbm>>) target_semaphore(%arg12 : memref<!tpu.dma_semaphore, #tpu.memory_space<semaphore_mem>>)
    %dma_wait3A_244 = arith.constant 0 : i32
    %dma_wait3A_245 = arith.constant 0 : i32
    %dma_wait3A_246 = tpu.memref_slice %arg4[%add3A_203, %dma_wait3A_244, %dma_wait3A_245] : memref<8192x4x512xf32, #tpu.memory_space<hbm>> -> memref<16x4x512xf32, #tpu.memory_space<hbm>>
    %dma_wait3A_247 = arith.constant 0 : i32
    %dma_wait3A_248 = arith.constant 0 : i32
    %dma_wait3A_249 = tpu.memref_slice %arg4[%add3A_203, %dma_wait3A_247, %dma_wait3A_248] : memref<8192x4x512xf32, #tpu.memory_space<hbm>> -> memref<16x4x512xf32, #tpu.memory_space<hbm>>
    tpu.wait_dma2 semaphore(%arg14 : memref<!tpu.dma_semaphore, #tpu.memory_space<semaphore_mem>>) src(%arg7 : memref<16x4x512xf32, #tpu.memory_space<vmem>>) dst(%dma_wait3A_249 : memref<16x4x512xf32, #tpu.memory_space<hbm>>)
    %add3A_250 = arith.constant 128 : i32
    %add3A_251 = arith.addi %mul3A_2, %add3A_250 : i32
    %dma_start3A_252 = arith.constant 0 : i32
    %dma_start3A_253 = arith.constant 0 : i32
    %dma_start3A_254 = tpu.memref_slice %arg2[%add3A_251, %dma_start3A_252, %dma_start3A_253] : memref<8192x4x512xf32, #tpu.memory_space<hbm>> -> memref<16x4x512xf32, #tpu.memory_space<hbm>>
    %dma_start3A_255 = arith.constant 0 : i32
    %dma_start3A_256 = arith.constant 0 : i32
    %dma_start3A_257 = tpu.memref_slice %arg2[%add3A_251, %dma_start3A_255, %dma_start3A_256] : memref<8192x4x512xf32, #tpu.memory_space<hbm>> -> memref<16x4x512xf32, #tpu.memory_space<hbm>>
    tpu.enqueue_dma source(%dma_start3A_257 : memref<16x4x512xf32, #tpu.memory_space<hbm>>) target(%arg7 : memref<16x4x512xf32, #tpu.memory_space<vmem>>) target_semaphore(%arg11 : memref<!tpu.dma_semaphore, #tpu.memory_space<semaphore_mem>>)
    %dma_wait3A_258 = arith.constant 0 : i32
    %dma_wait3A_259 = arith.constant 0 : i32
    %dma_wait3A_260 = tpu.memref_slice %arg2[%add3A_217, %dma_wait3A_258, %dma_wait3A_259] : memref<8192x4x512xf32, #tpu.memory_space<hbm>> -> memref<16x4x512xf32, #tpu.memory_space<hbm>>
    %dma_wait3A_261 = arith.constant 0 : i32
    %dma_wait3A_262 = arith.constant 0 : i32
    %dma_wait3A_263 = tpu.memref_slice %arg2[%add3A_217, %dma_wait3A_261, %dma_wait3A_262] : memref<8192x4x512xf32, #tpu.memory_space<hbm>> -> memref<16x4x512xf32, #tpu.memory_space<hbm>>
    tpu.wait_dma2 semaphore(%arg10 : memref<!tpu.dma_semaphore, #tpu.memory_space<semaphore_mem>>) src(%dma_wait3A_263 : memref<16x4x512xf32, #tpu.memory_space<hbm>>) dst(%arg6 : memref<16x4x512xf32, #tpu.memory_space<vmem>>)
    %scan3A_264 = arith.constant 0 : i32
    %scan3A_265 = arith.constant 0 : i32
    %scan3A_266 = arith.constant 16 : i32
    %scan3A_267 = arith.addi %scan3A_265, %scan3A_266 : i32
    %scan3A_268 = arith.constant 1 : i32
    scf.for %scan3A_554 = %scan3A_265 to %scan3A_267 step %scan3A_268  : i32 {
      %get3A_555 = arith.constant 0 : i32
      %get3A_556 = arith.index_cast %scan3A_554 : i32 to index
      %get3A_557 = arith.index_cast %get3A_555 : i32 to index
      %get3A_558 = arith.constant 128 : index
      %get3A_559 = tpu.vector_load %arg6[%get3A_556, %get3A_557, %get3A_558] {strides = array<i32>} : memref<16x4x512xf32, #tpu.memory_space<vmem>>, vector<1x1x16xf32>,
      %get3A_560 = vector.shape_cast %get3A_559 : vector<1x1x16xf32> to vector<16xf32>
      %get3A_561 = arith.constant 1 : i32
      %get3A_562 = arith.index_cast %scan3A_554 : i32 to index
      %get3A_563 = arith.index_cast %get3A_561 : i32 to index
      %get3A_564 = arith.constant 128 : index
      %get3A_565 = tpu.vector_load %arg6[%get3A_562, %get3A_563, %get3A_564] {strides = array<i32>} : memref<16x4x512xf32, #tpu.memory_space<vmem>>, vector<1x1x16xf32>,
      %get3A_566 = vector.shape_cast %get3A_565 : vector<1x1x16xf32> to vector<16xf32>
      %get3A_567 = arith.constant 2 : i32
      %get3A_568 = arith.index_cast %scan3A_554 : i32 to index
      %get3A_569 = arith.index_cast %get3A_567 : i32 to index
      %get3A_570 = arith.constant 128 : index
      %get3A_571 = tpu.vector_load %arg6[%get3A_568, %get3A_569, %get3A_570] {strides = array<i32>} : memref<16x4x512xf32, #tpu.memory_space<vmem>>, vector<1x1x16xf32>,
      %get3A_572 = vector.shape_cast %get3A_571 : vector<1x1x16xf32> to vector<16xf32>
      %get3A_573 = arith.constant 3 : i32
      %get3A_574 = arith.index_cast %scan3A_554 : i32 to index
      %get3A_575 = arith.index_cast %get3A_573 : i32 to index
      %get3A_576 = arith.constant 128 : index
      %get3A_577 = tpu.vector_load %arg6[%get3A_574, %get3A_575, %get3A_576] {strides = array<i32>} : memref<16x4x512xf32, #tpu.memory_space<vmem>>, vector<1x1x16xf32>,
      %get3A_578 = vector.shape_cast %get3A_577 : vector<1x1x16xf32> to vector<16xf32>
      %mul3A_579 = vector.broadcast %squeeze3A : f32 to vector<16xf32>
      %mul3A_580 = arith.mulf %get3A_572, %mul3A_579 : vector<16xf32>
      %mul3A_581 = vector.broadcast %squeeze3A_6 : f32 to vector<16xf32>
      %mul3A_582 = arith.mulf %get3A_578, %mul3A_581 : vector<16xf32>
      %add3A_583 = arith.addf %mul3A_580, %mul3A_582 : vector<16xf32>
      %mul3A_584 = arith.constant 2.000000e+00 : f32
      %mul3A_585 = vector.broadcast %mul3A_584 : f32 to vector<16xf32>
      %mul3A_586 = arith.mulf %mul3A_585, %add3A_583 : vector<16xf32>
      %mul3A_587 = vector.broadcast %squeeze3A : f32 to vector<16xf32>
      %mul3A_588 = arith.mulf %mul3A_586, %mul3A_587 : vector<16xf32>
      %sub3A = arith.subf %get3A_572, %mul3A_588 : vector<16xf32>
      %mul3A_589 = arith.constant 2.000000e+00 : f32
      %mul3A_590 = vector.broadcast %mul3A_589 : f32 to vector<16xf32>
      %mul3A_591 = arith.mulf %mul3A_590, %add3A_583 : vector<16xf32>
      %mul3A_592 = vector.broadcast %squeeze3A_6 : f32 to vector<16xf32>
      %mul3A_593 = arith.mulf %mul3A_591, %mul3A_592 : vector<16xf32>
      %sub3A_594 = arith.subf %get3A_578, %mul3A_593 : vector<16xf32>
      %mul3A_595 = vector.broadcast %squeeze3A : f32 to vector<16xf32>
      %mul3A_596 = arith.mulf %get3A_560, %mul3A_595 : vector<16xf32>
      %mul3A_597 = vector.broadcast %squeeze3A_6 : f32 to vector<16xf32>
      %mul3A_598 = arith.mulf %get3A_566, %mul3A_597 : vector<16xf32>
      %add3A_599 = arith.addf %mul3A_596, %mul3A_598 : vector<16xf32>
      %add3A_600 = arith.addf %squeeze3A_8, %squeeze3A_10 : f32
      %sub3A_601 = vector.broadcast %add3A_600 : f32 to vector<16xf32>
      %sub3A_602 = arith.subf %sub3A_601, %add3A_599 : vector<16xf32>
      %max3A = arith.constant 0.000000e+00 : f32
      %max3A_603 = vector.broadcast %max3A : f32 to vector<16xf32>
      %max3A_604 = arith.maximumf %sub3A_602, %max3A_603 : vector<16xf32>
      %mul3A_605 = vector.broadcast %squeeze3A : f32 to vector<16xf32>
      %mul3A_606 = arith.mulf %max3A_604, %mul3A_605 : vector<16xf32>
      %add3A_607 = arith.addf %get3A_560, %mul3A_606 : vector<16xf32>
      %mul3A_608 = vector.broadcast %squeeze3A_6 : f32 to vector<16xf32>
      %mul3A_609 = arith.mulf %max3A_604, %mul3A_608 : vector<16xf32>
      %add3A_610 = arith.addf %get3A_566, %mul3A_609 : vector<16xf32>
      %select_n3A = arith.select %eq3A_12, %add3A_607, %get3A_560 : vector<16xi1>, vector<16xf32>
      %swap3A = arith.constant 0 : i32
      %swap3A_611 = arith.index_cast %scan3A_554 : i32 to index
      %swap3A_612 = arith.index_cast %swap3A : i32 to index
      %swap3A_613 = arith.constant 128 : index
      %swap3A_614 = tpu.vector_load %arg6[%swap3A_611, %swap3A_612, %swap3A_613] {strides = array<i32>} : memref<16x4x512xf32, #tpu.memory_space<vmem>>, vector<1x1x16xf32>,
      %swap3A_615 = vector.shape_cast %swap3A_614 : vector<1x1x16xf32> to vector<16xf32>
      %swap3A_616 = vector.shape_cast %select_n3A : vector<16xf32> to vector<1x1x16xf32>
      tpu.vector_store %arg6[%swap3A_611, %swap3A_612, %swap3A_613], %swap3A_616 {strides = array<i32>} : memref<16x4x512xf32, #tpu.memory_space<vmem>>, vector<1x1x16xf32>,
      %select_n3A_617 = arith.select %eq3A_12, %add3A_610, %get3A_566 : vector<16xi1>, vector<16xf32>
      %swap3A_618 = arith.constant 1 : i32
      %swap3A_619 = arith.index_cast %scan3A_554 : i32 to index
      %swap3A_620 = arith.index_cast %swap3A_618 : i32 to index
      %swap3A_621 = arith.constant 128 : index
      %swap3A_622 = tpu.vector_load %arg6[%swap3A_619, %swap3A_620, %swap3A_621] {strides = array<i32>} : memref<16x4x512xf32, #tpu.memory_space<vmem>>, vector<1x1x16xf32>,
      %swap3A_623 = vector.shape_cast %swap3A_622 : vector<1x1x16xf32> to vector<16xf32>
      %swap3A_624 = vector.shape_cast %select_n3A_617 : vector<16xf32> to vector<1x1x16xf32>
      tpu.vector_store %arg6[%swap3A_619, %swap3A_620, %swap3A_621], %swap3A_624 {strides = array<i32>} : memref<16x4x512xf32, #tpu.memory_space<vmem>>, vector<1x1x16xf32>,
      %select_n3A_625 = arith.select %eq3A_12, %sub3A, %get3A_572 : vector<16xi1>, vector<16xf32>
      %swap3A_626 = arith.constant 2 : i32
      %swap3A_627 = arith.index_cast %scan3A_554 : i32 to index
      %swap3A_628 = arith.index_cast %swap3A_626 : i32 to index
      %swap3A_629 = arith.constant 128 : index
      %swap3A_630 = tpu.vector_load %arg6[%swap3A_627, %swap3A_628, %swap3A_629] {strides = array<i32>} : memref<16x4x512xf32, #tpu.memory_space<vmem>>, vector<1x1x16xf32>,
      %swap3A_631 = vector.shape_cast %swap3A_630 : vector<1x1x16xf32> to vector<16xf32>
      %swap3A_632 = vector.shape_cast %select_n3A_625 : vector<16xf32> to vector<1x1x16xf32>
      tpu.vector_store %arg6[%swap3A_627, %swap3A_628, %swap3A_629], %swap3A_632 {strides = array<i32>} : memref<16x4x512xf32, #tpu.memory_space<vmem>>, vector<1x1x16xf32>,
      %select_n3A_633 = arith.select %eq3A_12, %sub3A_594, %get3A_578 : vector<16xi1>, vector<16xf32>
      %swap3A_634 = arith.constant 3 : i32
      %swap3A_635 = arith.index_cast %scan3A_554 : i32 to index
      %swap3A_636 = arith.index_cast %swap3A_634 : i32 to index
      %swap3A_637 = arith.constant 128 : index
      %swap3A_638 = tpu.vector_load %arg6[%swap3A_635, %swap3A_636, %swap3A_637] {strides = array<i32>} : memref<16x4x512xf32, #tpu.memory_space<vmem>>, vector<1x1x16xf32>,
      %swap3A_639 = vector.shape_cast %swap3A_638 : vector<1x1x16xf32> to vector<16xf32>
      %swap3A_640 = vector.shape_cast %select_n3A_633 : vector<16xf32> to vector<1x1x16xf32>
      tpu.vector_store %arg6[%swap3A_635, %swap3A_636, %swap3A_637], %swap3A_640 {strides = array<i32>} : memref<16x4x512xf32, #tpu.memory_space<vmem>>, vector<1x1x16xf32>,
    }
    %scan3A_269 = arith.constant 16 : i32
    %add3A_270 = arith.constant 112 : i32
    %add3A_271 = arith.addi %mul3A_2, %add3A_270 : i32
    %dma_start3A_272 = arith.constant 0 : i32
    %dma_start3A_273 = arith.constant 0 : i32
    %dma_start3A_274 = tpu.memref_slice %arg4[%add3A_271, %dma_start3A_272, %dma_start3A_273] : memref<8192x4x512xf32, #tpu.memory_space<hbm>> -> memref<16x4x512xf32, #tpu.memory_space<hbm>>
    %dma_start3A_275 = arith.constant 0 : i32
    %dma_start3A_276 = arith.constant 0 : i32
    %dma_start3A_277 = tpu.memref_slice %arg4[%add3A_271, %dma_start3A_275, %dma_start3A_276] : memref<8192x4x512xf32, #tpu.memory_space<hbm>> -> memref<16x4x512xf32, #tpu.memory_space<hbm>>
    tpu.enqueue_dma source(%arg6 : memref<16x4x512xf32, #tpu.memory_space<vmem>>) target(%dma_start3A_277 : memref<16x4x512xf32, #tpu.memory_space<hbm>>) target_semaphore(%arg13 : memref<!tpu.dma_semaphore, #tpu.memory_space<semaphore_mem>>)
    %dma_wait3A_278 = arith.constant 0 : i32
    %dma_wait3A_279 = arith.constant 0 : i32
    %dma_wait3A_280 = tpu.memref_slice %arg4[%add3A_237, %dma_wait3A_278, %dma_wait3A_279] : memref<8192x4x512xf32, #tpu.memory_space<hbm>> -> memref<16x4x512xf32, #tpu.memory_space<hbm>>
    %dma_wait3A_281 = arith.constant 0 : i32
    %dma_wait3A_282 = arith.constant 0 : i32
    %dma_wait3A_283 = tpu.memref_slice %arg4[%add3A_237, %dma_wait3A_281, %dma_wait3A_282] : memref<8192x4x512xf32, #tpu.memory_space<hbm>> -> memref<16x4x512xf32, #tpu.memory_space<hbm>>
    tpu.wait_dma2 semaphore(%arg12 : memref<!tpu.dma_semaphore, #tpu.memory_space<semaphore_mem>>) src(%arg5 : memref<16x4x512xf32, #tpu.memory_space<vmem>>) dst(%dma_wait3A_283 : memref<16x4x512xf32, #tpu.memory_space<hbm>>)
    %add3A_284 = arith.constant 144 : i32
    %add3A_285 = arith.addi %mul3A_2, %add3A_284 : i32
    %dma_start3A_286 = arith.constant 0 : i32
    %dma_start3A_287 = arith.constant 0 : i32
    %dma_start3A_288 = tpu.memref_slice %arg2[%add3A_285, %dma_start3A_286, %dma_start3A_287] : memref<8192x4x512xf32, #tpu.memory_space<hbm>> -> memref<16x4x512xf32, #tpu.memory_space<hbm>>
    %dma_start3A_289 = arith.constant 0 : i32
    %dma_start3A_290 = arith.constant 0 : i32
    %dma_start3A_291 = tpu.memref_slice %arg2[%add3A_285, %dma_start3A_289, %dma_start3A_290] : memref<8192x4x512xf32, #tpu.memory_space<hbm>> -> memref<16x4x512xf32, #tpu.memory_space<hbm>>
    tpu.enqueue_dma source(%dma_start3A_291 : memref<16x4x512xf32, #tpu.memory_space<hbm>>) target(%arg5 : memref<16x4x512xf32, #tpu.memory_space<vmem>>) target_semaphore(%arg9 : memref<!tpu.dma_semaphore, #tpu.memory_space<semaphore_mem>>)
    %dma_wait3A_292 = arith.constant 0 : i32
    %dma_wait3A_293 = arith.constant 0 : i32
    %dma_wait3A_294 = tpu.memref_slice %arg2[%add3A_251, %dma_wait3A_292, %dma_wait3A_293] : memref<8192x4x512xf32, #tpu.memory_space<hbm>> -> memref<16x4x512xf32, #tpu.memory_space<hbm>>
    %dma_wait3A_295 = arith.constant 0 : i32
    %dma_wait3A_296 = arith.constant 0 : i32
    %dma_wait3A_297 = tpu.memref_slice %arg2[%add3A_251, %dma_wait3A_295, %dma_wait3A_296] : memref<8192x4x512xf32, #tpu.memory_space<hbm>> -> memref<16x4x512xf32, #tpu.memory_space<hbm>>
    tpu.wait_dma2 semaphore(%arg11 : memref<!tpu.dma_semaphore, #tpu.memory_space<semaphore_mem>>) src(%dma_wait3A_297 : memref<16x4x512xf32, #tpu.memory_space<hbm>>) dst(%arg7 : memref<16x4x512xf32, #tpu.memory_space<vmem>>)
    %scan3A_298 = arith.constant 0 : i32
    %scan3A_299 = arith.constant 0 : i32
    %scan3A_300 = arith.constant 16 : i32
    %scan3A_301 = arith.addi %scan3A_299, %scan3A_300 : i32
    %scan3A_302 = arith.constant 1 : i32
    scf.for %scan3A_554 = %scan3A_299 to %scan3A_301 step %scan3A_302  : i32 {
      %get3A_555 = arith.constant 0 : i32
      %get3A_556 = arith.index_cast %scan3A_554 : i32 to index
      %get3A_557 = arith.index_cast %get3A_555 : i32 to index
      %get3A_558 = arith.constant 128 : index
      %get3A_559 = tpu.vector_load %arg7[%get3A_556, %get3A_557, %get3A_558] {strides = array<i32>} : memref<16x4x512xf32, #tpu.memory_space<vmem>>, vector<1x1x16xf32>,
      %get3A_560 = vector.shape_cast %get3A_559 : vector<1x1x16xf32> to vector<16xf32>
      %get3A_561 = arith.constant 1 : i32
      %get3A_562 = arith.index_cast %scan3A_554 : i32 to index
      %get3A_563 = arith.index_cast %get3A_561 : i32 to index
      %get3A_564 = arith.constant 128 : index
      %get3A_565 = tpu.vector_load %arg7[%get3A_562, %get3A_563, %get3A_564] {strides = array<i32>} : memref<16x4x512xf32, #tpu.memory_space<vmem>>, vector<1x1x16xf32>,
      %get3A_566 = vector.shape_cast %get3A_565 : vector<1x1x16xf32> to vector<16xf32>
      %get3A_567 = arith.constant 2 : i32
      %get3A_568 = arith.index_cast %scan3A_554 : i32 to index
      %get3A_569 = arith.index_cast %get3A_567 : i32 to index
      %get3A_570 = arith.constant 128 : index
      %get3A_571 = tpu.vector_load %arg7[%get3A_568, %get3A_569, %get3A_570] {strides = array<i32>} : memref<16x4x512xf32, #tpu.memory_space<vmem>>, vector<1x1x16xf32>,
      %get3A_572 = vector.shape_cast %get3A_571 : vector<1x1x16xf32> to vector<16xf32>
      %get3A_573 = arith.constant 3 : i32
      %get3A_574 = arith.index_cast %scan3A_554 : i32 to index
      %get3A_575 = arith.index_cast %get3A_573 : i32 to index
      %get3A_576 = arith.constant 128 : index
      %get3A_577 = tpu.vector_load %arg7[%get3A_574, %get3A_575, %get3A_576] {strides = array<i32>} : memref<16x4x512xf32, #tpu.memory_space<vmem>>, vector<1x1x16xf32>,
      %get3A_578 = vector.shape_cast %get3A_577 : vector<1x1x16xf32> to vector<16xf32>
      %mul3A_579 = vector.broadcast %squeeze3A : f32 to vector<16xf32>
      %mul3A_580 = arith.mulf %get3A_572, %mul3A_579 : vector<16xf32>
      %mul3A_581 = vector.broadcast %squeeze3A_6 : f32 to vector<16xf32>
      %mul3A_582 = arith.mulf %get3A_578, %mul3A_581 : vector<16xf32>
      %add3A_583 = arith.addf %mul3A_580, %mul3A_582 : vector<16xf32>
      %mul3A_584 = arith.constant 2.000000e+00 : f32
      %mul3A_585 = vector.broadcast %mul3A_584 : f32 to vector<16xf32>
      %mul3A_586 = arith.mulf %mul3A_585, %add3A_583 : vector<16xf32>
      %mul3A_587 = vector.broadcast %squeeze3A : f32 to vector<16xf32>
      %mul3A_588 = arith.mulf %mul3A_586, %mul3A_587 : vector<16xf32>
      %sub3A = arith.subf %get3A_572, %mul3A_588 : vector<16xf32>
      %mul3A_589 = arith.constant 2.000000e+00 : f32
      %mul3A_590 = vector.broadcast %mul3A_589 : f32 to vector<16xf32>
      %mul3A_591 = arith.mulf %mul3A_590, %add3A_583 : vector<16xf32>
      %mul3A_592 = vector.broadcast %squeeze3A_6 : f32 to vector<16xf32>
      %mul3A_593 = arith.mulf %mul3A_591, %mul3A_592 : vector<16xf32>
      %sub3A_594 = arith.subf %get3A_578, %mul3A_593 : vector<16xf32>
      %mul3A_595 = vector.broadcast %squeeze3A : f32 to vector<16xf32>
      %mul3A_596 = arith.mulf %get3A_560, %mul3A_595 : vector<16xf32>
      %mul3A_597 = vector.broadcast %squeeze3A_6 : f32 to vector<16xf32>
      %mul3A_598 = arith.mulf %get3A_566, %mul3A_597 : vector<16xf32>
      %add3A_599 = arith.addf %mul3A_596, %mul3A_598 : vector<16xf32>
      %add3A_600 = arith.addf %squeeze3A_8, %squeeze3A_10 : f32
      %sub3A_601 = vector.broadcast %add3A_600 : f32 to vector<16xf32>
      %sub3A_602 = arith.subf %sub3A_601, %add3A_599 : vector<16xf32>
      %max3A = arith.constant 0.000000e+00 : f32
      %max3A_603 = vector.broadcast %max3A : f32 to vector<16xf32>
      %max3A_604 = arith.maximumf %sub3A_602, %max3A_603 : vector<16xf32>
      %mul3A_605 = vector.broadcast %squeeze3A : f32 to vector<16xf32>
      %mul3A_606 = arith.mulf %max3A_604, %mul3A_605 : vector<16xf32>
      %add3A_607 = arith.addf %get3A_560, %mul3A_606 : vector<16xf32>
      %mul3A_608 = vector.broadcast %squeeze3A_6 : f32 to vector<16xf32>
      %mul3A_609 = arith.mulf %max3A_604, %mul3A_608 : vector<16xf32>
      %add3A_610 = arith.addf %get3A_566, %mul3A_609 : vector<16xf32>
      %select_n3A = arith.select %eq3A_12, %add3A_607, %get3A_560 : vector<16xi1>, vector<16xf32>
      %swap3A = arith.constant 0 : i32
      %swap3A_611 = arith.index_cast %scan3A_554 : i32 to index
      %swap3A_612 = arith.index_cast %swap3A : i32 to index
      %swap3A_613 = arith.constant 128 : index
      %swap3A_614 = tpu.vector_load %arg7[%swap3A_611, %swap3A_612, %swap3A_613] {strides = array<i32>} : memref<16x4x512xf32, #tpu.memory_space<vmem>>, vector<1x1x16xf32>,
      %swap3A_615 = vector.shape_cast %swap3A_614 : vector<1x1x16xf32> to vector<16xf32>
      %swap3A_616 = vector.shape_cast %select_n3A : vector<16xf32> to vector<1x1x16xf32>
      tpu.vector_store %arg7[%swap3A_611, %swap3A_612, %swap3A_613], %swap3A_616 {strides = array<i32>} : memref<16x4x512xf32, #tpu.memory_space<vmem>>, vector<1x1x16xf32>,
      %select_n3A_617 = arith.select %eq3A_12, %add3A_610, %get3A_566 : vector<16xi1>, vector<16xf32>
      %swap3A_618 = arith.constant 1 : i32
      %swap3A_619 = arith.index_cast %scan3A_554 : i32 to index
      %swap3A_620 = arith.index_cast %swap3A_618 : i32 to index
      %swap3A_621 = arith.constant 128 : index
      %swap3A_622 = tpu.vector_load %arg7[%swap3A_619, %swap3A_620, %swap3A_621] {strides = array<i32>} : memref<16x4x512xf32, #tpu.memory_space<vmem>>, vector<1x1x16xf32>,
      %swap3A_623 = vector.shape_cast %swap3A_622 : vector<1x1x16xf32> to vector<16xf32>
      %swap3A_624 = vector.shape_cast %select_n3A_617 : vector<16xf32> to vector<1x1x16xf32>
      tpu.vector_store %arg7[%swap3A_619, %swap3A_620, %swap3A_621], %swap3A_624 {strides = array<i32>} : memref<16x4x512xf32, #tpu.memory_space<vmem>>, vector<1x1x16xf32>,
      %select_n3A_625 = arith.select %eq3A_12, %sub3A, %get3A_572 : vector<16xi1>, vector<16xf32>
      %swap3A_626 = arith.constant 2 : i32
      %swap3A_627 = arith.index_cast %scan3A_554 : i32 to index
      %swap3A_628 = arith.index_cast %swap3A_626 : i32 to index
      %swap3A_629 = arith.constant 128 : index
      %swap3A_630 = tpu.vector_load %arg7[%swap3A_627, %swap3A_628, %swap3A_629] {strides = array<i32>} : memref<16x4x512xf32, #tpu.memory_space<vmem>>, vector<1x1x16xf32>,
      %swap3A_631 = vector.shape_cast %swap3A_630 : vector<1x1x16xf32> to vector<16xf32>
      %swap3A_632 = vector.shape_cast %select_n3A_625 : vector<16xf32> to vector<1x1x16xf32>
      tpu.vector_store %arg7[%swap3A_627, %swap3A_628, %swap3A_629], %swap3A_632 {strides = array<i32>} : memref<16x4x512xf32, #tpu.memory_space<vmem>>, vector<1x1x16xf32>,
      %select_n3A_633 = arith.select %eq3A_12, %sub3A_594, %get3A_578 : vector<16xi1>, vector<16xf32>
      %swap3A_634 = arith.constant 3 : i32
      %swap3A_635 = arith.index_cast %scan3A_554 : i32 to index
      %swap3A_636 = arith.index_cast %swap3A_634 : i32 to index
      %swap3A_637 = arith.constant 128 : index
      %swap3A_638 = tpu.vector_load %arg7[%swap3A_635, %swap3A_636, %swap3A_637] {strides = array<i32>} : memref<16x4x512xf32, #tpu.memory_space<vmem>>, vector<1x1x16xf32>,
      %swap3A_639 = vector.shape_cast %swap3A_638 : vector<1x1x16xf32> to vector<16xf32>
      %swap3A_640 = vector.shape_cast %select_n3A_633 : vector<16xf32> to vector<1x1x16xf32>
      tpu.vector_store %arg7[%swap3A_635, %swap3A_636, %swap3A_637], %swap3A_640 {strides = array<i32>} : memref<16x4x512xf32, #tpu.memory_space<vmem>>, vector<1x1x16xf32>,
    }
    %scan3A_303 = arith.constant 16 : i32
    %add3A_304 = arith.constant 128 : i32
    %add3A_305 = arith.addi %mul3A_2, %add3A_304 : i32
    %dma_start3A_306 = arith.constant 0 : i32
    %dma_start3A_307 = arith.constant 0 : i32
    %dma_start3A_308 = tpu.memref_slice %arg4[%add3A_305, %dma_start3A_306, %dma_start3A_307] : memref<8192x4x512xf32, #tpu.memory_space<hbm>> -> memref<16x4x512xf32, #tpu.memory_space<hbm>>
    %dma_start3A_309 = arith.constant 0 : i32
    %dma_start3A_310 = arith.constant 0 : i32
    %dma_start3A_311 = tpu.memref_slice %arg4[%add3A_305, %dma_start3A_309, %dma_start3A_310] : memref<8192x4x512xf32, #tpu.memory_space<hbm>> -> memref<16x4x512xf32, #tpu.memory_space<hbm>>
    tpu.enqueue_dma source(%arg7 : memref<16x4x512xf32, #tpu.memory_space<vmem>>) target(%dma_start3A_311 : memref<16x4x512xf32, #tpu.memory_space<hbm>>) target_semaphore(%arg14 : memref<!tpu.dma_semaphore, #tpu.memory_space<semaphore_mem>>)
    %dma_wait3A_312 = arith.constant 0 : i32
    %dma_wait3A_313 = arith.constant 0 : i32
    %dma_wait3A_314 = tpu.memref_slice %arg4[%add3A_271, %dma_wait3A_312, %dma_wait3A_313] : memref<8192x4x512xf32, #tpu.memory_space<hbm>> -> memref<16x4x512xf32, #tpu.memory_space<hbm>>
    %dma_wait3A_315 = arith.constant 0 : i32
    %dma_wait3A_316 = arith.constant 0 : i32
    %dma_wait3A_317 = tpu.memref_slice %arg4[%add3A_271, %dma_wait3A_315, %dma_wait3A_316] : memref<8192x4x512xf32, #tpu.memory_space<hbm>> -> memref<16x4x512xf32, #tpu.memory_space<hbm>>
    tpu.wait_dma2 semaphore(%arg13 : memref<!tpu.dma_semaphore, #tpu.memory_space<semaphore_mem>>) src(%arg6 : memref<16x4x512xf32, #tpu.memory_space<vmem>>) dst(%dma_wait3A_317 : memref<16x4x512xf32, #tpu.memory_space<hbm>>)
    %add3A_318 = arith.constant 160 : i32
    %add3A_319 = arith.addi %mul3A_2, %add3A_318 : i32
    %dma_start3A_320 = arith.constant 0 : i32
    %dma_start3A_321 = arith.constant 0 : i32
    %dma_start3A_322 = tpu.memref_slice %arg2[%add3A_319, %dma_start3A_320, %dma_start3A_321] : memref<8192x4x512xf32, #tpu.memory_space<hbm>> -> memref<16x4x512xf32, #tpu.memory_space<hbm>>
    %dma_start3A_323 = arith.constant 0 : i32
    %dma_start3A_324 = arith.constant 0 : i32
    %dma_start3A_325 = tpu.memref_slice %arg2[%add3A_319, %dma_start3A_323, %dma_start3A_324] : memref<8192x4x512xf32, #tpu.memory_space<hbm>> -> memref<16x4x512xf32, #tpu.memory_space<hbm>>
    tpu.enqueue_dma source(%dma_start3A_325 : memref<16x4x512xf32, #tpu.memory_space<hbm>>) target(%arg6 : memref<16x4x512xf32, #tpu.memory_space<vmem>>) target_semaphore(%arg10 : memref<!tpu.dma_semaphore, #tpu.memory_space<semaphore_mem>>)
    %dma_wait3A_326 = arith.constant 0 : i32
    %dma_wait3A_327 = arith.constant 0 : i32
    %dma_wait3A_328 = tpu.memref_slice %arg2[%add3A_285, %dma_wait3A_326, %dma_wait3A_327] : memref<8192x4x512xf32, #tpu.memory_space<hbm>> -> memref<16x4x512xf32, #tpu.memory_space<hbm>>
    %dma_wait3A_329 = arith.constant 0 : i32
    %dma_wait3A_330 = arith.constant 0 : i32
    %dma_wait3A_331 = tpu.memref_slice %arg2[%add3A_285, %dma_wait3A_329, %dma_wait3A_330] : memref<8192x4x512xf32, #tpu.memory_space<hbm>> -> memref<16x4x512xf32, #tpu.memory_space<hbm>>
    tpu.wait_dma2 semaphore(%arg9 : memref<!tpu.dma_semaphore, #tpu.memory_space<semaphore_mem>>) src(%dma_wait3A_331 : memref<16x4x512xf32, #tpu.memory_space<hbm>>) dst(%arg5 : memref<16x4x512xf32, #tpu.memory_space<vmem>>)
    %scan3A_332 = arith.constant 0 : i32
    %scan3A_333 = arith.constant 0 : i32
    %scan3A_334 = arith.constant 16 : i32
    %scan3A_335 = arith.addi %scan3A_333, %scan3A_334 : i32
    %scan3A_336 = arith.constant 1 : i32
    scf.for %scan3A_554 = %scan3A_333 to %scan3A_335 step %scan3A_336  : i32 {
      %get3A_555 = arith.constant 0 : i32
      %get3A_556 = arith.index_cast %scan3A_554 : i32 to index
      %get3A_557 = arith.index_cast %get3A_555 : i32 to index
      %get3A_558 = arith.constant 128 : index
      %get3A_559 = tpu.vector_load %arg5[%get3A_556, %get3A_557, %get3A_558] {strides = array<i32>} : memref<16x4x512xf32, #tpu.memory_space<vmem>>, vector<1x1x16xf32>,
      %get3A_560 = vector.shape_cast %get3A_559 : vector<1x1x16xf32> to vector<16xf32>
      %get3A_561 = arith.constant 1 : i32
      %get3A_562 = arith.index_cast %scan3A_554 : i32 to index
      %get3A_563 = arith.index_cast %get3A_561 : i32 to index
      %get3A_564 = arith.constant 128 : index
      %get3A_565 = tpu.vector_load %arg5[%get3A_562, %get3A_563, %get3A_564] {strides = array<i32>} : memref<16x4x512xf32, #tpu.memory_space<vmem>>, vector<1x1x16xf32>,
      %get3A_566 = vector.shape_cast %get3A_565 : vector<1x1x16xf32> to vector<16xf32>
      %get3A_567 = arith.constant 2 : i32
      %get3A_568 = arith.index_cast %scan3A_554 : i32 to index
      %get3A_569 = arith.index_cast %get3A_567 : i32 to index
      %get3A_570 = arith.constant 128 : index
      %get3A_571 = tpu.vector_load %arg5[%get3A_568, %get3A_569, %get3A_570] {strides = array<i32>} : memref<16x4x512xf32, #tpu.memory_space<vmem>>, vector<1x1x16xf32>,
      %get3A_572 = vector.shape_cast %get3A_571 : vector<1x1x16xf32> to vector<16xf32>
      %get3A_573 = arith.constant 3 : i32
      %get3A_574 = arith.index_cast %scan3A_554 : i32 to index
      %get3A_575 = arith.index_cast %get3A_573 : i32 to index
      %get3A_576 = arith.constant 128 : index
      %get3A_577 = tpu.vector_load %arg5[%get3A_574, %get3A_575, %get3A_576] {strides = array<i32>} : memref<16x4x512xf32, #tpu.memory_space<vmem>>, vector<1x1x16xf32>,
      %get3A_578 = vector.shape_cast %get3A_577 : vector<1x1x16xf32> to vector<16xf32>
      %mul3A_579 = vector.broadcast %squeeze3A : f32 to vector<16xf32>
      %mul3A_580 = arith.mulf %get3A_572, %mul3A_579 : vector<16xf32>
      %mul3A_581 = vector.broadcast %squeeze3A_6 : f32 to vector<16xf32>
      %mul3A_582 = arith.mulf %get3A_578, %mul3A_581 : vector<16xf32>
      %add3A_583 = arith.addf %mul3A_580, %mul3A_582 : vector<16xf32>
      %mul3A_584 = arith.constant 2.000000e+00 : f32
      %mul3A_585 = vector.broadcast %mul3A_584 : f32 to vector<16xf32>
      %mul3A_586 = arith.mulf %mul3A_585, %add3A_583 : vector<16xf32>
      %mul3A_587 = vector.broadcast %squeeze3A : f32 to vector<16xf32>
      %mul3A_588 = arith.mulf %mul3A_586, %mul3A_587 : vector<16xf32>
      %sub3A = arith.subf %get3A_572, %mul3A_588 : vector<16xf32>
      %mul3A_589 = arith.constant 2.000000e+00 : f32
      %mul3A_590 = vector.broadcast %mul3A_589 : f32 to vector<16xf32>
      %mul3A_591 = arith.mulf %mul3A_590, %add3A_583 : vector<16xf32>
      %mul3A_592 = vector.broadcast %squeeze3A_6 : f32 to vector<16xf32>
      %mul3A_593 = arith.mulf %mul3A_591, %mul3A_592 : vector<16xf32>
      %sub3A_594 = arith.subf %get3A_578, %mul3A_593 : vector<16xf32>
      %mul3A_595 = vector.broadcast %squeeze3A : f32 to vector<16xf32>
      %mul3A_596 = arith.mulf %get3A_560, %mul3A_595 : vector<16xf32>
      %mul3A_597 = vector.broadcast %squeeze3A_6 : f32 to vector<16xf32>
      %mul3A_598 = arith.mulf %get3A_566, %mul3A_597 : vector<16xf32>
      %add3A_599 = arith.addf %mul3A_596, %mul3A_598 : vector<16xf32>
      %add3A_600 = arith.addf %squeeze3A_8, %squeeze3A_10 : f32
      %sub3A_601 = vector.broadcast %add3A_600 : f32 to vector<16xf32>
      %sub3A_602 = arith.subf %sub3A_601, %add3A_599 : vector<16xf32>
      %max3A = arith.constant 0.000000e+00 : f32
      %max3A_603 = vector.broadcast %max3A : f32 to vector<16xf32>
      %max3A_604 = arith.maximumf %sub3A_602, %max3A_603 : vector<16xf32>
      %mul3A_605 = vector.broadcast %squeeze3A : f32 to vector<16xf32>
      %mul3A_606 = arith.mulf %max3A_604, %mul3A_605 : vector<16xf32>
      %add3A_607 = arith.addf %get3A_560, %mul3A_606 : vector<16xf32>
      %mul3A_608 = vector.broadcast %squeeze3A_6 : f32 to vector<16xf32>
      %mul3A_609 = arith.mulf %max3A_604, %mul3A_608 : vector<16xf32>
      %add3A_610 = arith.addf %get3A_566, %mul3A_609 : vector<16xf32>
      %select_n3A = arith.select %eq3A_12, %add3A_607, %get3A_560 : vector<16xi1>, vector<16xf32>
      %swap3A = arith.constant 0 : i32
      %swap3A_611 = arith.index_cast %scan3A_554 : i32 to index
      %swap3A_612 = arith.index_cast %swap3A : i32 to index
      %swap3A_613 = arith.constant 128 : index
      %swap3A_614 = tpu.vector_load %arg5[%swap3A_611, %swap3A_612, %swap3A_613] {strides = array<i32>} : memref<16x4x512xf32, #tpu.memory_space<vmem>>, vector<1x1x16xf32>,
      %swap3A_615 = vector.shape_cast %swap3A_614 : vector<1x1x16xf32> to vector<16xf32>
      %swap3A_616 = vector.shape_cast %select_n3A : vector<16xf32> to vector<1x1x16xf32>
      tpu.vector_store %arg5[%swap3A_611, %swap3A_612, %swap3A_613], %swap3A_616 {strides = array<i32>} : memref<16x4x512xf32, #tpu.memory_space<vmem>>, vector<1x1x16xf32>,
      %select_n3A_617 = arith.select %eq3A_12, %add3A_610, %get3A_566 : vector<16xi1>, vector<16xf32>
      %swap3A_618 = arith.constant 1 : i32
      %swap3A_619 = arith.index_cast %scan3A_554 : i32 to index
      %swap3A_620 = arith.index_cast %swap3A_618 : i32 to index
      %swap3A_621 = arith.constant 128 : index
      %swap3A_622 = tpu.vector_load %arg5[%swap3A_619, %swap3A_620, %swap3A_621] {strides = array<i32>} : memref<16x4x512xf32, #tpu.memory_space<vmem>>, vector<1x1x16xf32>,
      %swap3A_623 = vector.shape_cast %swap3A_622 : vector<1x1x16xf32> to vector<16xf32>
      %swap3A_624 = vector.shape_cast %select_n3A_617 : vector<16xf32> to vector<1x1x16xf32>
      tpu.vector_store %arg5[%swap3A_619, %swap3A_620, %swap3A_621], %swap3A_624 {strides = array<i32>} : memref<16x4x512xf32, #tpu.memory_space<vmem>>, vector<1x1x16xf32>,
      %select_n3A_625 = arith.select %eq3A_12, %sub3A, %get3A_572 : vector<16xi1>, vector<16xf32>
      %swap3A_626 = arith.constant 2 : i32
      %swap3A_627 = arith.index_cast %scan3A_554 : i32 to index
      %swap3A_628 = arith.index_cast %swap3A_626 : i32 to index
      %swap3A_629 = arith.constant 128 : index
      %swap3A_630 = tpu.vector_load %arg5[%swap3A_627, %swap3A_628, %swap3A_629] {strides = array<i32>} : memref<16x4x512xf32, #tpu.memory_space<vmem>>, vector<1x1x16xf32>,
      %swap3A_631 = vector.shape_cast %swap3A_630 : vector<1x1x16xf32> to vector<16xf32>
      %swap3A_632 = vector.shape_cast %select_n3A_625 : vector<16xf32> to vector<1x1x16xf32>
      tpu.vector_store %arg5[%swap3A_627, %swap3A_628, %swap3A_629], %swap3A_632 {strides = array<i32>} : memref<16x4x512xf32, #tpu.memory_space<vmem>>, vector<1x1x16xf32>,
      %select_n3A_633 = arith.select %eq3A_12, %sub3A_594, %get3A_578 : vector<16xi1>, vector<16xf32>
      %swap3A_634 = arith.constant 3 : i32
      %swap3A_635 = arith.index_cast %scan3A_554 : i32 to index
      %swap3A_636 = arith.index_cast %swap3A_634 : i32 to index
      %swap3A_637 = arith.constant 128 : index
      %swap3A_638 = tpu.vector_load %arg5[%swap3A_635, %swap3A_636, %swap3A_637] {strides = array<i32>} : memref<16x4x512xf32, #tpu.memory_space<vmem>>, vector<1x1x16xf32>,
      %swap3A_639 = vector.shape_cast %swap3A_638 : vector<1x1x16xf32> to vector<16xf32>
      %swap3A_640 = vector.shape_cast %select_n3A_633 : vector<16xf32> to vector<1x1x16xf32>
      tpu.vector_store %arg5[%swap3A_635, %swap3A_636, %swap3A_637], %swap3A_640 {strides = array<i32>} : memref<16x4x512xf32, #tpu.memory_space<vmem>>, vector<1x1x16xf32>,
    }
    %scan3A_337 = arith.constant 16 : i32
    %add3A_338 = arith.constant 144 : i32
    %add3A_339 = arith.addi %mul3A_2, %add3A_338 : i32
    %dma_start3A_340 = arith.constant 0 : i32
    %dma_start3A_341 = arith.constant 0 : i32
    %dma_start3A_342 = tpu.memref_slice %arg4[%add3A_339, %dma_start3A_340, %dma_start3A_341] : memref<8192x4x512xf32, #tpu.memory_space<hbm>> -> memref<16x4x512xf32, #tpu.memory_space<hbm>>
    %dma_start3A_343 = arith.constant 0 : i32
    %dma_start3A_344 = arith.constant 0 : i32
    %dma_start3A_345 = tpu.memref_slice %arg4[%add3A_339, %dma_start3A_343, %dma_start3A_344] : memref<8192x4x512xf32, #tpu.memory_space<hbm>> -> memref<16x4x512xf32, #tpu.memory_space<hbm>>
    tpu.enqueue_dma source(%arg5 : memref<16x4x512xf32, #tpu.memory_space<vmem>>) target(%dma_start3A_345 : memref<16x4x512xf32, #tpu.memory_space<hbm>>) target_semaphore(%arg12 : memref<!tpu.dma_semaphore, #tpu.memory_space<semaphore_mem>>)
    %dma_wait3A_346 = arith.constant 0 : i32
    %dma_wait3A_347 = arith.constant 0 : i32
    %dma_wait3A_348 = tpu.memref_slice %arg4[%add3A_305, %dma_wait3A_346, %dma_wait3A_347] : memref<8192x4x512xf32, #tpu.memory_space<hbm>> -> memref<16x4x512xf32, #tpu.memory_space<hbm>>
    %dma_wait3A_349 = arith.constant 0 : i32
    %dma_wait3A_350 = arith.constant 0 : i32
    %dma_wait3A_351 = tpu.memref_slice %arg4[%add3A_305, %dma_wait3A_349, %dma_wait3A_350] : memref<8192x4x512xf32, #tpu.memory_space<hbm>> -> memref<16x4x512xf32, #tpu.memory_space<hbm>>
    tpu.wait_dma2 semaphore(%arg14 : memref<!tpu.dma_semaphore, #tpu.memory_space<semaphore_mem>>) src(%arg7 : memref<16x4x512xf32, #tpu.memory_space<vmem>>) dst(%dma_wait3A_351 : memref<16x4x512xf32, #tpu.memory_space<hbm>>)
    %add3A_352 = arith.constant 176 : i32
    %add3A_353 = arith.addi %mul3A_2, %add3A_352 : i32
    %dma_start3A_354 = arith.constant 0 : i32
    %dma_start3A_355 = arith.constant 0 : i32
    %dma_start3A_356 = tpu.memref_slice %arg2[%add3A_353, %dma_start3A_354, %dma_start3A_355] : memref<8192x4x512xf32, #tpu.memory_space<hbm>> -> memref<16x4x512xf32, #tpu.memory_space<hbm>>
    %dma_start3A_357 = arith.constant 0 : i32
    %dma_start3A_358 = arith.constant 0 : i32
    %dma_start3A_359 = tpu.memref_slice %arg2[%add3A_353, %dma_start3A_357, %dma_start3A_358] : memref<8192x4x512xf32, #tpu.memory_space<hbm>> -> memref<16x4x512xf32, #tpu.memory_space<hbm>>
    tpu.enqueue_dma source(%dma_start3A_359 : memref<16x4x512xf32, #tpu.memory_space<hbm>>) target(%arg7 : memref<16x4x512xf32, #tpu.memory_space<vmem>>) target_semaphore(%arg11 : memref<!tpu.dma_semaphore, #tpu.memory_space<semaphore_mem>>)
    %dma_wait3A_360 = arith.constant 0 : i32
    %dma_wait3A_361 = arith.constant 0 : i32
    %dma_wait3A_362 = tpu.memref_slice %arg2[%add3A_319, %dma_wait3A_360, %dma_wait3A_361] : memref<8192x4x512xf32, #tpu.memory_space<hbm>> -> memref<16x4x512xf32, #tpu.memory_space<hbm>>
    %dma_wait3A_363 = arith.constant 0 : i32
    %dma_wait3A_364 = arith.constant 0 : i32
    %dma_wait3A_365 = tpu.memref_slice %arg2[%add3A_319, %dma_wait3A_363, %dma_wait3A_364] : memref<8192x4x512xf32, #tpu.memory_space<hbm>> -> memref<16x4x512xf32, #tpu.memory_space<hbm>>
    tpu.wait_dma2 semaphore(%arg10 : memref<!tpu.dma_semaphore, #tpu.memory_space<semaphore_mem>>) src(%dma_wait3A_365 : memref<16x4x512xf32, #tpu.memory_space<hbm>>) dst(%arg6 : memref<16x4x512xf32, #tpu.memory_space<vmem>>)
    %scan3A_366 = arith.constant 0 : i32
    %scan3A_367 = arith.constant 0 : i32
    %scan3A_368 = arith.constant 16 : i32
    %scan3A_369 = arith.addi %scan3A_367, %scan3A_368 : i32
    %scan3A_370 = arith.constant 1 : i32
    scf.for %scan3A_554 = %scan3A_367 to %scan3A_369 step %scan3A_370  : i32 {
      %get3A_555 = arith.constant 0 : i32
      %get3A_556 = arith.index_cast %scan3A_554 : i32 to index
      %get3A_557 = arith.index_cast %get3A_555 : i32 to index
      %get3A_558 = arith.constant 128 : index
      %get3A_559 = tpu.vector_load %arg6[%get3A_556, %get3A_557, %get3A_558] {strides = array<i32>} : memref<16x4x512xf32, #tpu.memory_space<vmem>>, vector<1x1x16xf32>,
      %get3A_560 = vector.shape_cast %get3A_559 : vector<1x1x16xf32> to vector<16xf32>
      %get3A_561 = arith.constant 1 : i32
      %get3A_562 = arith.index_cast %scan3A_554 : i32 to index
      %get3A_563 = arith.index_cast %get3A_561 : i32 to index
      %get3A_564 = arith.constant 128 : index
      %get3A_565 = tpu.vector_load %arg6[%get3A_562, %get3A_563, %get3A_564] {strides = array<i32>} : memref<16x4x512xf32, #tpu.memory_space<vmem>>, vector<1x1x16xf32>,
      %get3A_566 = vector.shape_cast %get3A_565 : vector<1x1x16xf32> to vector<16xf32>
      %get3A_567 = arith.constant 2 : i32
      %get3A_568 = arith.index_cast %scan3A_554 : i32 to index
      %get3A_569 = arith.index_cast %get3A_567 : i32 to index
      %get3A_570 = arith.constant 128 : index
      %get3A_571 = tpu.vector_load %arg6[%get3A_568, %get3A_569, %get3A_570] {strides = array<i32>} : memref<16x4x512xf32, #tpu.memory_space<vmem>>, vector<1x1x16xf32>,
      %get3A_572 = vector.shape_cast %get3A_571 : vector<1x1x16xf32> to vector<16xf32>
      %get3A_573 = arith.constant 3 : i32
      %get3A_574 = arith.index_cast %scan3A_554 : i32 to index
      %get3A_575 = arith.index_cast %get3A_573 : i32 to index
      %get3A_576 = arith.constant 128 : index
      %get3A_577 = tpu.vector_load %arg6[%get3A_574, %get3A_575, %get3A_576] {strides = array<i32>} : memref<16x4x512xf32, #tpu.memory_space<vmem>>, vector<1x1x16xf32>,
      %get3A_578 = vector.shape_cast %get3A_577 : vector<1x1x16xf32> to vector<16xf32>
      %mul3A_579 = vector.broadcast %squeeze3A : f32 to vector<16xf32>
      %mul3A_580 = arith.mulf %get3A_572, %mul3A_579 : vector<16xf32>
      %mul3A_581 = vector.broadcast %squeeze3A_6 : f32 to vector<16xf32>
      %mul3A_582 = arith.mulf %get3A_578, %mul3A_581 : vector<16xf32>
      %add3A_583 = arith.addf %mul3A_580, %mul3A_582 : vector<16xf32>
      %mul3A_584 = arith.constant 2.000000e+00 : f32
      %mul3A_585 = vector.broadcast %mul3A_584 : f32 to vector<16xf32>
      %mul3A_586 = arith.mulf %mul3A_585, %add3A_583 : vector<16xf32>
      %mul3A_587 = vector.broadcast %squeeze3A : f32 to vector<16xf32>
      %mul3A_588 = arith.mulf %mul3A_586, %mul3A_587 : vector<16xf32>
      %sub3A = arith.subf %get3A_572, %mul3A_588 : vector<16xf32>
      %mul3A_589 = arith.constant 2.000000e+00 : f32
      %mul3A_590 = vector.broadcast %mul3A_589 : f32 to vector<16xf32>
      %mul3A_591 = arith.mulf %mul3A_590, %add3A_583 : vector<16xf32>
      %mul3A_592 = vector.broadcast %squeeze3A_6 : f32 to vector<16xf32>
      %mul3A_593 = arith.mulf %mul3A_591, %mul3A_592 : vector<16xf32>
      %sub3A_594 = arith.subf %get3A_578, %mul3A_593 : vector<16xf32>
      %mul3A_595 = vector.broadcast %squeeze3A : f32 to vector<16xf32>
      %mul3A_596 = arith.mulf %get3A_560, %mul3A_595 : vector<16xf32>
      %mul3A_597 = vector.broadcast %squeeze3A_6 : f32 to vector<16xf32>
      %mul3A_598 = arith.mulf %get3A_566, %mul3A_597 : vector<16xf32>
      %add3A_599 = arith.addf %mul3A_596, %mul3A_598 : vector<16xf32>
      %add3A_600 = arith.addf %squeeze3A_8, %squeeze3A_10 : f32
      %sub3A_601 = vector.broadcast %add3A_600 : f32 to vector<16xf32>
      %sub3A_602 = arith.subf %sub3A_601, %add3A_599 : vector<16xf32>
      %max3A = arith.constant 0.000000e+00 : f32
      %max3A_603 = vector.broadcast %max3A : f32 to vector<16xf32>
      %max3A_604 = arith.maximumf %sub3A_602, %max3A_603 : vector<16xf32>
      %mul3A_605 = vector.broadcast %squeeze3A : f32 to vector<16xf32>
      %mul3A_606 = arith.mulf %max3A_604, %mul3A_605 : vector<16xf32>
      %add3A_607 = arith.addf %get3A_560, %mul3A_606 : vector<16xf32>
      %mul3A_608 = vector.broadcast %squeeze3A_6 : f32 to vector<16xf32>
      %mul3A_609 = arith.mulf %max3A_604, %mul3A_608 : vector<16xf32>
      %add3A_610 = arith.addf %get3A_566, %mul3A_609 : vector<16xf32>
      %select_n3A = arith.select %eq3A_12, %add3A_607, %get3A_560 : vector<16xi1>, vector<16xf32>
      %swap3A = arith.constant 0 : i32
      %swap3A_611 = arith.index_cast %scan3A_554 : i32 to index
      %swap3A_612 = arith.index_cast %swap3A : i32 to index
      %swap3A_613 = arith.constant 128 : index
      %swap3A_614 = tpu.vector_load %arg6[%swap3A_611, %swap3A_612, %swap3A_613] {strides = array<i32>} : memref<16x4x512xf32, #tpu.memory_space<vmem>>, vector<1x1x16xf32>,
      %swap3A_615 = vector.shape_cast %swap3A_614 : vector<1x1x16xf32> to vector<16xf32>
      %swap3A_616 = vector.shape_cast %select_n3A : vector<16xf32> to vector<1x1x16xf32>
      tpu.vector_store %arg6[%swap3A_611, %swap3A_612, %swap3A_613], %swap3A_616 {strides = array<i32>} : memref<16x4x512xf32, #tpu.memory_space<vmem>>, vector<1x1x16xf32>,
      %select_n3A_617 = arith.select %eq3A_12, %add3A_610, %get3A_566 : vector<16xi1>, vector<16xf32>
      %swap3A_618 = arith.constant 1 : i32
      %swap3A_619 = arith.index_cast %scan3A_554 : i32 to index
      %swap3A_620 = arith.index_cast %swap3A_618 : i32 to index
      %swap3A_621 = arith.constant 128 : index
      %swap3A_622 = tpu.vector_load %arg6[%swap3A_619, %swap3A_620, %swap3A_621] {strides = array<i32>} : memref<16x4x512xf32, #tpu.memory_space<vmem>>, vector<1x1x16xf32>,
      %swap3A_623 = vector.shape_cast %swap3A_622 : vector<1x1x16xf32> to vector<16xf32>
      %swap3A_624 = vector.shape_cast %select_n3A_617 : vector<16xf32> to vector<1x1x16xf32>
      tpu.vector_store %arg6[%swap3A_619, %swap3A_620, %swap3A_621], %swap3A_624 {strides = array<i32>} : memref<16x4x512xf32, #tpu.memory_space<vmem>>, vector<1x1x16xf32>,
      %select_n3A_625 = arith.select %eq3A_12, %sub3A, %get3A_572 : vector<16xi1>, vector<16xf32>
      %swap3A_626 = arith.constant 2 : i32
      %swap3A_627 = arith.index_cast %scan3A_554 : i32 to index
      %swap3A_628 = arith.index_cast %swap3A_626 : i32 to index
      %swap3A_629 = arith.constant 128 : index
      %swap3A_630 = tpu.vector_load %arg6[%swap3A_627, %swap3A_628, %swap3A_629] {strides = array<i32>} : memref<16x4x512xf32, #tpu.memory_space<vmem>>, vector<1x1x16xf32>,
      %swap3A_631 = vector.shape_cast %swap3A_630 : vector<1x1x16xf32> to vector<16xf32>
      %swap3A_632 = vector.shape_cast %select_n3A_625 : vector<16xf32> to vector<1x1x16xf32>
      tpu.vector_store %arg6[%swap3A_627, %swap3A_628, %swap3A_629], %swap3A_632 {strides = array<i32>} : memref<16x4x512xf32, #tpu.memory_space<vmem>>, vector<1x1x16xf32>,
      %select_n3A_633 = arith.select %eq3A_12, %sub3A_594, %get3A_578 : vector<16xi1>, vector<16xf32>
      %swap3A_634 = arith.constant 3 : i32
      %swap3A_635 = arith.index_cast %scan3A_554 : i32 to index
      %swap3A_636 = arith.index_cast %swap3A_634 : i32 to index
      %swap3A_637 = arith.constant 128 : index
      %swap3A_638 = tpu.vector_load %arg6[%swap3A_635, %swap3A_636, %swap3A_637] {strides = array<i32>} : memref<16x4x512xf32, #tpu.memory_space<vmem>>, vector<1x1x16xf32>,
      %swap3A_639 = vector.shape_cast %swap3A_638 : vector<1x1x16xf32> to vector<16xf32>
      %swap3A_640 = vector.shape_cast %select_n3A_633 : vector<16xf32> to vector<1x1x16xf32>
      tpu.vector_store %arg6[%swap3A_635, %swap3A_636, %swap3A_637], %swap3A_640 {strides = array<i32>} : memref<16x4x512xf32, #tpu.memory_space<vmem>>, vector<1x1x16xf32>,
    }
    %scan3A_371 = arith.constant 16 : i32
    %add3A_372 = arith.constant 160 : i32
    %add3A_373 = arith.addi %mul3A_2, %add3A_372 : i32
    %dma_start3A_374 = arith.constant 0 : i32
    %dma_start3A_375 = arith.constant 0 : i32
    %dma_start3A_376 = tpu.memref_slice %arg4[%add3A_373, %dma_start3A_374, %dma_start3A_375] : memref<8192x4x512xf32, #tpu.memory_space<hbm>> -> memref<16x4x512xf32, #tpu.memory_space<hbm>>
    %dma_start3A_377 = arith.constant 0 : i32
    %dma_start3A_378 = arith.constant 0 : i32
    %dma_start3A_379 = tpu.memref_slice %arg4[%add3A_373, %dma_start3A_377, %dma_start3A_378] : memref<8192x4x512xf32, #tpu.memory_space<hbm>> -> memref<16x4x512xf32, #tpu.memory_space<hbm>>
    tpu.enqueue_dma source(%arg6 : memref<16x4x512xf32, #tpu.memory_space<vmem>>) target(%dma_start3A_379 : memref<16x4x512xf32, #tpu.memory_space<hbm>>) target_semaphore(%arg13 : memref<!tpu.dma_semaphore, #tpu.memory_space<semaphore_mem>>)
    %dma_wait3A_380 = arith.constant 0 : i32
    %dma_wait3A_381 = arith.constant 0 : i32
    %dma_wait3A_382 = tpu.memref_slice %arg4[%add3A_339, %dma_wait3A_380, %dma_wait3A_381] : memref<8192x4x512xf32, #tpu.memory_space<hbm>> -> memref<16x4x512xf32, #tpu.memory_space<hbm>>
    %dma_wait3A_383 = arith.constant 0 : i32
    %dma_wait3A_384 = arith.constant 0 : i32
    %dma_wait3A_385 = tpu.memref_slice %arg4[%add3A_339, %dma_wait3A_383, %dma_wait3A_384] : memref<8192x4x512xf32, #tpu.memory_space<hbm>> -> memref<16x4x512xf32, #tpu.memory_space<hbm>>
    tpu.wait_dma2 semaphore(%arg12 : memref<!tpu.dma_semaphore, #tpu.memory_space<semaphore_mem>>) src(%arg5 : memref<16x4x512xf32, #tpu.memory_space<vmem>>) dst(%dma_wait3A_385 : memref<16x4x512xf32, #tpu.memory_space<hbm>>)
    %add3A_386 = arith.constant 192 : i32
    %add3A_387 = arith.addi %mul3A_2, %add3A_386 : i32
    %dma_start3A_388 = arith.constant 0 : i32
    %dma_start3A_389 = arith.constant 0 : i32
    %dma_start3A_390 = tpu.memref_slice %arg2[%add3A_387, %dma_start3A_388, %dma_start3A_389] : memref<8192x4x512xf32, #tpu.memory_space<hbm>> -> memref<16x4x512xf32, #tpu.memory_space<hbm>>
    %dma_start3A_391 = arith.constant 0 : i32
    %dma_start3A_392 = arith.constant 0 : i32
    %dma_start3A_393 = tpu.memref_slice %arg2[%add3A_387, %dma_start3A_391, %dma_start3A_392] : memref<8192x4x512xf32, #tpu.memory_space<hbm>> -> memref<16x4x512xf32, #tpu.memory_space<hbm>>
    tpu.enqueue_dma source(%dma_start3A_393 : memref<16x4x512xf32, #tpu.memory_space<hbm>>) target(%arg5 : memref<16x4x512xf32, #tpu.memory_space<vmem>>) target_semaphore(%arg9 : memref<!tpu.dma_semaphore, #tpu.memory_space<semaphore_mem>>)
    %dma_wait3A_394 = arith.constant 0 : i32
    %dma_wait3A_395 = arith.constant 0 : i32
    %dma_wait3A_396 = tpu.memref_slice %arg2[%add3A_353, %dma_wait3A_394, %dma_wait3A_395] : memref<8192x4x512xf32, #tpu.memory_space<hbm>> -> memref<16x4x512xf32, #tpu.memory_space<hbm>>
    %dma_wait3A_397 = arith.constant 0 : i32
    %dma_wait3A_398 = arith.constant 0 : i32
    %dma_wait3A_399 = tpu.memref_slice %arg2[%add3A_353, %dma_wait3A_397, %dma_wait3A_398] : memref<8192x4x512xf32, #tpu.memory_space<hbm>> -> memref<16x4x512xf32, #tpu.memory_space<hbm>>
    tpu.wait_dma2 semaphore(%arg11 : memref<!tpu.dma_semaphore, #tpu.memory_space<semaphore_mem>>) src(%dma_wait3A_399 : memref<16x4x512xf32, #tpu.memory_space<hbm>>) dst(%arg7 : memref<16x4x512xf32, #tpu.memory_space<vmem>>)
    %scan3A_400 = arith.constant 0 : i32
    %scan3A_401 = arith.constant 0 : i32
    %scan3A_402 = arith.constant 16 : i32
    %scan3A_403 = arith.addi %scan3A_401, %scan3A_402 : i32
    %scan3A_404 = arith.constant 1 : i32
    scf.for %scan3A_554 = %scan3A_401 to %scan3A_403 step %scan3A_404  : i32 {
      %get3A_555 = arith.constant 0 : i32
      %get3A_556 = arith.index_cast %scan3A_554 : i32 to index
      %get3A_557 = arith.index_cast %get3A_555 : i32 to index
      %get3A_558 = arith.constant 128 : index
      %get3A_559 = tpu.vector_load %arg7[%get3A_556, %get3A_557, %get3A_558] {strides = array<i32>} : memref<16x4x512xf32, #tpu.memory_space<vmem>>, vector<1x1x16xf32>,
      %get3A_560 = vector.shape_cast %get3A_559 : vector<1x1x16xf32> to vector<16xf32>
      %get3A_561 = arith.constant 1 : i32
      %get3A_562 = arith.index_cast %scan3A_554 : i32 to index
      %get3A_563 = arith.index_cast %get3A_561 : i32 to index
      %get3A_564 = arith.constant 128 : index
      %get3A_565 = tpu.vector_load %arg7[%get3A_562, %get3A_563, %get3A_564] {strides = array<i32>} : memref<16x4x512xf32, #tpu.memory_space<vmem>>, vector<1x1x16xf32>,
      %get3A_566 = vector.shape_cast %get3A_565 : vector<1x1x16xf32> to vector<16xf32>
      %get3A_567 = arith.constant 2 : i32
      %get3A_568 = arith.index_cast %scan3A_554 : i32 to index
      %get3A_569 = arith.index_cast %get3A_567 : i32 to index
      %get3A_570 = arith.constant 128 : index
      %get3A_571 = tpu.vector_load %arg7[%get3A_568, %get3A_569, %get3A_570] {strides = array<i32>} : memref<16x4x512xf32, #tpu.memory_space<vmem>>, vector<1x1x16xf32>,
      %get3A_572 = vector.shape_cast %get3A_571 : vector<1x1x16xf32> to vector<16xf32>
      %get3A_573 = arith.constant 3 : i32
      %get3A_574 = arith.index_cast %scan3A_554 : i32 to index
      %get3A_575 = arith.index_cast %get3A_573 : i32 to index
      %get3A_576 = arith.constant 128 : index
      %get3A_577 = tpu.vector_load %arg7[%get3A_574, %get3A_575, %get3A_576] {strides = array<i32>} : memref<16x4x512xf32, #tpu.memory_space<vmem>>, vector<1x1x16xf32>,
      %get3A_578 = vector.shape_cast %get3A_577 : vector<1x1x16xf32> to vector<16xf32>
      %mul3A_579 = vector.broadcast %squeeze3A : f32 to vector<16xf32>
      %mul3A_580 = arith.mulf %get3A_572, %mul3A_579 : vector<16xf32>
      %mul3A_581 = vector.broadcast %squeeze3A_6 : f32 to vector<16xf32>
      %mul3A_582 = arith.mulf %get3A_578, %mul3A_581 : vector<16xf32>
      %add3A_583 = arith.addf %mul3A_580, %mul3A_582 : vector<16xf32>
      %mul3A_584 = arith.constant 2.000000e+00 : f32
      %mul3A_585 = vector.broadcast %mul3A_584 : f32 to vector<16xf32>
      %mul3A_586 = arith.mulf %mul3A_585, %add3A_583 : vector<16xf32>
      %mul3A_587 = vector.broadcast %squeeze3A : f32 to vector<16xf32>
      %mul3A_588 = arith.mulf %mul3A_586, %mul3A_587 : vector<16xf32>
      %sub3A = arith.subf %get3A_572, %mul3A_588 : vector<16xf32>
      %mul3A_589 = arith.constant 2.000000e+00 : f32
      %mul3A_590 = vector.broadcast %mul3A_589 : f32 to vector<16xf32>
      %mul3A_591 = arith.mulf %mul3A_590, %add3A_583 : vector<16xf32>
      %mul3A_592 = vector.broadcast %squeeze3A_6 : f32 to vector<16xf32>
      %mul3A_593 = arith.mulf %mul3A_591, %mul3A_592 : vector<16xf32>
      %sub3A_594 = arith.subf %get3A_578, %mul3A_593 : vector<16xf32>
      %mul3A_595 = vector.broadcast %squeeze3A : f32 to vector<16xf32>
      %mul3A_596 = arith.mulf %get3A_560, %mul3A_595 : vector<16xf32>
      %mul3A_597 = vector.broadcast %squeeze3A_6 : f32 to vector<16xf32>
      %mul3A_598 = arith.mulf %get3A_566, %mul3A_597 : vector<16xf32>
      %add3A_599 = arith.addf %mul3A_596, %mul3A_598 : vector<16xf32>
      %add3A_600 = arith.addf %squeeze3A_8, %squeeze3A_10 : f32
      %sub3A_601 = vector.broadcast %add3A_600 : f32 to vector<16xf32>
      %sub3A_602 = arith.subf %sub3A_601, %add3A_599 : vector<16xf32>
      %max3A = arith.constant 0.000000e+00 : f32
      %max3A_603 = vector.broadcast %max3A : f32 to vector<16xf32>
      %max3A_604 = arith.maximumf %sub3A_602, %max3A_603 : vector<16xf32>
      %mul3A_605 = vector.broadcast %squeeze3A : f32 to vector<16xf32>
      %mul3A_606 = arith.mulf %max3A_604, %mul3A_605 : vector<16xf32>
      %add3A_607 = arith.addf %get3A_560, %mul3A_606 : vector<16xf32>
      %mul3A_608 = vector.broadcast %squeeze3A_6 : f32 to vector<16xf32>
      %mul3A_609 = arith.mulf %max3A_604, %mul3A_608 : vector<16xf32>
      %add3A_610 = arith.addf %get3A_566, %mul3A_609 : vector<16xf32>
      %select_n3A = arith.select %eq3A_12, %add3A_607, %get3A_560 : vector<16xi1>, vector<16xf32>
      %swap3A = arith.constant 0 : i32
      %swap3A_611 = arith.index_cast %scan3A_554 : i32 to index
      %swap3A_612 = arith.index_cast %swap3A : i32 to index
      %swap3A_613 = arith.constant 128 : index
      %swap3A_614 = tpu.vector_load %arg7[%swap3A_611, %swap3A_612, %swap3A_613] {strides = array<i32>} : memref<16x4x512xf32, #tpu.memory_space<vmem>>, vector<1x1x16xf32>,
      %swap3A_615 = vector.shape_cast %swap3A_614 : vector<1x1x16xf32> to vector<16xf32>
      %swap3A_616 = vector.shape_cast %select_n3A : vector<16xf32> to vector<1x1x16xf32>
      tpu.vector_store %arg7[%swap3A_611, %swap3A_612, %swap3A_613], %swap3A_616 {strides = array<i32>} : memref<16x4x512xf32, #tpu.memory_space<vmem>>, vector<1x1x16xf32>,
      %select_n3A_617 = arith.select %eq3A_12, %add3A_610, %get3A_566 : vector<16xi1>, vector<16xf32>
      %swap3A_618 = arith.constant 1 : i32
      %swap3A_619 = arith.index_cast %scan3A_554 : i32 to index
      %swap3A_620 = arith.index_cast %swap3A_618 : i32 to index
      %swap3A_621 = arith.constant 128 : index
      %swap3A_622 = tpu.vector_load %arg7[%swap3A_619, %swap3A_620, %swap3A_621] {strides = array<i32>} : memref<16x4x512xf32, #tpu.memory_space<vmem>>, vector<1x1x16xf32>,
      %swap3A_623 = vector.shape_cast %swap3A_622 : vector<1x1x16xf32> to vector<16xf32>
      %swap3A_624 = vector.shape_cast %select_n3A_617 : vector<16xf32> to vector<1x1x16xf32>
      tpu.vector_store %arg7[%swap3A_619, %swap3A_620, %swap3A_621], %swap3A_624 {strides = array<i32>} : memref<16x4x512xf32, #tpu.memory_space<vmem>>, vector<1x1x16xf32>,
      %select_n3A_625 = arith.select %eq3A_12, %sub3A, %get3A_572 : vector<16xi1>, vector<16xf32>
      %swap3A_626 = arith.constant 2 : i32
      %swap3A_627 = arith.index_cast %scan3A_554 : i32 to index
      %swap3A_628 = arith.index_cast %swap3A_626 : i32 to index
      %swap3A_629 = arith.constant 128 : index
      %swap3A_630 = tpu.vector_load %arg7[%swap3A_627, %swap3A_628, %swap3A_629] {strides = array<i32>} : memref<16x4x512xf32, #tpu.memory_space<vmem>>, vector<1x1x16xf32>,
      %swap3A_631 = vector.shape_cast %swap3A_630 : vector<1x1x16xf32> to vector<16xf32>
      %swap3A_632 = vector.shape_cast %select_n3A_625 : vector<16xf32> to vector<1x1x16xf32>
      tpu.vector_store %arg7[%swap3A_627, %swap3A_628, %swap3A_629], %swap3A_632 {strides = array<i32>} : memref<16x4x512xf32, #tpu.memory_space<vmem>>, vector<1x1x16xf32>,
      %select_n3A_633 = arith.select %eq3A_12, %sub3A_594, %get3A_578 : vector<16xi1>, vector<16xf32>
      %swap3A_634 = arith.constant 3 : i32
      %swap3A_635 = arith.index_cast %scan3A_554 : i32 to index
      %swap3A_636 = arith.index_cast %swap3A_634 : i32 to index
      %swap3A_637 = arith.constant 128 : index
      %swap3A_638 = tpu.vector_load %arg7[%swap3A_635, %swap3A_636, %swap3A_637] {strides = array<i32>} : memref<16x4x512xf32, #tpu.memory_space<vmem>>, vector<1x1x16xf32>,
      %swap3A_639 = vector.shape_cast %swap3A_638 : vector<1x1x16xf32> to vector<16xf32>
      %swap3A_640 = vector.shape_cast %select_n3A_633 : vector<16xf32> to vector<1x1x16xf32>
      tpu.vector_store %arg7[%swap3A_635, %swap3A_636, %swap3A_637], %swap3A_640 {strides = array<i32>} : memref<16x4x512xf32, #tpu.memory_space<vmem>>, vector<1x1x16xf32>,
    }
    %scan3A_405 = arith.constant 16 : i32
    %add3A_406 = arith.constant 176 : i32
    %add3A_407 = arith.addi %mul3A_2, %add3A_406 : i32
    %dma_start3A_408 = arith.constant 0 : i32
    %dma_start3A_409 = arith.constant 0 : i32
    %dma_start3A_410 = tpu.memref_slice %arg4[%add3A_407, %dma_start3A_408, %dma_start3A_409] : memref<8192x4x512xf32, #tpu.memory_space<hbm>> -> memref<16x4x512xf32, #tpu.memory_space<hbm>>
    %dma_start3A_411 = arith.constant 0 : i32
    %dma_start3A_412 = arith.constant 0 : i32
    %dma_start3A_413 = tpu.memref_slice %arg4[%add3A_407, %dma_start3A_411, %dma_start3A_412] : memref<8192x4x512xf32, #tpu.memory_space<hbm>> -> memref<16x4x512xf32, #tpu.memory_space<hbm>>
    tpu.enqueue_dma source(%arg7 : memref<16x4x512xf32, #tpu.memory_space<vmem>>) target(%dma_start3A_413 : memref<16x4x512xf32, #tpu.memory_space<hbm>>) target_semaphore(%arg14 : memref<!tpu.dma_semaphore, #tpu.memory_space<semaphore_mem>>)
    %dma_wait3A_414 = arith.constant 0 : i32
    %dma_wait3A_415 = arith.constant 0 : i32
    %dma_wait3A_416 = tpu.memref_slice %arg4[%add3A_373, %dma_wait3A_414, %dma_wait3A_415] : memref<8192x4x512xf32, #tpu.memory_space<hbm>> -> memref<16x4x512xf32, #tpu.memory_space<hbm>>
    %dma_wait3A_417 = arith.constant 0 : i32
    %dma_wait3A_418 = arith.constant 0 : i32
    %dma_wait3A_419 = tpu.memref_slice %arg4[%add3A_373, %dma_wait3A_417, %dma_wait3A_418] : memref<8192x4x512xf32, #tpu.memory_space<hbm>> -> memref<16x4x512xf32, #tpu.memory_space<hbm>>
    tpu.wait_dma2 semaphore(%arg13 : memref<!tpu.dma_semaphore, #tpu.memory_space<semaphore_mem>>) src(%arg6 : memref<16x4x512xf32, #tpu.memory_space<vmem>>) dst(%dma_wait3A_419 : memref<16x4x512xf32, #tpu.memory_space<hbm>>)
    %add3A_420 = arith.constant 208 : i32
    %add3A_421 = arith.addi %mul3A_2, %add3A_420 : i32
    %dma_start3A_422 = arith.constant 0 : i32
    %dma_start3A_423 = arith.constant 0 : i32
    %dma_start3A_424 = tpu.memref_slice %arg2[%add3A_421, %dma_start3A_422, %dma_start3A_423] : memref<8192x4x512xf32, #tpu.memory_space<hbm>> -> memref<16x4x512xf32, #tpu.memory_space<hbm>>
    %dma_start3A_425 = arith.constant 0 : i32
    %dma_start3A_426 = arith.constant 0 : i32
    %dma_start3A_427 = tpu.memref_slice %arg2[%add3A_421, %dma_start3A_425, %dma_start3A_426] : memref<8192x4x512xf32, #tpu.memory_space<hbm>> -> memref<16x4x512xf32, #tpu.memory_space<hbm>>
    tpu.enqueue_dma source(%dma_start3A_427 : memref<16x4x512xf32, #tpu.memory_space<hbm>>) target(%arg6 : memref<16x4x512xf32, #tpu.memory_space<vmem>>) target_semaphore(%arg10 : memref<!tpu.dma_semaphore, #tpu.memory_space<semaphore_mem>>)
    %dma_wait3A_428 = arith.constant 0 : i32
    %dma_wait3A_429 = arith.constant 0 : i32
    %dma_wait3A_430 = tpu.memref_slice %arg2[%add3A_387, %dma_wait3A_428, %dma_wait3A_429] : memref<8192x4x512xf32, #tpu.memory_space<hbm>> -> memref<16x4x512xf32, #tpu.memory_space<hbm>>
    %dma_wait3A_431 = arith.constant 0 : i32
    %dma_wait3A_432 = arith.constant 0 : i32
    %dma_wait3A_433 = tpu.memref_slice %arg2[%add3A_387, %dma_wait3A_431, %dma_wait3A_432] : memref<8192x4x512xf32, #tpu.memory_space<hbm>> -> memref<16x4x512xf32, #tpu.memory_space<hbm>>
    tpu.wait_dma2 semaphore(%arg9 : memref<!tpu.dma_semaphore, #tpu.memory_space<semaphore_mem>>) src(%dma_wait3A_433 : memref<16x4x512xf32, #tpu.memory_space<hbm>>) dst(%arg5 : memref<16x4x512xf32, #tpu.memory_space<vmem>>)
    %scan3A_434 = arith.constant 0 : i32
    %scan3A_435 = arith.constant 0 : i32
    %scan3A_436 = arith.constant 16 : i32
    %scan3A_437 = arith.addi %scan3A_435, %scan3A_436 : i32
    %scan3A_438 = arith.constant 1 : i32
    scf.for %scan3A_554 = %scan3A_435 to %scan3A_437 step %scan3A_438  : i32 {
      %get3A_555 = arith.constant 0 : i32
      %get3A_556 = arith.index_cast %scan3A_554 : i32 to index
      %get3A_557 = arith.index_cast %get3A_555 : i32 to index
      %get3A_558 = arith.constant 128 : index
      %get3A_559 = tpu.vector_load %arg5[%get3A_556, %get3A_557, %get3A_558] {strides = array<i32>} : memref<16x4x512xf32, #tpu.memory_space<vmem>>, vector<1x1x16xf32>,
      %get3A_560 = vector.shape_cast %get3A_559 : vector<1x1x16xf32> to vector<16xf32>
      %get3A_561 = arith.constant 1 : i32
      %get3A_562 = arith.index_cast %scan3A_554 : i32 to index
      %get3A_563 = arith.index_cast %get3A_561 : i32 to index
      %get3A_564 = arith.constant 128 : index
      %get3A_565 = tpu.vector_load %arg5[%get3A_562, %get3A_563, %get3A_564] {strides = array<i32>} : memref<16x4x512xf32, #tpu.memory_space<vmem>>, vector<1x1x16xf32>,
      %get3A_566 = vector.shape_cast %get3A_565 : vector<1x1x16xf32> to vector<16xf32>
      %get3A_567 = arith.constant 2 : i32
      %get3A_568 = arith.index_cast %scan3A_554 : i32 to index
      %get3A_569 = arith.index_cast %get3A_567 : i32 to index
      %get3A_570 = arith.constant 128 : index
      %get3A_571 = tpu.vector_load %arg5[%get3A_568, %get3A_569, %get3A_570] {strides = array<i32>} : memref<16x4x512xf32, #tpu.memory_space<vmem>>, vector<1x1x16xf32>,
      %get3A_572 = vector.shape_cast %get3A_571 : vector<1x1x16xf32> to vector<16xf32>
      %get3A_573 = arith.constant 3 : i32
      %get3A_574 = arith.index_cast %scan3A_554 : i32 to index
      %get3A_575 = arith.index_cast %get3A_573 : i32 to index
      %get3A_576 = arith.constant 128 : index
      %get3A_577 = tpu.vector_load %arg5[%get3A_574, %get3A_575, %get3A_576] {strides = array<i32>} : memref<16x4x512xf32, #tpu.memory_space<vmem>>, vector<1x1x16xf32>,
      %get3A_578 = vector.shape_cast %get3A_577 : vector<1x1x16xf32> to vector<16xf32>
      %mul3A_579 = vector.broadcast %squeeze3A : f32 to vector<16xf32>
      %mul3A_580 = arith.mulf %get3A_572, %mul3A_579 : vector<16xf32>
      %mul3A_581 = vector.broadcast %squeeze3A_6 : f32 to vector<16xf32>
      %mul3A_582 = arith.mulf %get3A_578, %mul3A_581 : vector<16xf32>
      %add3A_583 = arith.addf %mul3A_580, %mul3A_582 : vector<16xf32>
      %mul3A_584 = arith.constant 2.000000e+00 : f32
      %mul3A_585 = vector.broadcast %mul3A_584 : f32 to vector<16xf32>
      %mul3A_586 = arith.mulf %mul3A_585, %add3A_583 : vector<16xf32>
      %mul3A_587 = vector.broadcast %squeeze3A : f32 to vector<16xf32>
      %mul3A_588 = arith.mulf %mul3A_586, %mul3A_587 : vector<16xf32>
      %sub3A = arith.subf %get3A_572, %mul3A_588 : vector<16xf32>
      %mul3A_589 = arith.constant 2.000000e+00 : f32
      %mul3A_590 = vector.broadcast %mul3A_589 : f32 to vector<16xf32>
      %mul3A_591 = arith.mulf %mul3A_590, %add3A_583 : vector<16xf32>
      %mul3A_592 = vector.broadcast %squeeze3A_6 : f32 to vector<16xf32>
      %mul3A_593 = arith.mulf %mul3A_591, %mul3A_592 : vector<16xf32>
      %sub3A_594 = arith.subf %get3A_578, %mul3A_593 : vector<16xf32>
      %mul3A_595 = vector.broadcast %squeeze3A : f32 to vector<16xf32>
      %mul3A_596 = arith.mulf %get3A_560, %mul3A_595 : vector<16xf32>
      %mul3A_597 = vector.broadcast %squeeze3A_6 : f32 to vector<16xf32>
      %mul3A_598 = arith.mulf %get3A_566, %mul3A_597 : vector<16xf32>
      %add3A_599 = arith.addf %mul3A_596, %mul3A_598 : vector<16xf32>
      %add3A_600 = arith.addf %squeeze3A_8, %squeeze3A_10 : f32
      %sub3A_601 = vector.broadcast %add3A_600 : f32 to vector<16xf32>
      %sub3A_602 = arith.subf %sub3A_601, %add3A_599 : vector<16xf32>
      %max3A = arith.constant 0.000000e+00 : f32
      %max3A_603 = vector.broadcast %max3A : f32 to vector<16xf32>
      %max3A_604 = arith.maximumf %sub3A_602, %max3A_603 : vector<16xf32>
      %mul3A_605 = vector.broadcast %squeeze3A : f32 to vector<16xf32>
      %mul3A_606 = arith.mulf %max3A_604, %mul3A_605 : vector<16xf32>
      %add3A_607 = arith.addf %get3A_560, %mul3A_606 : vector<16xf32>
      %mul3A_608 = vector.broadcast %squeeze3A_6 : f32 to vector<16xf32>
      %mul3A_609 = arith.mulf %max3A_604, %mul3A_608 : vector<16xf32>
      %add3A_610 = arith.addf %get3A_566, %mul3A_609 : vector<16xf32>
      %select_n3A = arith.select %eq3A_12, %add3A_607, %get3A_560 : vector<16xi1>, vector<16xf32>
      %swap3A = arith.constant 0 : i32
      %swap3A_611 = arith.index_cast %scan3A_554 : i32 to index
      %swap3A_612 = arith.index_cast %swap3A : i32 to index
      %swap3A_613 = arith.constant 128 : index
      %swap3A_614 = tpu.vector_load %arg5[%swap3A_611, %swap3A_612, %swap3A_613] {strides = array<i32>} : memref<16x4x512xf32, #tpu.memory_space<vmem>>, vector<1x1x16xf32>,
      %swap3A_615 = vector.shape_cast %swap3A_614 : vector<1x1x16xf32> to vector<16xf32>
      %swap3A_616 = vector.shape_cast %select_n3A : vector<16xf32> to vector<1x1x16xf32>
      tpu.vector_store %arg5[%swap3A_611, %swap3A_612, %swap3A_613], %swap3A_616 {strides = array<i32>} : memref<16x4x512xf32, #tpu.memory_space<vmem>>, vector<1x1x16xf32>,
      %select_n3A_617 = arith.select %eq3A_12, %add3A_610, %get3A_566 : vector<16xi1>, vector<16xf32>
      %swap3A_618 = arith.constant 1 : i32
      %swap3A_619 = arith.index_cast %scan3A_554 : i32 to index
      %swap3A_620 = arith.index_cast %swap3A_618 : i32 to index
      %swap3A_621 = arith.constant 128 : index
      %swap3A_622 = tpu.vector_load %arg5[%swap3A_619, %swap3A_620, %swap3A_621] {strides = array<i32>} : memref<16x4x512xf32, #tpu.memory_space<vmem>>, vector<1x1x16xf32>,
      %swap3A_623 = vector.shape_cast %swap3A_622 : vector<1x1x16xf32> to vector<16xf32>
      %swap3A_624 = vector.shape_cast %select_n3A_617 : vector<16xf32> to vector<1x1x16xf32>
      tpu.vector_store %arg5[%swap3A_619, %swap3A_620, %swap3A_621], %swap3A_624 {strides = array<i32>} : memref<16x4x512xf32, #tpu.memory_space<vmem>>, vector<1x1x16xf32>,
      %select_n3A_625 = arith.select %eq3A_12, %sub3A, %get3A_572 : vector<16xi1>, vector<16xf32>
      %swap3A_626 = arith.constant 2 : i32
      %swap3A_627 = arith.index_cast %scan3A_554 : i32 to index
      %swap3A_628 = arith.index_cast %swap3A_626 : i32 to index
      %swap3A_629 = arith.constant 128 : index
      %swap3A_630 = tpu.vector_load %arg5[%swap3A_627, %swap3A_628, %swap3A_629] {strides = array<i32>} : memref<16x4x512xf32, #tpu.memory_space<vmem>>, vector<1x1x16xf32>,
      %swap3A_631 = vector.shape_cast %swap3A_630 : vector<1x1x16xf32> to vector<16xf32>
      %swap3A_632 = vector.shape_cast %select_n3A_625 : vector<16xf32> to vector<1x1x16xf32>
      tpu.vector_store %arg5[%swap3A_627, %swap3A_628, %swap3A_629], %swap3A_632 {strides = array<i32>} : memref<16x4x512xf32, #tpu.memory_space<vmem>>, vector<1x1x16xf32>,
      %select_n3A_633 = arith.select %eq3A_12, %sub3A_594, %get3A_578 : vector<16xi1>, vector<16xf32>
      %swap3A_634 = arith.constant 3 : i32
      %swap3A_635 = arith.index_cast %scan3A_554 : i32 to index
      %swap3A_636 = arith.index_cast %swap3A_634 : i32 to index
      %swap3A_637 = arith.constant 128 : index
      %swap3A_638 = tpu.vector_load %arg5[%swap3A_635, %swap3A_636, %swap3A_637] {strides = array<i32>} : memref<16x4x512xf32, #tpu.memory_space<vmem>>, vector<1x1x16xf32>,
      %swap3A_639 = vector.shape_cast %swap3A_638 : vector<1x1x16xf32> to vector<16xf32>
      %swap3A_640 = vector.shape_cast %select_n3A_633 : vector<16xf32> to vector<1x1x16xf32>
      tpu.vector_store %arg5[%swap3A_635, %swap3A_636, %swap3A_637], %swap3A_640 {strides = array<i32>} : memref<16x4x512xf32, #tpu.memory_space<vmem>>, vector<1x1x16xf32>,
    }
    %scan3A_439 = arith.constant 16 : i32
    %add3A_440 = arith.constant 192 : i32
    %add3A_441 = arith.addi %mul3A_2, %add3A_440 : i32
    %dma_start3A_442 = arith.constant 0 : i32
    %dma_start3A_443 = arith.constant 0 : i32
    %dma_start3A_444 = tpu.memref_slice %arg4[%add3A_441, %dma_start3A_442, %dma_start3A_443] : memref<8192x4x512xf32, #tpu.memory_space<hbm>> -> memref<16x4x512xf32, #tpu.memory_space<hbm>>
    %dma_start3A_445 = arith.constant 0 : i32
    %dma_start3A_446 = arith.constant 0 : i32
    %dma_start3A_447 = tpu.memref_slice %arg4[%add3A_441, %dma_start3A_445, %dma_start3A_446] : memref<8192x4x512xf32, #tpu.memory_space<hbm>> -> memref<16x4x512xf32, #tpu.memory_space<hbm>>
    tpu.enqueue_dma source(%arg5 : memref<16x4x512xf32, #tpu.memory_space<vmem>>) target(%dma_start3A_447 : memref<16x4x512xf32, #tpu.memory_space<hbm>>) target_semaphore(%arg12 : memref<!tpu.dma_semaphore, #tpu.memory_space<semaphore_mem>>)
    %dma_wait3A_448 = arith.constant 0 : i32
    %dma_wait3A_449 = arith.constant 0 : i32
    %dma_wait3A_450 = tpu.memref_slice %arg4[%add3A_407, %dma_wait3A_448, %dma_wait3A_449] : memref<8192x4x512xf32, #tpu.memory_space<hbm>> -> memref<16x4x512xf32, #tpu.memory_space<hbm>>
    %dma_wait3A_451 = arith.constant 0 : i32
    %dma_wait3A_452 = arith.constant 0 : i32
    %dma_wait3A_453 = tpu.memref_slice %arg4[%add3A_407, %dma_wait3A_451, %dma_wait3A_452] : memref<8192x4x512xf32, #tpu.memory_space<hbm>> -> memref<16x4x512xf32, #tpu.memory_space<hbm>>
    tpu.wait_dma2 semaphore(%arg14 : memref<!tpu.dma_semaphore, #tpu.memory_space<semaphore_mem>>) src(%arg7 : memref<16x4x512xf32, #tpu.memory_space<vmem>>) dst(%dma_wait3A_453 : memref<16x4x512xf32, #tpu.memory_space<hbm>>)
    %add3A_454 = arith.constant 224 : i32
    %add3A_455 = arith.addi %mul3A_2, %add3A_454 : i32
    %dma_start3A_456 = arith.constant 0 : i32
    %dma_start3A_457 = arith.constant 0 : i32
    %dma_start3A_458 = tpu.memref_slice %arg2[%add3A_455, %dma_start3A_456, %dma_start3A_457] : memref<8192x4x512xf32, #tpu.memory_space<hbm>> -> memref<16x4x512xf32, #tpu.memory_space<hbm>>
    %dma_start3A_459 = arith.constant 0 : i32
    %dma_start3A_460 = arith.constant 0 : i32
    %dma_start3A_461 = tpu.memref_slice %arg2[%add3A_455, %dma_start3A_459, %dma_start3A_460] : memref<8192x4x512xf32, #tpu.memory_space<hbm>> -> memref<16x4x512xf32, #tpu.memory_space<hbm>>
    tpu.enqueue_dma source(%dma_start3A_461 : memref<16x4x512xf32, #tpu.memory_space<hbm>>) target(%arg7 : memref<16x4x512xf32, #tpu.memory_space<vmem>>) target_semaphore(%arg11 : memref<!tpu.dma_semaphore, #tpu.memory_space<semaphore_mem>>)
    %dma_wait3A_462 = arith.constant 0 : i32
    %dma_wait3A_463 = arith.constant 0 : i32
    %dma_wait3A_464 = tpu.memref_slice %arg2[%add3A_421, %dma_wait3A_462, %dma_wait3A_463] : memref<8192x4x512xf32, #tpu.memory_space<hbm>> -> memref<16x4x512xf32, #tpu.memory_space<hbm>>
    %dma_wait3A_465 = arith.constant 0 : i32
    %dma_wait3A_466 = arith.constant 0 : i32
    %dma_wait3A_467 = tpu.memref_slice %arg2[%add3A_421, %dma_wait3A_465, %dma_wait3A_466] : memref<8192x4x512xf32, #tpu.memory_space<hbm>> -> memref<16x4x512xf32, #tpu.memory_space<hbm>>
    tpu.wait_dma2 semaphore(%arg10 : memref<!tpu.dma_semaphore, #tpu.memory_space<semaphore_mem>>) src(%dma_wait3A_467 : memref<16x4x512xf32, #tpu.memory_space<hbm>>) dst(%arg6 : memref<16x4x512xf32, #tpu.memory_space<vmem>>)
    %scan3A_468 = arith.constant 0 : i32
    %scan3A_469 = arith.constant 0 : i32
    %scan3A_470 = arith.constant 16 : i32
    %scan3A_471 = arith.addi %scan3A_469, %scan3A_470 : i32
    %scan3A_472 = arith.constant 1 : i32
    scf.for %scan3A_554 = %scan3A_469 to %scan3A_471 step %scan3A_472  : i32 {
      %get3A_555 = arith.constant 0 : i32
      %get3A_556 = arith.index_cast %scan3A_554 : i32 to index
      %get3A_557 = arith.index_cast %get3A_555 : i32 to index
      %get3A_558 = arith.constant 128 : index
      %get3A_559 = tpu.vector_load %arg6[%get3A_556, %get3A_557, %get3A_558] {strides = array<i32>} : memref<16x4x512xf32, #tpu.memory_space<vmem>>, vector<1x1x16xf32>,
      %get3A_560 = vector.shape_cast %get3A_559 : vector<1x1x16xf32> to vector<16xf32>
      %get3A_561 = arith.constant 1 : i32
      %get3A_562 = arith.index_cast %scan3A_554 : i32 to index
      %get3A_563 = arith.index_cast %get3A_561 : i32 to index
      %get3A_564 = arith.constant 128 : index
      %get3A_565 = tpu.vector_load %arg6[%get3A_562, %get3A_563, %get3A_564] {strides = array<i32>} : memref<16x4x512xf32, #tpu.memory_space<vmem>>, vector<1x1x16xf32>,
      %get3A_566 = vector.shape_cast %get3A_565 : vector<1x1x16xf32> to vector<16xf32>
      %get3A_567 = arith.constant 2 : i32
      %get3A_568 = arith.index_cast %scan3A_554 : i32 to index
      %get3A_569 = arith.index_cast %get3A_567 : i32 to index
      %get3A_570 = arith.constant 128 : index
      %get3A_571 = tpu.vector_load %arg6[%get3A_568, %get3A_569, %get3A_570] {strides = array<i32>} : memref<16x4x512xf32, #tpu.memory_space<vmem>>, vector<1x1x16xf32>,
      %get3A_572 = vector.shape_cast %get3A_571 : vector<1x1x16xf32> to vector<16xf32>
      %get3A_573 = arith.constant 3 : i32
      %get3A_574 = arith.index_cast %scan3A_554 : i32 to index
      %get3A_575 = arith.index_cast %get3A_573 : i32 to index
      %get3A_576 = arith.constant 128 : index
      %get3A_577 = tpu.vector_load %arg6[%get3A_574, %get3A_575, %get3A_576] {strides = array<i32>} : memref<16x4x512xf32, #tpu.memory_space<vmem>>, vector<1x1x16xf32>,
      %get3A_578 = vector.shape_cast %get3A_577 : vector<1x1x16xf32> to vector<16xf32>
      %mul3A_579 = vector.broadcast %squeeze3A : f32 to vector<16xf32>
      %mul3A_580 = arith.mulf %get3A_572, %mul3A_579 : vector<16xf32>
      %mul3A_581 = vector.broadcast %squeeze3A_6 : f32 to vector<16xf32>
      %mul3A_582 = arith.mulf %get3A_578, %mul3A_581 : vector<16xf32>
      %add3A_583 = arith.addf %mul3A_580, %mul3A_582 : vector<16xf32>
      %mul3A_584 = arith.constant 2.000000e+00 : f32
      %mul3A_585 = vector.broadcast %mul3A_584 : f32 to vector<16xf32>
      %mul3A_586 = arith.mulf %mul3A_585, %add3A_583 : vector<16xf32>
      %mul3A_587 = vector.broadcast %squeeze3A : f32 to vector<16xf32>
      %mul3A_588 = arith.mulf %mul3A_586, %mul3A_587 : vector<16xf32>
      %sub3A = arith.subf %get3A_572, %mul3A_588 : vector<16xf32>
      %mul3A_589 = arith.constant 2.000000e+00 : f32
      %mul3A_590 = vector.broadcast %mul3A_589 : f32 to vector<16xf32>
      %mul3A_591 = arith.mulf %mul3A_590, %add3A_583 : vector<16xf32>
      %mul3A_592 = vector.broadcast %squeeze3A_6 : f32 to vector<16xf32>
      %mul3A_593 = arith.mulf %mul3A_591, %mul3A_592 : vector<16xf32>
      %sub3A_594 = arith.subf %get3A_578, %mul3A_593 : vector<16xf32>
      %mul3A_595 = vector.broadcast %squeeze3A : f32 to vector<16xf32>
      %mul3A_596 = arith.mulf %get3A_560, %mul3A_595 : vector<16xf32>
      %mul3A_597 = vector.broadcast %squeeze3A_6 : f32 to vector<16xf32>
      %mul3A_598 = arith.mulf %get3A_566, %mul3A_597 : vector<16xf32>
      %add3A_599 = arith.addf %mul3A_596, %mul3A_598 : vector<16xf32>
      %add3A_600 = arith.addf %squeeze3A_8, %squeeze3A_10 : f32
      %sub3A_601 = vector.broadcast %add3A_600 : f32 to vector<16xf32>
      %sub3A_602 = arith.subf %sub3A_601, %add3A_599 : vector<16xf32>
      %max3A = arith.constant 0.000000e+00 : f32
      %max3A_603 = vector.broadcast %max3A : f32 to vector<16xf32>
      %max3A_604 = arith.maximumf %sub3A_602, %max3A_603 : vector<16xf32>
      %mul3A_605 = vector.broadcast %squeeze3A : f32 to vector<16xf32>
      %mul3A_606 = arith.mulf %max3A_604, %mul3A_605 : vector<16xf32>
      %add3A_607 = arith.addf %get3A_560, %mul3A_606 : vector<16xf32>
      %mul3A_608 = vector.broadcast %squeeze3A_6 : f32 to vector<16xf32>
      %mul3A_609 = arith.mulf %max3A_604, %mul3A_608 : vector<16xf32>
      %add3A_610 = arith.addf %get3A_566, %mul3A_609 : vector<16xf32>
      %select_n3A = arith.select %eq3A_12, %add3A_607, %get3A_560 : vector<16xi1>, vector<16xf32>
      %swap3A = arith.constant 0 : i32
      %swap3A_611 = arith.index_cast %scan3A_554 : i32 to index
      %swap3A_612 = arith.index_cast %swap3A : i32 to index
      %swap3A_613 = arith.constant 128 : index
      %swap3A_614 = tpu.vector_load %arg6[%swap3A_611, %swap3A_612, %swap3A_613] {strides = array<i32>} : memref<16x4x512xf32, #tpu.memory_space<vmem>>, vector<1x1x16xf32>,
      %swap3A_615 = vector.shape_cast %swap3A_614 : vector<1x1x16xf32> to vector<16xf32>
      %swap3A_616 = vector.shape_cast %select_n3A : vector<16xf32> to vector<1x1x16xf32>
      tpu.vector_store %arg6[%swap3A_611, %swap3A_612, %swap3A_613], %swap3A_616 {strides = array<i32>} : memref<16x4x512xf32, #tpu.memory_space<vmem>>, vector<1x1x16xf32>,
      %select_n3A_617 = arith.select %eq3A_12, %add3A_610, %get3A_566 : vector<16xi1>, vector<16xf32>
      %swap3A_618 = arith.constant 1 : i32
      %swap3A_619 = arith.index_cast %scan3A_554 : i32 to index
      %swap3A_620 = arith.index_cast %swap3A_618 : i32 to index
      %swap3A_621 = arith.constant 128 : index
      %swap3A_622 = tpu.vector_load %arg6[%swap3A_619, %swap3A_620, %swap3A_621] {strides = array<i32>} : memref<16x4x512xf32, #tpu.memory_space<vmem>>, vector<1x1x16xf32>,
      %swap3A_623 = vector.shape_cast %swap3A_622 : vector<1x1x16xf32> to vector<16xf32>
      %swap3A_624 = vector.shape_cast %select_n3A_617 : vector<16xf32> to vector<1x1x16xf32>
      tpu.vector_store %arg6[%swap3A_619, %swap3A_620, %swap3A_621], %swap3A_624 {strides = array<i32>} : memref<16x4x512xf32, #tpu.memory_space<vmem>>, vector<1x1x16xf32>,
      %select_n3A_625 = arith.select %eq3A_12, %sub3A, %get3A_572 : vector<16xi1>, vector<16xf32>
      %swap3A_626 = arith.constant 2 : i32
      %swap3A_627 = arith.index_cast %scan3A_554 : i32 to index
      %swap3A_628 = arith.index_cast %swap3A_626 : i32 to index
      %swap3A_629 = arith.constant 128 : index
      %swap3A_630 = tpu.vector_load %arg6[%swap3A_627, %swap3A_628, %swap3A_629] {strides = array<i32>} : memref<16x4x512xf32, #tpu.memory_space<vmem>>, vector<1x1x16xf32>,
      %swap3A_631 = vector.shape_cast %swap3A_630 : vector<1x1x16xf32> to vector<16xf32>
      %swap3A_632 = vector.shape_cast %select_n3A_625 : vector<16xf32> to vector<1x1x16xf32>
      tpu.vector_store %arg6[%swap3A_627, %swap3A_628, %swap3A_629], %swap3A_632 {strides = array<i32>} : memref<16x4x512xf32, #tpu.memory_space<vmem>>, vector<1x1x16xf32>,
      %select_n3A_633 = arith.select %eq3A_12, %sub3A_594, %get3A_578 : vector<16xi1>, vector<16xf32>
      %swap3A_634 = arith.constant 3 : i32
      %swap3A_635 = arith.index_cast %scan3A_554 : i32 to index
      %swap3A_636 = arith.index_cast %swap3A_634 : i32 to index
      %swap3A_637 = arith.constant 128 : index
      %swap3A_638 = tpu.vector_load %arg6[%swap3A_635, %swap3A_636, %swap3A_637] {strides = array<i32>} : memref<16x4x512xf32, #tpu.memory_space<vmem>>, vector<1x1x16xf32>,
      %swap3A_639 = vector.shape_cast %swap3A_638 : vector<1x1x16xf32> to vector<16xf32>
      %swap3A_640 = vector.shape_cast %select_n3A_633 : vector<16xf32> to vector<1x1x16xf32>
      tpu.vector_store %arg6[%swap3A_635, %swap3A_636, %swap3A_637], %swap3A_640 {strides = array<i32>} : memref<16x4x512xf32, #tpu.memory_space<vmem>>, vector<1x1x16xf32>,
    }
    %scan3A_473 = arith.constant 16 : i32
    %add3A_474 = arith.constant 208 : i32
    %add3A_475 = arith.addi %mul3A_2, %add3A_474 : i32
    %dma_start3A_476 = arith.constant 0 : i32
    %dma_start3A_477 = arith.constant 0 : i32
    %dma_start3A_478 = tpu.memref_slice %arg4[%add3A_475, %dma_start3A_476, %dma_start3A_477] : memref<8192x4x512xf32, #tpu.memory_space<hbm>> -> memref<16x4x512xf32, #tpu.memory_space<hbm>>
    %dma_start3A_479 = arith.constant 0 : i32
    %dma_start3A_480 = arith.constant 0 : i32
    %dma_start3A_481 = tpu.memref_slice %arg4[%add3A_475, %dma_start3A_479, %dma_start3A_480] : memref<8192x4x512xf32, #tpu.memory_space<hbm>> -> memref<16x4x512xf32, #tpu.memory_space<hbm>>
    tpu.enqueue_dma source(%arg6 : memref<16x4x512xf32, #tpu.memory_space<vmem>>) target(%dma_start3A_481 : memref<16x4x512xf32, #tpu.memory_space<hbm>>) target_semaphore(%arg13 : memref<!tpu.dma_semaphore, #tpu.memory_space<semaphore_mem>>)
    %dma_wait3A_482 = arith.constant 0 : i32
    %dma_wait3A_483 = arith.constant 0 : i32
    %dma_wait3A_484 = tpu.memref_slice %arg4[%add3A_441, %dma_wait3A_482, %dma_wait3A_483] : memref<8192x4x512xf32, #tpu.memory_space<hbm>> -> memref<16x4x512xf32, #tpu.memory_space<hbm>>
    %dma_wait3A_485 = arith.constant 0 : i32
    %dma_wait3A_486 = arith.constant 0 : i32
    %dma_wait3A_487 = tpu.memref_slice %arg4[%add3A_441, %dma_wait3A_485, %dma_wait3A_486] : memref<8192x4x512xf32, #tpu.memory_space<hbm>> -> memref<16x4x512xf32, #tpu.memory_space<hbm>>
    tpu.wait_dma2 semaphore(%arg12 : memref<!tpu.dma_semaphore, #tpu.memory_space<semaphore_mem>>) src(%arg5 : memref<16x4x512xf32, #tpu.memory_space<vmem>>) dst(%dma_wait3A_487 : memref<16x4x512xf32, #tpu.memory_space<hbm>>)
    %add3A_488 = arith.constant 240 : i32
    %add3A_489 = arith.addi %mul3A_2, %add3A_488 : i32
    %dma_start3A_490 = arith.constant 0 : i32
    %dma_start3A_491 = arith.constant 0 : i32
    %dma_start3A_492 = tpu.memref_slice %arg2[%add3A_489, %dma_start3A_490, %dma_start3A_491] : memref<8192x4x512xf32, #tpu.memory_space<hbm>> -> memref<16x4x512xf32, #tpu.memory_space<hbm>>
    %dma_start3A_493 = arith.constant 0 : i32
    %dma_start3A_494 = arith.constant 0 : i32
    %dma_start3A_495 = tpu.memref_slice %arg2[%add3A_489, %dma_start3A_493, %dma_start3A_494] : memref<8192x4x512xf32, #tpu.memory_space<hbm>> -> memref<16x4x512xf32, #tpu.memory_space<hbm>>
    tpu.enqueue_dma source(%dma_start3A_495 : memref<16x4x512xf32, #tpu.memory_space<hbm>>) target(%arg5 : memref<16x4x512xf32, #tpu.memory_space<vmem>>) target_semaphore(%arg9 : memref<!tpu.dma_semaphore, #tpu.memory_space<semaphore_mem>>)
    %dma_wait3A_496 = arith.constant 0 : i32
    %dma_wait3A_497 = arith.constant 0 : i32
    %dma_wait3A_498 = tpu.memref_slice %arg2[%add3A_455, %dma_wait3A_496, %dma_wait3A_497] : memref<8192x4x512xf32, #tpu.memory_space<hbm>> -> memref<16x4x512xf32, #tpu.memory_space<hbm>>
    %dma_wait3A_499 = arith.constant 0 : i32
    %dma_wait3A_500 = arith.constant 0 : i32
    %dma_wait3A_501 = tpu.memref_slice %arg2[%add3A_455, %dma_wait3A_499, %dma_wait3A_500] : memref<8192x4x512xf32, #tpu.memory_space<hbm>> -> memref<16x4x512xf32, #tpu.memory_space<hbm>>
    tpu.wait_dma2 semaphore(%arg11 : memref<!tpu.dma_semaphore, #tpu.memory_space<semaphore_mem>>) src(%dma_wait3A_501 : memref<16x4x512xf32, #tpu.memory_space<hbm>>) dst(%arg7 : memref<16x4x512xf32, #tpu.memory_space<vmem>>)
    %scan3A_502 = arith.constant 0 : i32
    %scan3A_503 = arith.constant 0 : i32
    %scan3A_504 = arith.constant 16 : i32
    %scan3A_505 = arith.addi %scan3A_503, %scan3A_504 : i32
    %scan3A_506 = arith.constant 1 : i32
    scf.for %scan3A_554 = %scan3A_503 to %scan3A_505 step %scan3A_506  : i32 {
      %get3A_555 = arith.constant 0 : i32
      %get3A_556 = arith.index_cast %scan3A_554 : i32 to index
      %get3A_557 = arith.index_cast %get3A_555 : i32 to index
      %get3A_558 = arith.constant 128 : index
      %get3A_559 = tpu.vector_load %arg7[%get3A_556, %get3A_557, %get3A_558] {strides = array<i32>} : memref<16x4x512xf32, #tpu.memory_space<vmem>>, vector<1x1x16xf32>,
      %get3A_560 = vector.shape_cast %get3A_559 : vector<1x1x16xf32> to vector<16xf32>
      %get3A_561 = arith.constant 1 : i32
      %get3A_562 = arith.index_cast %scan3A_554 : i32 to index
      %get3A_563 = arith.index_cast %get3A_561 : i32 to index
      %get3A_564 = arith.constant 128 : index
      %get3A_565 = tpu.vector_load %arg7[%get3A_562, %get3A_563, %get3A_564] {strides = array<i32>} : memref<16x4x512xf32, #tpu.memory_space<vmem>>, vector<1x1x16xf32>,
      %get3A_566 = vector.shape_cast %get3A_565 : vector<1x1x16xf32> to vector<16xf32>
      %get3A_567 = arith.constant 2 : i32
      %get3A_568 = arith.index_cast %scan3A_554 : i32 to index
      %get3A_569 = arith.index_cast %get3A_567 : i32 to index
      %get3A_570 = arith.constant 128 : index
      %get3A_571 = tpu.vector_load %arg7[%get3A_568, %get3A_569, %get3A_570] {strides = array<i32>} : memref<16x4x512xf32, #tpu.memory_space<vmem>>, vector<1x1x16xf32>,
      %get3A_572 = vector.shape_cast %get3A_571 : vector<1x1x16xf32> to vector<16xf32>
      %get3A_573 = arith.constant 3 : i32
      %get3A_574 = arith.index_cast %scan3A_554 : i32 to index
      %get3A_575 = arith.index_cast %get3A_573 : i32 to index
      %get3A_576 = arith.constant 128 : index
      %get3A_577 = tpu.vector_load %arg7[%get3A_574, %get3A_575, %get3A_576] {strides = array<i32>} : memref<16x4x512xf32, #tpu.memory_space<vmem>>, vector<1x1x16xf32>,
      %get3A_578 = vector.shape_cast %get3A_577 : vector<1x1x16xf32> to vector<16xf32>
      %mul3A_579 = vector.broadcast %squeeze3A : f32 to vector<16xf32>
      %mul3A_580 = arith.mulf %get3A_572, %mul3A_579 : vector<16xf32>
      %mul3A_581 = vector.broadcast %squeeze3A_6 : f32 to vector<16xf32>
      %mul3A_582 = arith.mulf %get3A_578, %mul3A_581 : vector<16xf32>
      %add3A_583 = arith.addf %mul3A_580, %mul3A_582 : vector<16xf32>
      %mul3A_584 = arith.constant 2.000000e+00 : f32
      %mul3A_585 = vector.broadcast %mul3A_584 : f32 to vector<16xf32>
      %mul3A_586 = arith.mulf %mul3A_585, %add3A_583 : vector<16xf32>
      %mul3A_587 = vector.broadcast %squeeze3A : f32 to vector<16xf32>
      %mul3A_588 = arith.mulf %mul3A_586, %mul3A_587 : vector<16xf32>
      %sub3A = arith.subf %get3A_572, %mul3A_588 : vector<16xf32>
      %mul3A_589 = arith.constant 2.000000e+00 : f32
      %mul3A_590 = vector.broadcast %mul3A_589 : f32 to vector<16xf32>
      %mul3A_591 = arith.mulf %mul3A_590, %add3A_583 : vector<16xf32>
      %mul3A_592 = vector.broadcast %squeeze3A_6 : f32 to vector<16xf32>
      %mul3A_593 = arith.mulf %mul3A_591, %mul3A_592 : vector<16xf32>
      %sub3A_594 = arith.subf %get3A_578, %mul3A_593 : vector<16xf32>
      %mul3A_595 = vector.broadcast %squeeze3A : f32 to vector<16xf32>
      %mul3A_596 = arith.mulf %get3A_560, %mul3A_595 : vector<16xf32>
      %mul3A_597 = vector.broadcast %squeeze3A_6 : f32 to vector<16xf32>
      %mul3A_598 = arith.mulf %get3A_566, %mul3A_597 : vector<16xf32>
      %add3A_599 = arith.addf %mul3A_596, %mul3A_598 : vector<16xf32>
      %add3A_600 = arith.addf %squeeze3A_8, %squeeze3A_10 : f32
      %sub3A_601 = vector.broadcast %add3A_600 : f32 to vector<16xf32>
      %sub3A_602 = arith.subf %sub3A_601, %add3A_599 : vector<16xf32>
      %max3A = arith.constant 0.000000e+00 : f32
      %max3A_603 = vector.broadcast %max3A : f32 to vector<16xf32>
      %max3A_604 = arith.maximumf %sub3A_602, %max3A_603 : vector<16xf32>
      %mul3A_605 = vector.broadcast %squeeze3A : f32 to vector<16xf32>
      %mul3A_606 = arith.mulf %max3A_604, %mul3A_605 : vector<16xf32>
      %add3A_607 = arith.addf %get3A_560, %mul3A_606 : vector<16xf32>
      %mul3A_608 = vector.broadcast %squeeze3A_6 : f32 to vector<16xf32>
      %mul3A_609 = arith.mulf %max3A_604, %mul3A_608 : vector<16xf32>
      %add3A_610 = arith.addf %get3A_566, %mul3A_609 : vector<16xf32>
      %select_n3A = arith.select %eq3A_12, %add3A_607, %get3A_560 : vector<16xi1>, vector<16xf32>
      %swap3A = arith.constant 0 : i32
      %swap3A_611 = arith.index_cast %scan3A_554 : i32 to index
      %swap3A_612 = arith.index_cast %swap3A : i32 to index
      %swap3A_613 = arith.constant 128 : index
      %swap3A_614 = tpu.vector_load %arg7[%swap3A_611, %swap3A_612, %swap3A_613] {strides = array<i32>} : memref<16x4x512xf32, #tpu.memory_space<vmem>>, vector<1x1x16xf32>,
      %swap3A_615 = vector.shape_cast %swap3A_614 : vector<1x1x16xf32> to vector<16xf32>
      %swap3A_616 = vector.shape_cast %select_n3A : vector<16xf32> to vector<1x1x16xf32>
      tpu.vector_store %arg7[%swap3A_611, %swap3A_612, %swap3A_613], %swap3A_616 {strides = array<i32>} : memref<16x4x512xf32, #tpu.memory_space<vmem>>, vector<1x1x16xf32>,
      %select_n3A_617 = arith.select %eq3A_12, %add3A_610, %get3A_566 : vector<16xi1>, vector<16xf32>
      %swap3A_618 = arith.constant 1 : i32
      %swap3A_619 = arith.index_cast %scan3A_554 : i32 to index
      %swap3A_620 = arith.index_cast %swap3A_618 : i32 to index
      %swap3A_621 = arith.constant 128 : index
      %swap3A_622 = tpu.vector_load %arg7[%swap3A_619, %swap3A_620, %swap3A_621] {strides = array<i32>} : memref<16x4x512xf32, #tpu.memory_space<vmem>>, vector<1x1x16xf32>,
      %swap3A_623 = vector.shape_cast %swap3A_622 : vector<1x1x16xf32> to vector<16xf32>
      %swap3A_624 = vector.shape_cast %select_n3A_617 : vector<16xf32> to vector<1x1x16xf32>
      tpu.vector_store %arg7[%swap3A_619, %swap3A_620, %swap3A_621], %swap3A_624 {strides = array<i32>} : memref<16x4x512xf32, #tpu.memory_space<vmem>>, vector<1x1x16xf32>,
      %select_n3A_625 = arith.select %eq3A_12, %sub3A, %get3A_572 : vector<16xi1>, vector<16xf32>
      %swap3A_626 = arith.constant 2 : i32
      %swap3A_627 = arith.index_cast %scan3A_554 : i32 to index
      %swap3A_628 = arith.index_cast %swap3A_626 : i32 to index
      %swap3A_629 = arith.constant 128 : index
      %swap3A_630 = tpu.vector_load %arg7[%swap3A_627, %swap3A_628, %swap3A_629] {strides = array<i32>} : memref<16x4x512xf32, #tpu.memory_space<vmem>>, vector<1x1x16xf32>,
      %swap3A_631 = vector.shape_cast %swap3A_630 : vector<1x1x16xf32> to vector<16xf32>
      %swap3A_632 = vector.shape_cast %select_n3A_625 : vector<16xf32> to vector<1x1x16xf32>
      tpu.vector_store %arg7[%swap3A_627, %swap3A_628, %swap3A_629], %swap3A_632 {strides = array<i32>} : memref<16x4x512xf32, #tpu.memory_space<vmem>>, vector<1x1x16xf32>,
      %select_n3A_633 = arith.select %eq3A_12, %sub3A_594, %get3A_578 : vector<16xi1>, vector<16xf32>
      %swap3A_634 = arith.constant 3 : i32
      %swap3A_635 = arith.index_cast %scan3A_554 : i32 to index
      %swap3A_636 = arith.index_cast %swap3A_634 : i32 to index
      %swap3A_637 = arith.constant 128 : index
      %swap3A_638 = tpu.vector_load %arg7[%swap3A_635, %swap3A_636, %swap3A_637] {strides = array<i32>} : memref<16x4x512xf32, #tpu.memory_space<vmem>>, vector<1x1x16xf32>,
      %swap3A_639 = vector.shape_cast %swap3A_638 : vector<1x1x16xf32> to vector<16xf32>
      %swap3A_640 = vector.shape_cast %select_n3A_633 : vector<16xf32> to vector<1x1x16xf32>
      tpu.vector_store %arg7[%swap3A_635, %swap3A_636, %swap3A_637], %swap3A_640 {strides = array<i32>} : memref<16x4x512xf32, #tpu.memory_space<vmem>>, vector<1x1x16xf32>,
    }
    %scan3A_507 = arith.constant 16 : i32
    %add3A_508 = arith.constant 224 : i32
    %add3A_509 = arith.addi %mul3A_2, %add3A_508 : i32
    %dma_start3A_510 = arith.constant 0 : i32
    %dma_start3A_511 = arith.constant 0 : i32
    %dma_start3A_512 = tpu.memref_slice %arg4[%add3A_509, %dma_start3A_510, %dma_start3A_511] : memref<8192x4x512xf32, #tpu.memory_space<hbm>> -> memref<16x4x512xf32, #tpu.memory_space<hbm>>
    %dma_start3A_513 = arith.constant 0 : i32
    %dma_start3A_514 = arith.constant 0 : i32
    %dma_start3A_515 = tpu.memref_slice %arg4[%add3A_509, %dma_start3A_513, %dma_start3A_514] : memref<8192x4x512xf32, #tpu.memory_space<hbm>> -> memref<16x4x512xf32, #tpu.memory_space<hbm>>
    tpu.enqueue_dma source(%arg7 : memref<16x4x512xf32, #tpu.memory_space<vmem>>) target(%dma_start3A_515 : memref<16x4x512xf32, #tpu.memory_space<hbm>>) target_semaphore(%arg14 : memref<!tpu.dma_semaphore, #tpu.memory_space<semaphore_mem>>)
    %dma_wait3A_516 = arith.constant 0 : i32
    %dma_wait3A_517 = arith.constant 0 : i32
    %dma_wait3A_518 = tpu.memref_slice %arg2[%add3A_489, %dma_wait3A_516, %dma_wait3A_517] : memref<8192x4x512xf32, #tpu.memory_space<hbm>> -> memref<16x4x512xf32, #tpu.memory_space<hbm>>
    %dma_wait3A_519 = arith.constant 0 : i32
    %dma_wait3A_520 = arith.constant 0 : i32
    %dma_wait3A_521 = tpu.memref_slice %arg2[%add3A_489, %dma_wait3A_519, %dma_wait3A_520] : memref<8192x4x512xf32, #tpu.memory_space<hbm>> -> memref<16x4x512xf32, #tpu.memory_space<hbm>>
    tpu.wait_dma2 semaphore(%arg9 : memref<!tpu.dma_semaphore, #tpu.memory_space<semaphore_mem>>) src(%dma_wait3A_521 : memref<16x4x512xf32, #tpu.memory_space<hbm>>) dst(%arg5 : memref<16x4x512xf32, #tpu.memory_space<vmem>>)
    %scan3A_522 = arith.constant 0 : i32
    %scan3A_523 = arith.constant 0 : i32
    %scan3A_524 = arith.constant 16 : i32
    %scan3A_525 = arith.addi %scan3A_523, %scan3A_524 : i32
    %scan3A_526 = arith.constant 1 : i32
    scf.for %scan3A_554 = %scan3A_523 to %scan3A_525 step %scan3A_526  : i32 {
      %get3A_555 = arith.constant 0 : i32
      %get3A_556 = arith.index_cast %scan3A_554 : i32 to index
      %get3A_557 = arith.index_cast %get3A_555 : i32 to index
      %get3A_558 = arith.constant 128 : index
      %get3A_559 = tpu.vector_load %arg5[%get3A_556, %get3A_557, %get3A_558] {strides = array<i32>} : memref<16x4x512xf32, #tpu.memory_space<vmem>>, vector<1x1x16xf32>,
      %get3A_560 = vector.shape_cast %get3A_559 : vector<1x1x16xf32> to vector<16xf32>
      %get3A_561 = arith.constant 1 : i32
      %get3A_562 = arith.index_cast %scan3A_554 : i32 to index
      %get3A_563 = arith.index_cast %get3A_561 : i32 to index
      %get3A_564 = arith.constant 128 : index
      %get3A_565 = tpu.vector_load %arg5[%get3A_562, %get3A_563, %get3A_564] {strides = array<i32>} : memref<16x4x512xf32, #tpu.memory_space<vmem>>, vector<1x1x16xf32>,
      %get3A_566 = vector.shape_cast %get3A_565 : vector<1x1x16xf32> to vector<16xf32>
      %get3A_567 = arith.constant 2 : i32
      %get3A_568 = arith.index_cast %scan3A_554 : i32 to index
      %get3A_569 = arith.index_cast %get3A_567 : i32 to index
      %get3A_570 = arith.constant 128 : index
      %get3A_571 = tpu.vector_load %arg5[%get3A_568, %get3A_569, %get3A_570] {strides = array<i32>} : memref<16x4x512xf32, #tpu.memory_space<vmem>>, vector<1x1x16xf32>,
      %get3A_572 = vector.shape_cast %get3A_571 : vector<1x1x16xf32> to vector<16xf32>
      %get3A_573 = arith.constant 3 : i32
      %get3A_574 = arith.index_cast %scan3A_554 : i32 to index
      %get3A_575 = arith.index_cast %get3A_573 : i32 to index
      %get3A_576 = arith.constant 128 : index
      %get3A_577 = tpu.vector_load %arg5[%get3A_574, %get3A_575, %get3A_576] {strides = array<i32>} : memref<16x4x512xf32, #tpu.memory_space<vmem>>, vector<1x1x16xf32>,
      %get3A_578 = vector.shape_cast %get3A_577 : vector<1x1x16xf32> to vector<16xf32>
      %mul3A_579 = vector.broadcast %squeeze3A : f32 to vector<16xf32>
      %mul3A_580 = arith.mulf %get3A_572, %mul3A_579 : vector<16xf32>
      %mul3A_581 = vector.broadcast %squeeze3A_6 : f32 to vector<16xf32>
      %mul3A_582 = arith.mulf %get3A_578, %mul3A_581 : vector<16xf32>
      %add3A_583 = arith.addf %mul3A_580, %mul3A_582 : vector<16xf32>
      %mul3A_584 = arith.constant 2.000000e+00 : f32
      %mul3A_585 = vector.broadcast %mul3A_584 : f32 to vector<16xf32>
      %mul3A_586 = arith.mulf %mul3A_585, %add3A_583 : vector<16xf32>
      %mul3A_587 = vector.broadcast %squeeze3A : f32 to vector<16xf32>
      %mul3A_588 = arith.mulf %mul3A_586, %mul3A_587 : vector<16xf32>
      %sub3A = arith.subf %get3A_572, %mul3A_588 : vector<16xf32>
      %mul3A_589 = arith.constant 2.000000e+00 : f32
      %mul3A_590 = vector.broadcast %mul3A_589 : f32 to vector<16xf32>
      %mul3A_591 = arith.mulf %mul3A_590, %add3A_583 : vector<16xf32>
      %mul3A_592 = vector.broadcast %squeeze3A_6 : f32 to vector<16xf32>
      %mul3A_593 = arith.mulf %mul3A_591, %mul3A_592 : vector<16xf32>
      %sub3A_594 = arith.subf %get3A_578, %mul3A_593 : vector<16xf32>
      %mul3A_595 = vector.broadcast %squeeze3A : f32 to vector<16xf32>
      %mul3A_596 = arith.mulf %get3A_560, %mul3A_595 : vector<16xf32>
      %mul3A_597 = vector.broadcast %squeeze3A_6 : f32 to vector<16xf32>
      %mul3A_598 = arith.mulf %get3A_566, %mul3A_597 : vector<16xf32>
      %add3A_599 = arith.addf %mul3A_596, %mul3A_598 : vector<16xf32>
      %add3A_600 = arith.addf %squeeze3A_8, %squeeze3A_10 : f32
      %sub3A_601 = vector.broadcast %add3A_600 : f32 to vector<16xf32>
      %sub3A_602 = arith.subf %sub3A_601, %add3A_599 : vector<16xf32>
      %max3A = arith.constant 0.000000e+00 : f32
      %max3A_603 = vector.broadcast %max3A : f32 to vector<16xf32>
      %max3A_604 = arith.maximumf %sub3A_602, %max3A_603 : vector<16xf32>
      %mul3A_605 = vector.broadcast %squeeze3A : f32 to vector<16xf32>
      %mul3A_606 = arith.mulf %max3A_604, %mul3A_605 : vector<16xf32>
      %add3A_607 = arith.addf %get3A_560, %mul3A_606 : vector<16xf32>
      %mul3A_608 = vector.broadcast %squeeze3A_6 : f32 to vector<16xf32>
      %mul3A_609 = arith.mulf %max3A_604, %mul3A_608 : vector<16xf32>
      %add3A_610 = arith.addf %get3A_566, %mul3A_609 : vector<16xf32>
      %select_n3A = arith.select %eq3A_12, %add3A_607, %get3A_560 : vector<16xi1>, vector<16xf32>
      %swap3A = arith.constant 0 : i32
      %swap3A_611 = arith.index_cast %scan3A_554 : i32 to index
      %swap3A_612 = arith.index_cast %swap3A : i32 to index
      %swap3A_613 = arith.constant 128 : index
      %swap3A_614 = tpu.vector_load %arg5[%swap3A_611, %swap3A_612, %swap3A_613] {strides = array<i32>} : memref<16x4x512xf32, #tpu.memory_space<vmem>>, vector<1x1x16xf32>,
      %swap3A_615 = vector.shape_cast %swap3A_614 : vector<1x1x16xf32> to vector<16xf32>
      %swap3A_616 = vector.shape_cast %select_n3A : vector<16xf32> to vector<1x1x16xf32>
      tpu.vector_store %arg5[%swap3A_611, %swap3A_612, %swap3A_613], %swap3A_616 {strides = array<i32>} : memref<16x4x512xf32, #tpu.memory_space<vmem>>, vector<1x1x16xf32>,
      %select_n3A_617 = arith.select %eq3A_12, %add3A_610, %get3A_566 : vector<16xi1>, vector<16xf32>
      %swap3A_618 = arith.constant 1 : i32
      %swap3A_619 = arith.index_cast %scan3A_554 : i32 to index
      %swap3A_620 = arith.index_cast %swap3A_618 : i32 to index
      %swap3A_621 = arith.constant 128 : index
      %swap3A_622 = tpu.vector_load %arg5[%swap3A_619, %swap3A_620, %swap3A_621] {strides = array<i32>} : memref<16x4x512xf32, #tpu.memory_space<vmem>>, vector<1x1x16xf32>,
      %swap3A_623 = vector.shape_cast %swap3A_622 : vector<1x1x16xf32> to vector<16xf32>
      %swap3A_624 = vector.shape_cast %select_n3A_617 : vector<16xf32> to vector<1x1x16xf32>
      tpu.vector_store %arg5[%swap3A_619, %swap3A_620, %swap3A_621], %swap3A_624 {strides = array<i32>} : memref<16x4x512xf32, #tpu.memory_space<vmem>>, vector<1x1x16xf32>,
      %select_n3A_625 = arith.select %eq3A_12, %sub3A, %get3A_572 : vector<16xi1>, vector<16xf32>
      %swap3A_626 = arith.constant 2 : i32
      %swap3A_627 = arith.index_cast %scan3A_554 : i32 to index
      %swap3A_628 = arith.index_cast %swap3A_626 : i32 to index
      %swap3A_629 = arith.constant 128 : index
      %swap3A_630 = tpu.vector_load %arg5[%swap3A_627, %swap3A_628, %swap3A_629] {strides = array<i32>} : memref<16x4x512xf32, #tpu.memory_space<vmem>>, vector<1x1x16xf32>,
      %swap3A_631 = vector.shape_cast %swap3A_630 : vector<1x1x16xf32> to vector<16xf32>
      %swap3A_632 = vector.shape_cast %select_n3A_625 : vector<16xf32> to vector<1x1x16xf32>
      tpu.vector_store %arg5[%swap3A_627, %swap3A_628, %swap3A_629], %swap3A_632 {strides = array<i32>} : memref<16x4x512xf32, #tpu.memory_space<vmem>>, vector<1x1x16xf32>,
      %select_n3A_633 = arith.select %eq3A_12, %sub3A_594, %get3A_578 : vector<16xi1>, vector<16xf32>
      %swap3A_634 = arith.constant 3 : i32
      %swap3A_635 = arith.index_cast %scan3A_554 : i32 to index
      %swap3A_636 = arith.index_cast %swap3A_634 : i32 to index
      %swap3A_637 = arith.constant 128 : index
      %swap3A_638 = tpu.vector_load %arg5[%swap3A_635, %swap3A_636, %swap3A_637] {strides = array<i32>} : memref<16x4x512xf32, #tpu.memory_space<vmem>>, vector<1x1x16xf32>,
      %swap3A_639 = vector.shape_cast %swap3A_638 : vector<1x1x16xf32> to vector<16xf32>
      %swap3A_640 = vector.shape_cast %select_n3A_633 : vector<16xf32> to vector<1x1x16xf32>
      tpu.vector_store %arg5[%swap3A_635, %swap3A_636, %swap3A_637], %swap3A_640 {strides = array<i32>} : memref<16x4x512xf32, #tpu.memory_space<vmem>>, vector<1x1x16xf32>,
    }
    %scan3A_527 = arith.constant 16 : i32
    %add3A_528 = arith.constant 240 : i32
    %add3A_529 = arith.addi %mul3A_2, %add3A_528 : i32
    %dma_start3A_530 = arith.constant 0 : i32
    %dma_start3A_531 = arith.constant 0 : i32
    %dma_start3A_532 = tpu.memref_slice %arg4[%add3A_529, %dma_start3A_530, %dma_start3A_531] : memref<8192x4x512xf32, #tpu.memory_space<hbm>> -> memref<16x4x512xf32, #tpu.memory_space<hbm>>
    %dma_start3A_533 = arith.constant 0 : i32
    %dma_start3A_534 = arith.constant 0 : i32
    %dma_start3A_535 = tpu.memref_slice %arg4[%add3A_529, %dma_start3A_533, %dma_start3A_534] : memref<8192x4x512xf32, #tpu.memory_space<hbm>> -> memref<16x4x512xf32, #tpu.memory_space<hbm>>
    tpu.enqueue_dma source(%arg5 : memref<16x4x512xf32, #tpu.memory_space<vmem>>) target(%dma_start3A_535 : memref<16x4x512xf32, #tpu.memory_space<hbm>>) target_semaphore(%arg12 : memref<!tpu.dma_semaphore, #tpu.memory_space<semaphore_mem>>)
    %dma_wait3A_536 = arith.constant 0 : i32
    %dma_wait3A_537 = arith.constant 0 : i32
    %dma_wait3A_538 = tpu.memref_slice %arg4[%add3A_475, %dma_wait3A_536, %dma_wait3A_537] : memref<8192x4x512xf32, #tpu.memory_space<hbm>> -> memref<16x4x512xf32, #tpu.memory_space<hbm>>
    %dma_wait3A_539 = arith.constant 0 : i32
    %dma_wait3A_540 = arith.constant 0 : i32
    %dma_wait3A_541 = tpu.memref_slice %arg4[%add3A_475, %dma_wait3A_539, %dma_wait3A_540] : memref<8192x4x512xf32, #tpu.memory_space<hbm>> -> memref<16x4x512xf32, #tpu.memory_space<hbm>>
    tpu.wait_dma2 semaphore(%arg13 : memref<!tpu.dma_semaphore, #tpu.memory_space<semaphore_mem>>) src(%arg6 : memref<16x4x512xf32, #tpu.memory_space<vmem>>) dst(%dma_wait3A_541 : memref<16x4x512xf32, #tpu.memory_space<hbm>>)
    %dma_wait3A_542 = arith.constant 0 : i32
    %dma_wait3A_543 = arith.constant 0 : i32
    %dma_wait3A_544 = tpu.memref_slice %arg4[%add3A_509, %dma_wait3A_542, %dma_wait3A_543] : memref<8192x4x512xf32, #tpu.memory_space<hbm>> -> memref<16x4x512xf32, #tpu.memory_space<hbm>>
    %dma_wait3A_545 = arith.constant 0 : i32
    %dma_wait3A_546 = arith.constant 0 : i32
    %dma_wait3A_547 = tpu.memref_slice %arg4[%add3A_509, %dma_wait3A_545, %dma_wait3A_546] : memref<8192x4x512xf32, #tpu.memory_space<hbm>> -> memref<16x4x512xf32, #tpu.memory_space<hbm>>
    tpu.wait_dma2 semaphore(%arg14 : memref<!tpu.dma_semaphore, #tpu.memory_space<semaphore_mem>>) src(%arg7 : memref<16x4x512xf32, #tpu.memory_space<vmem>>) dst(%dma_wait3A_547 : memref<16x4x512xf32, #tpu.memory_space<hbm>>)
    %dma_wait3A_548 = arith.constant 0 : i32
    %dma_wait3A_549 = arith.constant 0 : i32
    %dma_wait3A_550 = tpu.memref_slice %arg4[%add3A_529, %dma_wait3A_548, %dma_wait3A_549] : memref<8192x4x512xf32, #tpu.memory_space<hbm>> -> memref<16x4x512xf32, #tpu.memory_space<hbm>>
    %dma_wait3A_551 = arith.constant 0 : i32
    %dma_wait3A_552 = arith.constant 0 : i32
    %dma_wait3A_553 = tpu.memref_slice %arg4[%add3A_529, %dma_wait3A_551, %dma_wait3A_552] : memref<8192x4x512xf32, #tpu.memory_space<hbm>> -> memref<16x4x512xf32, #tpu.memory_space<hbm>>
    tpu.wait_dma2 semaphore(%arg12 : memref<!tpu.dma_semaphore, #tpu.memory_space<semaphore_mem>>) src(%arg5 : memref<16x4x512xf32, #tpu.memory_space<vmem>>) dst(%dma_wait3A_553 : memref<16x4x512xf32, #tpu.memory_space<hbm>>)
    return
  }
}

</mosaic_0001>

<sc_bundles>
// kernel: kernel.3.cloned.1.call-start
scs
__scs_entry_jumppad:
0x0: {  	(pc) =	sbr.rel $0x88, $3  }
0x1: {  	(tag) =	ssettag $0x0;
	lr =	simm.s32 $0x1  }
0x2: {  	[smem:$0x3F9D] =	sst lr;
	_ =	strace $0xD0000000  }
0x3: {  	_ = 	snop  }
0x4: {  	_ = 	snop  }
0x5: {  	_ = 	snop  }
0x6: {  	_ = 	snop  }
0x7: {  	_ = 	snop  }
__scs_overlays_trampoline_lowered:
0x8: {  	[smem:$0x3FAC] =	sst s0  }
0x9: {  	[smem:$0x3FAD] =	sst s1  }
0xa: {  	[smem:$0x3FAE] =	sst s2  }
0xb: {  	[smem:$0x3FAF] =	sst s3  }
0xc: {  	[smem:$0x3FB0] =	sst s4  }
0xd: {  	[smem:$0x3FB1] =	sst s5  }
0xe: {  	[smem:$0x3FB2] =	sst s6  }
0xf: {  	[smem:$0x3FB3] =	sst s7  }
0x10: {  	[smem:$0x3FB4] =	sst s8  }
0x11: {  	[smem:$0x3FB5] =	sst s9;
	s0 =	simm.s32 @!p0 $0x0  }
0x12: {  	s1 =	sld [smem:$0x3F9B];
	s0 =	simm.s32 @p0 $0x1  }
0x13: {  	[smem:$0x3FB6] =	sst s0;
	s0 =	simm.s32 @!p1 $0x0  }
0x14: {  	s2 =	sld [smem:$0x3F9A];
	s0 =	simm.s32 @p1 $0x1  }
0x15: {  	[smem:$0x3FB7] =	sst s0;
	s0 =	simm.s32 @!p2 $0x0  }
0x16: {  	s3 =	sld [smem:$0x3FDB];
	s0 =	simm.s32 @p2 $0x1  }
0x17: {  	s4 =	simm.s32 $0x1BF5;
	[smem:$0x3FB9] =	sst s0  }
0x18: {  	s0 =	sld [smem:$0x3F9C];
	_ =	swait.ge [sflag:s4], $0x0  }
0x19: {  	s7 =	sld [smem:$0x3F9D]  }
0x1a: {  	s8 =	sadd.s32 $0xFFFFE003, lr  }
0x1b: {  	s9 =	sadd.s32 $0xFFFFFEF7, lr;
	s5 =	simm.s32 $0xFFFFFFFF;
	p2 =	slt.u32 s8, $0xFFFFF086  }
0x1c: {  	p1 =	slt.u32 s9, $0xF7A;
	s5 =	simm.s32 @!p2 $0x0  }
0x1d: {  	s5 =	simm.s32 @p1 $0x1;
	p0 =	seq.s32 s7, s2  }
0x1e: {  	s7 =	smul.u32 @!p0 $0xF7A, s2;
	p2 =	seq.s32 @!p0 s5, $0x0  }
0x1f: {  	s9 =	smul.u32 $0xF7A, s1;
	s8 =	simm.s32 @!p0 $0x1BF5;
	p2 =	por !p2, p0  }
0x20: {  	[sflag:s8] =	ssyncset.s32 @!p0 $0xFFFFF086;
	s6 =	sadd.s32 @!p0 s3, s7;
	s7 =	simm.s32 @!p0 $0x108  }
0x21: {  	s3 =	sadd.s32 s3, s9;
	s6 =	sadd.s32 @!p0 $0x88, s6;
	s7 =	simm.s32 @p2 $0x1082  }
0x22: {  	[simem:s7], [sflag:s8] =	dma.local @!p0 [hbm:s6], $0xF7A  }
0x23: {  	s9 =	sor.u32 $0xD0000000, s2;
	s6 =	simm.s32 $0x108;
	_ =	swait.ge @!p0 [sflag:s8], $0x0  }
0x24: {  	s3 =	sadd.s32 $0x88, s3;
	s6 =	simm.s32 @!p1 $0x1082;
	[sflag:s4] =	ssyncset.s32 $0xFFFFF086  }
0x25: {  	[simem:s6], [sflag:s4] =	dma.local [hbm:s3], $0xF7A  }
0x26: {  	[smem:$0x3F9D] =	sst s1;
	(tag) =	ssettag s2;
	_ =	strace s9  }
0x27: {  	s1 =	sld [smem:$0x3FAD]  }
0x28: {  	s2 =	sld [smem:$0x3FAE]  }
0x29: {  	s4 =	sld [smem:$0x3FB0]  }
0x2a: {  	p0 =	seq.s32 s5, $0x0;
	s5 =	sld [smem:$0x3FB1]  }
0x2b: {  	s6 =	sld [smem:$0x3FB2]  }
0x2c: {  	s7 =	sld [smem:$0x3FB3]  }
0x2d: {  	s3 =	simm.s32 $0x108;
	s8 =	sld [smem:$0x3FB4]  }
0x2e: {  	s3 =	simm.s32 @!p0 $0x1082;
	s9 =	sld [smem:$0x3FB5]  }
0x2f: {  	lr =	sadd.s32 s0, s3;
	s0 =	sld [smem:$0x3FAC]  }
0x30: {  	s3 =	sld [smem:$0x3FAF]  }
0x31: {  	[smem:$0x3FB8] =	sst s10  }
0x32: {  	s10 =	sld [smem:$0x3FB6];
	_ =	sdelay $0x3  }
0x33: {  	p0 =	seq.s32 s10, $0x1;
	s10 =	sld [smem:$0x3FB8];
	_ =	sdelay $0x3  }
0x34: {  	[smem:$0x3FB8] =	sst s10  }
0x35: {  	s10 =	sld [smem:$0x3FB7];
	_ =	sdelay $0x3  }
0x36: {  	p1 =	seq.s32 s10, $0x1;
	s10 =	sld [smem:$0x3FB8];
	_ =	sdelay $0x3  }
0x37: {  	[smem:$0x3FB8] =	sst s10  }
0x38: {  	s10 =	sld [smem:$0x3FB9]  }
0x39: {  	_ = 	snop;
	(pc) =	sbr.ind lr, $3  }
0x3a: {  	_ = 	snop  }
0x3b: {  	_ = 	snop  }
0x3c: {  	p2 =	seq.s32 s10, $0x1;
	s10 =	sld [smem:$0x3FB8]  }
0x3d: {  	_ =	shalt  }
0x3e: {  	_ =	shalt  }
0x3f: {  	_ =	shalt  }
0x40: {  	_ =	shalt  }
0x41: {  	_ =	shalt  }
0x42: {  	_ =	shalt  }
0x43: {  	_ =	shalt  }
0x44: {  	_ =	shalt  }
0x45: {  	_ =	shalt  }
0x46: {  	_ =	shalt  }
0x47: {  	_ =	shalt  }
0x48: {  	_ =	shalt  }
0x49: {  	_ =	shalt  }
0x4a: {  	_ =	shalt  }
0x4b: {  	_ =	shalt  }
0x4c: {  	_ =	shalt  }
0x4d: {  	_ =	shalt  }
0x4e: {  	_ =	shalt  }
0x4f: {  	_ =	shalt  }
0x50: {  	_ =	shalt  }
0x51: {  	_ =	shalt  }
0x52: {  	_ =	shalt  }
0x53: {  	_ =	shalt  }
0x54: {  	_ =	shalt  }
0x55: {  	_ =	shalt  }
0x56: {  	_ =	shalt  }
0x57: {  	_ =	shalt  }
0x58: {  	_ =	shalt  }
0x59: {  	_ =	shalt  }
0x5a: {  	_ =	shalt  }
0x5b: {  	_ =	shalt  }
0x5c: {  	_ =	shalt  }
0x5d: {  	_ =	shalt  }
0x5e: {  	_ =	shalt  }
0x5f: {  	_ =	shalt  }
0x60: {  	_ =	shalt  }
0x61: {  	_ =	shalt  }
0x62: {  	_ =	shalt  }
0x63: {  	_ =	shalt  }
0x64: {  	_ =	shalt  }
0x65: {  	_ =	shalt  }
0x66: {  	_ =	shalt  }
0x67: {  	_ =	shalt  }
0x68: {  	_ =	shalt  }
0x69: {  	_ =	shalt  }
0x6a: {  	_ =	shalt  }
0x6b: {  	_ =	shalt  }
0x6c: {  	_ =	shalt  }
0x6d: {  	_ =	shalt  }
0x6e: {  	_ =	shalt  }
0x6f: {  	_ =	shalt  }
0x70: {  	_ =	shalt  }
0x71: {  	_ =	shalt  }
0x72: {  	_ =	shalt  }
0x73: {  	_ =	shalt  }
0x74: {  	_ =	shalt  }
0x75: {  	_ =	shalt  }
0x76: {  	_ =	shalt  }
0x77: {  	_ =	shalt  }
0x78: {  	_ =	shalt  }
0x79: {  	_ =	shalt  }
0x7a: {  	_ =	shalt  }
0x7b: {  	_ =	shalt  }
0x7c: {  	_ =	shalt  }
0x7d: {  	_ =	shalt  }
0x7e: {  	_ =	shalt  }
0x7f: {  	_ =	shalt  }
0x80: {  	_ =	shalt  }
0x81: {  	_ =	shalt  }
0x82: {  	_ =	shalt  }
0x83: {  	_ =	shalt  }
0x84: {  	_ =	shalt  }
0x85: {  	_ =	shalt  }
0x86: {  	_ =	shalt  }
0x87: {  	_ =	shalt  }
.Lfunc_end0:
.L_simem_size_0:
called_computation_lowered:
.L_overlay_start_0:
0x88: {  	s2 =	sld [smem:$0x3FD9]  }
0x89: {  	s3 =	sld [smem:$0x3FFE];
	_ =	sdelay $0x1  }
0x8a: {  	s1 =	srdreg.scid  }
0x8b: {  	s0 =	sand.u32 $0x1, s1  }
0x8c: {  	s17 =	sshll.u32 s0, $0xA;
	s2 =	sadd.s32 s3, s2  }
0x8d: {  	s2 =	sadd.s32 s2, s17  }
0x8e: {  	[smem:$0x3FC4] =	sst s2  }
0x8f: {  	_ = 	snop  }
0x90: {  	s2 =	sld [smem:$0x3FC9]  }
0x91: {  	s18 =	sld [smem:$0x3FD0];
	(tm) =	ssettm $0x1  }
0x92: {  	s4 =	sld [smem:$0x3FFB];
	_ =	sdelay $0x3  }
0x93: {  	_ =	strace s4  }
0x94: {  	s4 =	sld [smem:$0x3FFC];
	_ =	sdelay $0x3  }
0x95: {  	_ =	strace s4  }
0x96: {  	s4 =	sld [smem:$0x3FFD];
	_ =	sdelay $0x3  }
0x97: {  	_ =	strace s4  }
0x98: {  	_ =	strace $0x8FFFFFFF  }
0x99: {  	s19 =	sld [smem:$0x3FDB];
	_ =	sdelay $0x1  }
0x9a: {  	s5 =	simm.s32 $_scs_section_size  }
0x9b: {  	s6 =	simm.s32 $_size__tile_overlayer_lowered;
	s7 =	simm.s32 $_tile_overlayer_lowered  }
0x9c: {  	s22 =	simm.s32 $0x1BFF;
	s21 =	sshll.u32 s7, $0x1;
	s4 =	sadd.s32 s5, s19  }
0x9d: {  	s8 =	simm.s32 $0x0;
	s20 =	sshll.u32 s6, $0x1;
	s6 =	sadd.s32 s21, s4  }
0x9e: {  	[timem:s8], [sflag:s22] =	dma.local [hbm:s6], s20  }
0x9f: {  	_ =	swait.ge [sflag:s22], s20  }
0xa0: {  	s5 =	ssub.s32 $0x0, s20;
	[sflag:s22] =	ssyncset.done $0x0  }
0xa1: {  	[sflag:s22] =	ssyncadd.s32 s5;
	_ =	sdelay $0x1  }
0xa2: {  	s23 =	simm.s32 $0x1B8B  }
0xa3: {  	_ =	swait.ge [sflag:s23], $0x1  }
0xa4: {  	[sflag:s23] =	ssyncset.done $0x0  }
0xa5: {  	s25 =	simm.s32 $0x1B8E;
	s24 =	sld [smem:$0x3FFE];
	[sflag:s23] =	ssyncadd.s32 $0xFFFFFFFF  }
0xa6: {  	s26 =	simm.s32 $execute0_lowered;
	[smem:$0x3FD2] =	sst s25  }
0xa7: {  	s6 =	sshll.u32 s26, $0x1;
	_ =	strace $0x80000046;
	[dreg:$0x1] =	wrdreg $0xFFFFFFFF  }
0xa8: {  	s28 =	simm.s32 $_size_execute0_lowered;
	s4 =	sadd.s32 s4, s6;
	[dreg:$0x0] =	wrdreg $0x0  }
0xa9: {  	s6 =	sshll.u32 s28, $0x1;
	[dreg:$0x2] =	wrdreg s4  }
0xaa: {  	[dreg:$0x3] =	wrdreg s6  }
0xab: {  	[dreg:$0x4] =	wrdreg $0xC0  }
0xac: {  	_ =	task [dreg:s8], $0x5FFFF  }
0xad: {  	[dreg:$0x1] =	wrdreg $0xFFFFFFFF  }
0xae: {  	[dreg:$0x0] =	wrdreg $0x60  }
0xaf: {  	[dreg:$0x2] =	wrdreg s2  }
0xb0: {  	[dreg:$0x3] =	wrdreg s24  }
0xb1: {  	[dreg:$0x4] =	wrdreg s18  }
0xb2: {  	[dreg:$0x5] =	wrdreg $0x9  }
0xb3: {  	_ =	task.clear_ibuf [dreg:s8], $0x6FFFF;
	_ =	strace $0x90000046  }
0xb4: {  	s29 =	simm.s32 $0x9;
	_ =	strace $0x80000048  }
0xb5: {  	_ =	swait.ge [sflag:s29], $0x1  }
0xb6: {  	[sflag:s29] =	ssyncadd.s32 $0xFFFFFFFF  }
0xb7: {  	_ =	strace $0x90000048  }
0xb8: {  	_ =	sfence  }
0xb9: {  	s30 =	sld [smem:$0x0];
	_ =	sdelay $0x2  }
0xba: {  	s31 =	sshll.u32 s1, $0xD;
	s1 =	sshrl.u32 s1, $0x2  }
0xbb: {  	s3 =	sand.u32 $0x4000, s31;
	s1 =	sadd.s32 s1, s30  }
0xbc: {  	s0 =	sor.u32 s3, s0;
	s1 =	sshll.u32 s1, $0x11  }
0xbd: {  	s0 =	sor.u32 s1, s0  }
0xbe: {  	s0 =	sadd.s32 $0x8F2B, s0  }
0xbf: {  	[sflag:s0] =	ssyncadd.remote.s32 $0x1  }
0xc0: {  	_ =	sfence.sel $0xFFFF  }
0xc1: {  	[dreg:$0x0] =	wrdreg $0xFFFFFFFF;
	(pc) =	sbr.abs _section_cstart, $3  }
0xc2: {  	[dreg:$0x1] =	wrdreg $0xFFFFFFFF  }
0xc3: {  	_ =	task.clear_ibuf [dreg:s8], $0x2FFFF;
	_ =	strace $0x9FFFFFFF  }
0xc4: {  	(tm) =	ssettm $0x7FFFFFFF  }
0xc5: {  	_ =	shalt  }
tec
execute0_lowered:
.L_overlay_start_1:
0x0: {  	(tag) =	ssettag $0x1  }
0x1: {  	s0 =	srdreg.scid  }
0x2: {  	s2 =	rddreg [dreg:$0x0];
	s1 =	stileid.u32;
	s0 =	sand.u32 $0x1, s0  }
0x3: {  	s3 =	rddreg [dreg:$0x2];
	s4 =	sshll.u32 s1, $0x11;
	s5 =	sshll.u32 s0, $0x10  }
0x4: {  	s1 =	simm.s32 $0x0;
	s0 =	ssub.s32 $0x2, s0;
	s4 =	sor.u32 s5, s4  }
0x5: {  	[smem:$0x7FF] =	sst s1;
	s15 =	sshrl.u32 s0, $0x1;
	s6 =	sor.u32 $0x1000, s4  }
0x6: {  	s5 =	ssub.s32 s0, s15;
	s17 =	sor.u32 $0x2000, s4;
	s18 =	sor.u32 $0x3000, s4  }
0x7: {  	s20 =	sor.u32 $0x4000, s4;
	s22 =	sor.u32 $0x5000, s4;
	s24 =	sor.u32 $0x6000, s4  }
0x8: {  	s26 =	sor.u32 $0x7000, s4;
	s9 =	sor.u32 $0x8000, s4;
	s16 =	sadd.s32 s2, s6  }
0x9: {  	s11 =	sor.u32 $0x9000, s4;
	s7 =	sadd.s32 s2, s17;
	[dreg:$0x4] =	wrdreg s16  }
0xa: {  	s13 =	sor.u32 $0xA000, s4;
	s6 =	sadd.s32 s3, s6;
	[dreg:$0x5] =	wrdreg s7  }
0xb: {  	s14 =	sor.u32 $0xB000, s4;
	s19 =	sadd.s32 s2, s18;
	[dreg:$0x6] =	wrdreg s6  }
0xc: {  	s15 =	sor.u32 $0xC000, s4;
	s0 =	sadd.s32 s3, s17;
	[dreg:$0x7] =	wrdreg s19  }
0xd: {  	s29 =	sadd.s32 s2, s4;
	s21 =	sadd.s32 s2, s20;
	[dreg:$0x8] =	wrdreg s0  }
0xe: {  	s30 =	sadd.s32 s3, s4;
	s23 =	sadd.s32 s2, s22;
	[dreg:$0x9] =	wrdreg s21  }
0xf: {  	s25 =	sadd.s32 s2, s24;
	s8 =	sadd.s32 s2, s26;
	[dreg:$0xb] =	wrdreg s23  }
0x10: {  	s10 =	sadd.s32 s2, s9;
	s12 =	sadd.s32 s2, s11;
	[dreg:$0xd] =	wrdreg s25  }
0x11: {  	s17 =	sor.u32 $0xE000, s4;
	s5 =	smax.u32 s5, $0x1;
	[dreg:$0xf] =	wrdreg s8  }
0x12: {  	s6 =	sadd.s32 s3, s18;
	s0 =	sadd.s32 s3, s20;
	[dreg:$0x11] =	wrdreg s10  }
0x13: {  	[dreg:$0x13] =	wrdreg s12;
	s19 =	sadd.s32 s2, s13;
	s20 =	sadd.s32 s3, s11  }
0x14: {  	s21 =	sadd.s32 s3, s13;
	s23 =	sadd.s32 s3, s14;
	s16 =	sor.u32 $0xD000, s4  }
0x15: {  	s25 =	sadd.s32 s3, s15;
	s4 =	sor.u32 $0xF000, s4;
	s18 =	rddreg [dreg:$0x1]  }
0x16: {  	s31 =	sadd.s32 s2, s17;
	s7 =	simm.s32 $0x8000;
	s8 =	simm.s32 $0x1  }
0x17: {  	s10 =	simm.s32 $0x2;
	s11 =	simm.s32 $0x4;
	[dreg:$0xa] =	wrdreg s6  }
0x18: {  	s12 =	simm.s32 $0x3;
	s13 =	simm.s32 $0x5;
	[dreg:$0xc] =	wrdreg s0  }
0x19: {  	s6 =	sadd.s32 s3, s22;
	s0 =	sadd.s32 s3, s24;
	s22 =	sadd.s32 s2, s14  }
0x1a: {  	s24 =	sadd.s32 s2, s15;
	s28 =	sadd.s32 s3, s16;
	[dreg:$0xe] =	wrdreg s6  }
0x1b: {  	s14 =	simm.s32 $0x6;
	[dreg:$0x10] =	wrdreg s0;
	s6 =	sadd.s32 s3, s26  }
0x1c: {  	s15 =	simm.s32 $0x0;
	s0 =	sadd.s32 s3, s9;
	[dreg:$0x12] =	wrdreg s6  }
0x1d: {  	s26 =	sadd.s32 s2, s16;
	s9 =	simm.s32 $0x10000;
	[dreg:$0x14] =	wrdreg s0  }
0x1e: {  	s0 =	sadd.s32 s2, s4;
	s2 =	sadd.s32 s3, s17;
	s3 =	sadd.s32 s3, s4  }
0x1f: {  	vm0 =	vcmask $0x2328;
	s4 =	sadd.s32 $0x600, s18;
	s6 =	simm.s32 $0x7;
	_ =	strace $0x80000047  }
.LBB2_1:
0x20: {  	s16 =	simm.s32 $0x18000  }
0x21: {  	[tilespmem:s16], [sflag:$0x7] =	stream.linear.gather [hbm4b:s4+s1], $0x80, $0x38;
	[tilespmem:$0x18080] =	vst v63  }
0x22: {  	_ =	swait.ge [sflag:s6], $0x80  }
0x23: {  	[sflag:s6] =	ssyncset.done $0x0  }
0x24: {  	[sflag:s6] =	ssyncadd.s32 $0xFFFFFF80  }
0x25: {  	v1 =	vld [tilespmem:$0x18000];
	_ =	sdelay $0x4  }
0x26: {  	(v2sf) =	vpush v1, $0x2  }
0x27: {  	(v2sf) =	vpush v1, $0x3;
	_ =	sdelay $0xa  }
0x28: {  	[tilespmem:s1], [sflag:$0x1] =	stream.linear.gather [hbm4b:s29+s1], $0x8000, $0x38;
	[tilespmem:$0x18080] =	vst v63  }
0x29: {  	s16 =	rddreg [dreg:$0x4]  }
0x2a: {  	[tilespmem:s7], [sflag:$0x2] =	stream.linear.gather [hbm4b:s16+s1], $0x8000, $0x38;
	[tilespmem:$0x18080] =	vst v63  }
0x2b: {  	s17 =	spop (v2sf)  }
0x2c: {  	s18 =	spop (v2sf)  }
0x2d: {  	_ =	swait.ge [sflag:s8], $0x8000  }
0x2e: {  	[sflag:s8] =	ssyncset.done $0x0  }
0x2f: {  	s16 =	simm.s32 $0xFFFF8000;
	[sflag:s8] =	ssyncadd.s32 $0xFFFF8000  }
0x30: {  	v8 =	vld [tilespmem:s16+$0x8380]  }
0x31: {  	v5 =	vld [tilespmem:s16+$0x8300]  }
0x32: {  	v3 =	vld [tilespmem:s16+$0x8200]  }
0x33: {  	v4 =	vld [tilespmem:s16+$0x8280]  }
0x34: {  	v0 =	vbroadcast v1, $0x0;
	v1 =	vbroadcast v1, $0x1;
	_ =	sdelay $0x1  }
0x35: {  	v2 =	vmul.f32 v5, v0;
	v6 =	vmul.f32 v8, v1;
	_ =	sdelay $0x1  }
0x36: {  	v7 =	vmul.f32 v4, v1;
	v2 =	vadd.f32 v6, v2;
	v6 =	vmul.f32 v3, v0  }
0x37: {  	s17 =	sadd.f32 s18, s17  }
0x38: {  	v9 =	vadd.f32 v2, v2;
	v6 =	vadd.f32 v7, v6  }
0x39: {  	v2 =	vmov s17  }
0x3a: {  	v7 =	vmul.f32 v9, v0;
	v9 =	vmul.f32 v9, v1;
	v6 =	vsub.f32 v2, v6;
	_ =	sdelay $0x1  }
0x3b: {  	v10 =	vsub.f32 v5, v7;
	v9 =	vsub.f32 v8, v9;
	v7 =	vmax.f32 v6, $0.0e+00  }
0x3c: {  	v6 =	vmul.f32 v7, v0;
	v7 =	vmul.f32 v7, v1  }
0x3d: {  	s17 =	simm.s32 $0xFFFE2000;
	v5 =	vsel vm0, v5, v10;
	v8 =	vsel vm0, v8, v9  }
.LBB2_2:
0x3e: {  	p0 =	sne.s32 s17, $0xFFFFE000;
	v6 =	vadd.f32 v6, v3;
	v7 =	vadd.f32 v7, v4;
	[tilespmem:s16+$0x8380] =	vst v8;
	s18 =	smov.u32 s17;
	s17 =	sadd.s32 $0x2000, s17  }
0x3f: {  	s18 =	sshra.s32 s18, $0x2  }
0x40: {  	v8 =	vld [tilespmem:s18+$0x8380];
	v3 =	vsel vm0, v3, v6;
	v4 =	vsel vm0, v4, v7;
	[tilespmem:s16+$0x8300] =	vst v5  }
0x41: {  	v5 =	vld [tilespmem:s18+$0x8300];
	[tilespmem:s16+$0x8200] =	vst v3  }
0x42: {  	v3 =	vld [tilespmem:s18+$0x8200];
	[tilespmem:s16+$0x8280] =	vst v4;
	s16 =	smov.u32 s18  }
0x43: {  	v4 =	vld [tilespmem:s16+$0x8280];
	_ =	sdelay $0x2  }
0x44: {  	v7 =	vmul.f32 v8, v1;
	v6 =	vmul.f32 v5, v0;
	_ =	sdelay $0x1  }
0x45: {  	v6 =	vadd.f32 v7, v6;
	v7 =	vmul.f32 v3, v0;
	v9 =	vmul.f32 v4, v1;
	_ =	sdelay $0x1  }
0x46: {  	v6 =	vadd.f32 v6, v6;
	v7 =	vadd.f32 v9, v7;
	_ =	sdelay $0x1  }
.Ltmp0:
0x47: {  	v9 =	vmul.f32 v6, v0;
	v6 =	vmul.f32 v6, v1;
	v7 =	vsub.f32 v2, v7;
	(pc) =	sbr.rel @p0 .LBB2_2-.Ltmp0, $4  }
0x48: {  	_ = 	snop  }
0x49: {  	v9 =	vsub.f32 v5, v9;
	v10 =	vsub.f32 v8, v6;
	v7 =	vmax.f32 v7, $0.0e+00  }
0x4a: {  	v6 =	vmul.f32 v7, v0;
	v7 =	vmul.f32 v7, v1  }
0x4b: {  	v5 =	vsel vm0, v5, v9;
	v8 =	vsel vm0, v8, v10  }
0x4c: {  	v6 =	vadd.f32 v6, v3  }
0x4d: {  	v7 =	vadd.f32 v7, v4;
	[tilespmem:s16+$0x8380] =	vst v8  }
0x4e: {  	[tilespmem:s16+$0x8300] =	vst v5;
	v3 =	vsel vm0, v3, v6  }
0x4f: {  	v4 =	vsel vm0, v4, v7;
	[tilespmem:s16+$0x8200] =	vst v3  }
0x50: {  	[tilespmem:s16+$0x8280] =	vst v4  }
0x51: {  	[hbm4b:s30+s1] =	stream.linear.scatter [tilespmem:s1], [sflag:$0x4], $0x8000, $0x38;
	[tilespmem:$0x18080] =	vst v63  }
0x52: {  	s18 =	rddreg [dreg:$0x5]  }
0x53: {  	[tilespmem:s9], [sflag:$0x3] =	stream.linear.gather [hbm4b:s18+s1], $0x8000, $0x38;
	[tilespmem:$0x18080] =	vst v63  }
0x54: {  	_ =	swait.ge [sflag:s10], $0x8000  }
0x55: {  	[sflag:s10] =	ssyncset.done $0x0  }
0x56: {  	s16 =	simm.s32 $0xFFFF8000;
	[sflag:s10] =	ssyncadd.s32 $0xFFFF8000  }
0x57: {  	v8 =	vld [tilespmem:s16+$0x10380]  }
0x58: {  	v5 =	vld [tilespmem:s16+$0x10300]  }
0x59: {  	v3 =	vld [tilespmem:s16+$0x10200]  }
0x5a: {  	v4 =	vld [tilespmem:s16+$0x10280];
	_ =	sdelay $0x2  }
0x5b: {  	v6 =	vmul.f32 v5, v0;
	v7 =	vmul.f32 v8, v1;
	_ =	sdelay $0x1  }
0x5c: {  	v9 =	vmul.f32 v4, v1;
	v6 =	vadd.f32 v7, v6;
	v7 =	vmul.f32 v3, v0;
	_ =	sdelay $0x1  }
0x5d: {  	v6 =	vadd.f32 v6, v6;
	v7 =	vadd.f32 v9, v7;
	_ =	sdelay $0x1  }
0x5e: {  	v9 =	vmul.f32 v6, v0;
	v6 =	vmul.f32 v6, v1;
	v7 =	vsub.f32 v2, v7;
	_ =	sdelay $0x1  }
0x5f: {  	v9 =	vsub.f32 v5, v9;
	v10 =	vsub.f32 v8, v6;
	v7 =	vmax.f32 v7, $0.0e+00  }
0x60: {  	v6 =	vmul.f32 v7, v0;
	v7 =	vmul.f32 v7, v1  }
0x61: {  	s17 =	simm.s32 $0xFFFE2000;
	v5 =	vsel vm0, v5, v9;
	v8 =	vsel vm0, v8, v10  }
.LBB2_4:
0x62: {  	p0 =	sne.s32 s17, $0xFFFFE000;
	v6 =	vadd.f32 v6, v3;
	v7 =	vadd.f32 v7, v4;
	[tilespmem:s16+$0x10380] =	vst v8;
	s18 =	smov.u32 s17;
	s17 =	sadd.s32 $0x2000, s17  }
0x63: {  	s18 =	sshra.s32 s18, $0x2  }
0x64: {  	v8 =	vld [tilespmem:s18+$0x10380];
	v3 =	vsel vm0, v3, v6;
	v4 =	vsel vm0, v4, v7;
	[tilespmem:s16+$0x10300] =	vst v5  }
0x65: {  	v5 =	vld [tilespmem:s18+$0x10300];
	[tilespmem:s16+$0x10200] =	vst v3  }
0x66: {  	v3 =	vld [tilespmem:s18+$0x10200];
	[tilespmem:s16+$0x10280] =	vst v4;
	s16 =	smov.u32 s18  }
0x67: {  	v4 =	vld [tilespmem:s16+$0x10280];
	_ =	sdelay $0x2  }
0x68: {  	v7 =	vmul.f32 v8, v1;
	v6 =	vmul.f32 v5, v0;
	_ =	sdelay $0x1  }
0x69: {  	v6 =	vadd.f32 v7, v6;
	v7 =	vmul.f32 v3, v0;
	v9 =	vmul.f32 v4, v1;
	_ =	sdelay $0x1  }
0x6a: {  	v6 =	vadd.f32 v6, v6;
	v7 =	vadd.f32 v9, v7;
	_ =	sdelay $0x1  }
.Ltmp1:
0x6b: {  	v9 =	vmul.f32 v6, v0;
	v6 =	vmul.f32 v6, v1;
	v7 =	vsub.f32 v2, v7;
	(pc) =	sbr.rel @p0 .LBB2_4-.Ltmp1, $4  }
0x6c: {  	_ = 	snop  }
0x6d: {  	v9 =	vsub.f32 v5, v9;
	v10 =	vsub.f32 v8, v6;
	v7 =	vmax.f32 v7, $0.0e+00  }
0x6e: {  	v6 =	vmul.f32 v7, v0;
	v7 =	vmul.f32 v7, v1  }
0x6f: {  	v5 =	vsel vm0, v5, v9;
	v8 =	vsel vm0, v8, v10  }
0x70: {  	v6 =	vadd.f32 v6, v3  }
0x71: {  	v7 =	vadd.f32 v7, v4;
	[tilespmem:s16+$0x10380] =	vst v8  }
0x72: {  	[tilespmem:s16+$0x10300] =	vst v5;
	v3 =	vsel vm0, v3, v6  }
0x73: {  	v4 =	vsel vm0, v4, v7;
	[tilespmem:s16+$0x10200] =	vst v3  }
0x74: {  	s17 =	rddreg [dreg:$0x6];
	[tilespmem:s16+$0x10280] =	vst v4  }
0x75: {  	[hbm4b:s17+s1] =	stream.linear.scatter [tilespmem:s7], [sflag:$0x5], $0x8000, $0x38;
	[tilespmem:$0x18080] =	vst v63  }
0x76: {  	_ =	swait.ge [sflag:s11], $0x8000  }
0x77: {  	[sflag:s11] =	ssyncset.done $0x0  }
0x78: {  	s18 =	rddreg [dreg:$0x7];
	[sflag:s11] =	ssyncadd.s32 $0xFFFF8000  }
0x79: {  	[tilespmem:s1], [sflag:$0x1] =	stream.linear.gather [hbm4b:s18+s1], $0x8000, $0x38;
	[tilespmem:$0x18080] =	vst v63  }
0x7a: {  	_ =	swait.ge [sflag:s12], $0x8000  }
0x7b: {  	[sflag:s12] =	ssyncset.done $0x0  }
0x7c: {  	s16 =	simm.s32 $0xFFFF8000;
	[sflag:s12] =	ssyncadd.s32 $0xFFFF8000  }
0x7d: {  	v8 =	vld [tilespmem:s16+$0x18380]  }
0x7e: {  	v5 =	vld [tilespmem:s16+$0x18300]  }
0x7f: {  	v3 =	vld [tilespmem:s16+$0x18200]  }
0x80: {  	v4 =	vld [tilespmem:s16+$0x18280];
	_ =	sdelay $0x2  }
0x81: {  	v6 =	vmul.f32 v5, v0;
	v7 =	vmul.f32 v8, v1;
	_ =	sdelay $0x1  }
0x82: {  	v9 =	vmul.f32 v4, v1;
	v6 =	vadd.f32 v7, v6;
	v7 =	vmul.f32 v3, v0;
	_ =	sdelay $0x1  }
0x83: {  	v6 =	vadd.f32 v6, v6;
	v7 =	vadd.f32 v9, v7;
	_ =	sdelay $0x1  }
0x84: {  	v9 =	vmul.f32 v6, v0;
	v6 =	vmul.f32 v6, v1;
	v7 =	vsub.f32 v2, v7;
	_ =	sdelay $0x1  }
0x85: {  	v9 =	vsub.f32 v5, v9;
	v10 =	vsub.f32 v8, v6;
	v7 =	vmax.f32 v7, $0.0e+00  }
0x86: {  	v6 =	vmul.f32 v7, v0;
	v7 =	vmul.f32 v7, v1  }
0x87: {  	s17 =	simm.s32 $0xFFFE2000;
	v5 =	vsel vm0, v5, v9;
	v8 =	vsel vm0, v8, v10  }
.LBB2_6:
0x88: {  	p0 =	sne.s32 s17, $0xFFFFE000;
	v6 =	vadd.f32 v6, v3;
	v7 =	vadd.f32 v7, v4;
	[tilespmem:s16+$0x18380] =	vst v8;
	s18 =	smov.u32 s17;
	s17 =	sadd.s32 $0x2000, s17  }
0x89: {  	s18 =	sshra.s32 s18, $0x2  }
0x8a: {  	v8 =	vld [tilespmem:s18+$0x18380];
	v3 =	vsel vm0, v3, v6;
	v4 =	vsel vm0, v4, v7;
	[tilespmem:s16+$0x18300] =	vst v5  }
0x8b: {  	v5 =	vld [tilespmem:s18+$0x18300];
	[tilespmem:s16+$0x18200] =	vst v3  }
0x8c: {  	v3 =	vld [tilespmem:s18+$0x18200];
	[tilespmem:s16+$0x18280] =	vst v4;
	s16 =	smov.u32 s18  }
0x8d: {  	v4 =	vld [tilespmem:s16+$0x18280];
	_ =	sdelay $0x2  }
0x8e: {  	v7 =	vmul.f32 v8, v1;
	v6 =	vmul.f32 v5, v0;
	_ =	sdelay $0x1  }
0x8f: {  	v6 =	vadd.f32 v7, v6;
	v7 =	vmul.f32 v3, v0;
	v9 =	vmul.f32 v4, v1;
	_ =	sdelay $0x1  }
0x90: {  	v6 =	vadd.f32 v6, v6;
	v7 =	vadd.f32 v9, v7;
	_ =	sdelay $0x1  }
.Ltmp2:
0x91: {  	v9 =	vmul.f32 v6, v0;
	v6 =	vmul.f32 v6, v1;
	v7 =	vsub.f32 v2, v7;
	(pc) =	sbr.rel @p0 .LBB2_6-.Ltmp2, $4  }
0x92: {  	_ = 	snop  }
0x93: {  	v9 =	vsub.f32 v5, v9;
	v10 =	vsub.f32 v8, v6;
	v7 =	vmax.f32 v7, $0.0e+00  }
0x94: {  	v6 =	vmul.f32 v7, v0;
	v7 =	vmul.f32 v7, v1  }
0x95: {  	v5 =	vsel vm0, v5, v9;
	v8 =	vsel vm0, v8, v10  }
0x96: {  	v6 =	vadd.f32 v6, v3  }
0x97: {  	v7 =	vadd.f32 v7, v4;
	[tilespmem:s16+$0x18380] =	vst v8  }
0x98: {  	[tilespmem:s16+$0x18300] =	vst v5;
	v3 =	vsel vm0, v3, v6  }
0x99: {  	v4 =	vsel vm0, v4, v7;
	[tilespmem:s16+$0x18200] =	vst v3  }
0x9a: {  	s17 =	rddreg [dreg:$0x8];
	[tilespmem:s16+$0x18280] =	vst v4  }
0x9b: {  	[hbm4b:s17+s1] =	stream.linear.scatter [tilespmem:s9], [sflag:$0x6], $0x8000, $0x38;
	[tilespmem:$0x18080] =	vst v63  }
0x9c: {  	_ =	swait.ge [sflag:s13], $0x8000  }
0x9d: {  	[sflag:s13] =	ssyncset.done $0x0  }
0x9e: {  	s18 =	rddreg [dreg:$0x9];
	[sflag:s13] =	ssyncadd.s32 $0xFFFF8000  }
0x9f: {  	[tilespmem:s7], [sflag:$0x2] =	stream.linear.gather [hbm4b:s18+s1], $0x8000, $0x38;
	[tilespmem:$0x18080] =	vst v63  }
0xa0: {  	_ =	swait.ge [sflag:s8], $0x8000  }
0xa1: {  	[sflag:s8] =	ssyncset.done $0x0  }
0xa2: {  	s16 =	simm.s32 $0xFFFF8000;
	[sflag:s8] =	ssyncadd.s32 $0xFFFF8000  }
0xa3: {  	v8 =	vld [tilespmem:s16+$0x8380]  }
0xa4: {  	v5 =	vld [tilespmem:s16+$0x8300]  }
0xa5: {  	v3 =	vld [tilespmem:s16+$0x8200]  }
0xa6: {  	v4 =	vld [tilespmem:s16+$0x8280];
	_ =	sdelay $0x2  }
0xa7: {  	v6 =	vmul.f32 v5, v0;
	v7 =	vmul.f32 v8, v1;
	_ =	sdelay $0x1  }
0xa8: {  	v9 =	vmul.f32 v4, v1;
	v6 =	vadd.f32 v7, v6;
	v7 =	vmul.f32 v3, v0;
	_ =	sdelay $0x1  }
0xa9: {  	v6 =	vadd.f32 v6, v6;
	v7 =	vadd.f32 v9, v7;
	_ =	sdelay $0x1  }
0xaa: {  	v9 =	vmul.f32 v6, v0;
	v6 =	vmul.f32 v6, v1;
	v7 =	vsub.f32 v2, v7;
	_ =	sdelay $0x1  }
0xab: {  	v9 =	vsub.f32 v5, v9;
	v10 =	vsub.f32 v8, v6;
	v7 =	vmax.f32 v7, $0.0e+00  }
0xac: {  	v6 =	vmul.f32 v7, v0;
	v7 =	vmul.f32 v7, v1  }
0xad: {  	s17 =	simm.s32 $0xFFFE2000;
	v5 =	vsel vm0, v5, v9;
	v8 =	vsel vm0, v8, v10  }
.LBB2_8:
0xae: {  	p0 =	sne.s32 s17, $0xFFFFE000;
	v6 =	vadd.f32 v6, v3;
	v7 =	vadd.f32 v7, v4;
	[tilespmem:s16+$0x8380] =	vst v8;
	s18 =	smov.u32 s17;
	s17 =	sadd.s32 $0x2000, s17  }
0xaf: {  	s18 =	sshra.s32 s18, $0x2  }
0xb0: {  	v8 =	vld [tilespmem:s18+$0x8380];
	v3 =	vsel vm0, v3, v6;
	v4 =	vsel vm0, v4, v7;
	[tilespmem:s16+$0x8300] =	vst v5  }
0xb1: {  	v5 =	vld [tilespmem:s18+$0x8300];
	[tilespmem:s16+$0x8200] =	vst v3  }
0xb2: {  	v3 =	vld [tilespmem:s18+$0x8200];
	[tilespmem:s16+$0x8280] =	vst v4;
	s16 =	smov.u32 s18  }
0xb3: {  	v4 =	vld [tilespmem:s16+$0x8280];
	_ =	sdelay $0x2  }
0xb4: {  	v7 =	vmul.f32 v8, v1;
	v6 =	vmul.f32 v5, v0;
	_ =	sdelay $0x1  }
0xb5: {  	v6 =	vadd.f32 v7, v6;
	v7 =	vmul.f32 v3, v0;
	v9 =	vmul.f32 v4, v1;
	_ =	sdelay $0x1  }
0xb6: {  	v6 =	vadd.f32 v6, v6;
	v7 =	vadd.f32 v9, v7;
	_ =	sdelay $0x1  }
.Ltmp3:
0xb7: {  	v9 =	vmul.f32 v6, v0;
	v6 =	vmul.f32 v6, v1;
	v7 =	vsub.f32 v2, v7;
	(pc) =	sbr.rel @p0 .LBB2_8-.Ltmp3, $4  }
0xb8: {  	_ = 	snop  }
0xb9: {  	v9 =	vsub.f32 v5, v9;
	v10 =	vsub.f32 v8, v6;
	v7 =	vmax.f32 v7, $0.0e+00  }
0xba: {  	v6 =	vmul.f32 v7, v0;
	v7 =	vmul.f32 v7, v1  }
0xbb: {  	v5 =	vsel vm0, v5, v9;
	v8 =	vsel vm0, v8, v10  }
0xbc: {  	v6 =	vadd.f32 v6, v3  }
0xbd: {  	v7 =	vadd.f32 v7, v4;
	[tilespmem:s16+$0x8380] =	vst v8  }
0xbe: {  	[tilespmem:s16+$0x8300] =	vst v5;
	v3 =	vsel vm0, v3, v6  }
0xbf: {  	v4 =	vsel vm0, v4, v7;
	[tilespmem:s16+$0x8200] =	vst v3  }
0xc0: {  	s17 =	rddreg [dreg:$0xa];
	[tilespmem:s16+$0x8280] =	vst v4  }
0xc1: {  	[hbm4b:s17+s1] =	stream.linear.scatter [tilespmem:s1], [sflag:$0x4], $0x8000, $0x38;
	[tilespmem:$0x18080] =	vst v63  }
0xc2: {  	_ =	swait.ge [sflag:s14], $0x8000  }
0xc3: {  	[sflag:s14] =	ssyncset.done $0x0  }
0xc4: {  	s18 =	rddreg [dreg:$0xb];
	[sflag:s14] =	ssyncadd.s32 $0xFFFF8000  }
0xc5: {  	[tilespmem:s9], [sflag:$0x3] =	stream.linear.gather [hbm4b:s18+s1], $0x8000, $0x38;
	[tilespmem:$0x18080] =	vst v63  }
0xc6: {  	_ =	swait.ge [sflag:s10], $0x8000  }
0xc7: {  	[sflag:s10] =	ssyncset.done $0x0  }
0xc8: {  	s16 =	simm.s32 $0xFFFF8000;
	[sflag:s10] =	ssyncadd.s32 $0xFFFF8000  }
0xc9: {  	v8 =	vld [tilespmem:s16+$0x10380]  }
0xca: {  	v5 =	vld [tilespmem:s16+$0x10300]  }
0xcb: {  	v3 =	vld [tilespmem:s16+$0x10200]  }
0xcc: {  	v4 =	vld [tilespmem:s16+$0x10280];
	_ =	sdelay $0x2  }
0xcd: {  	v6 =	vmul.f32 v5, v0;
	v7 =	vmul.f32 v8, v1;
	_ =	sdelay $0x1  }
0xce: {  	v9 =	vmul.f32 v4, v1;
	v6 =	vadd.f32 v7, v6;
	v7 =	vmul.f32 v3, v0;
	_ =	sdelay $0x1  }
0xcf: {  	v6 =	vadd.f32 v6, v6;
	v7 =	vadd.f32 v9, v7;
	_ =	sdelay $0x1  }
0xd0: {  	v9 =	vmul.f32 v6, v0;
	v6 =	vmul.f32 v6, v1;
	v7 =	vsub.f32 v2, v7;
	_ =	sdelay $0x1  }
0xd1: {  	v9 =	vsub.f32 v5, v9;
	v10 =	vsub.f32 v8, v6;
	v7 =	vmax.f32 v7, $0.0e+00  }
0xd2: {  	v6 =	vmul.f32 v7, v0;
	v7 =	vmul.f32 v7, v1  }
0xd3: {  	s17 =	simm.s32 $0xFFFE2000;
	v5 =	vsel vm0, v5, v9;
	v8 =	vsel vm0, v8, v10  }
.LBB2_10:
0xd4: {  	p0 =	sne.s32 s17, $0xFFFFE000;
	v6 =	vadd.f32 v6, v3;
	v7 =	vadd.f32 v7, v4;
	[tilespmem:s16+$0x10380] =	vst v8;
	s18 =	smov.u32 s17;
	s17 =	sadd.s32 $0x2000, s17  }
0xd5: {  	s18 =	sshra.s32 s18, $0x2  }
0xd6: {  	v8 =	vld [tilespmem:s18+$0x10380];
	v3 =	vsel vm0, v3, v6;
	v4 =	vsel vm0, v4, v7;
	[tilespmem:s16+$0x10300] =	vst v5  }
0xd7: {  	v5 =	vld [tilespmem:s18+$0x10300];
	[tilespmem:s16+$0x10200] =	vst v3  }
0xd8: {  	v3 =	vld [tilespmem:s18+$0x10200];
	[tilespmem:s16+$0x10280] =	vst v4;
	s16 =	smov.u32 s18  }
0xd9: {  	v4 =	vld [tilespmem:s16+$0x10280];
	_ =	sdelay $0x2  }
0xda: {  	v7 =	vmul.f32 v8, v1;
	v6 =	vmul.f32 v5, v0;
	_ =	sdelay $0x1  }
0xdb: {  	v6 =	vadd.f32 v7, v6;
	v7 =	vmul.f32 v3, v0;
	v9 =	vmul.f32 v4, v1;
	_ =	sdelay $0x1  }
0xdc: {  	v6 =	vadd.f32 v6, v6;
	v7 =	vadd.f32 v9, v7;
	_ =	sdelay $0x1  }
.Ltmp4:
0xdd: {  	v9 =	vmul.f32 v6, v0;
	v6 =	vmul.f32 v6, v1;
	v7 =	vsub.f32 v2, v7;
	(pc) =	sbr.rel @p0 .LBB2_10-.Ltmp4, $4  }
0xde: {  	_ = 	snop  }
0xdf: {  	v9 =	vsub.f32 v5, v9;
	v10 =	vsub.f32 v8, v6;
	v7 =	vmax.f32 v7, $0.0e+00  }
0xe0: {  	v6 =	vmul.f32 v7, v0;
	v7 =	vmul.f32 v7, v1  }
0xe1: {  	v5 =	vsel vm0, v5, v9;
	v8 =	vsel vm0, v8, v10  }
0xe2: {  	v6 =	vadd.f32 v6, v3  }
0xe3: {  	v7 =	vadd.f32 v7, v4;
	[tilespmem:s16+$0x10380] =	vst v8  }
0xe4: {  	[tilespmem:s16+$0x10300] =	vst v5;
	v3 =	vsel vm0, v3, v6  }
0xe5: {  	v4 =	vsel vm0, v4, v7;
	[tilespmem:s16+$0x10200] =	vst v3  }
0xe6: {  	s17 =	rddreg [dreg:$0xc];
	[tilespmem:s16+$0x10280] =	vst v4  }
0xe7: {  	[hbm4b:s17+s1] =	stream.linear.scatter [tilespmem:s7], [sflag:$0x5], $0x8000, $0x38;
	[tilespmem:$0x18080] =	vst v63  }
0xe8: {  	_ =	swait.ge [sflag:s11], $0x8000  }
0xe9: {  	[sflag:s11] =	ssyncset.done $0x0  }
0xea: {  	s18 =	rddreg [dreg:$0xd];
	[sflag:s11] =	ssyncadd.s32 $0xFFFF8000  }
0xeb: {  	[tilespmem:s1], [sflag:$0x1] =	stream.linear.gather [hbm4b:s18+s1], $0x8000, $0x38;
	[tilespmem:$0x18080] =	vst v63  }
0xec: {  	_ =	swait.ge [sflag:s12], $0x8000  }
0xed: {  	[sflag:s12] =	ssyncset.done $0x0  }
0xee: {  	s16 =	simm.s32 $0xFFFF8000;
	[sflag:s12] =	ssyncadd.s32 $0xFFFF8000  }
0xef: {  	v8 =	vld [tilespmem:s16+$0x18380]  }
0xf0: {  	v5 =	vld [tilespmem:s16+$0x18300]  }
0xf1: {  	v3 =	vld [tilespmem:s16+$0x18200]  }
0xf2: {  	v4 =	vld [tilespmem:s16+$0x18280];
	_ =	sdelay $0x2  }
0xf3: {  	v6 =	vmul.f32 v5, v0;
	v7 =	vmul.f32 v8, v1;
	_ =	sdelay $0x1  }
0xf4: {  	v9 =	vmul.f32 v4, v1;
	v6 =	vadd.f32 v7, v6;
	v7 =	vmul.f32 v3, v0;
	_ =	sdelay $0x1  }
0xf5: {  	v6 =	vadd.f32 v6, v6;
	v7 =	vadd.f32 v9, v7;
	_ =	sdelay $0x1  }
0xf6: {  	v9 =	vmul.f32 v6, v0;
	v6 =	vmul.f32 v6, v1;
	v7 =	vsub.f32 v2, v7;
	_ =	sdelay $0x1  }
0xf7: {  	v9 =	vsub.f32 v5, v9;
	v10 =	vsub.f32 v8, v6;
	v7 =	vmax.f32 v7, $0.0e+00  }
0xf8: {  	v6 =	vmul.f32 v7, v0;
	v7 =	vmul.f32 v7, v1  }
0xf9: {  	s17 =	simm.s32 $0xFFFE2000;
	v5 =	vsel vm0, v5, v9;
	v8 =	vsel vm0, v8, v10  }
.LBB2_12:
0xfa: {  	p0 =	sne.s32 s17, $0xFFFFE000;
	v6 =	vadd.f32 v6, v3;
	v7 =	vadd.f32 v7, v4;
	[tilespmem:s16+$0x18380] =	vst v8;
	s18 =	smov.u32 s17;
	s17 =	sadd.s32 $0x2000, s17  }
0xfb: {  	s18 =	sshra.s32 s18, $0x2  }
0xfc: {  	v8 =	vld [tilespmem:s18+$0x18380];
	v3 =	vsel vm0, v3, v6;
	v4 =	vsel vm0, v4, v7;
	[tilespmem:s16+$0x18300] =	vst v5  }
0xfd: {  	v5 =	vld [tilespmem:s18+$0x18300];
	[tilespmem:s16+$0x18200] =	vst v3  }
0xfe: {  	v3 =	vld [tilespmem:s18+$0x18200];
	[tilespmem:s16+$0x18280] =	vst v4;
	s16 =	smov.u32 s18  }
0xff: {  	v4 =	vld [tilespmem:s16+$0x18280];
	_ =	sdelay $0x2  }
0x100: {  	v7 =	vmul.f32 v8, v1;
	v6 =	vmul.f32 v5, v0;
	_ =	sdelay $0x1  }
0x101: {  	v6 =	vadd.f32 v7, v6;
	v7 =	vmul.f32 v3, v0;
	v9 =	vmul.f32 v4, v1;
	_ =	sdelay $0x1  }
0x102: {  	v6 =	vadd.f32 v6, v6;
	v7 =	vadd.f32 v9, v7;
	_ =	sdelay $0x1  }
.Ltmp5:
0x103: {  	v9 =	vmul.f32 v6, v0;
	v6 =	vmul.f32 v6, v1;
	v7 =	vsub.f32 v2, v7;
	(pc) =	sbr.rel @p0 .LBB2_12-.Ltmp5, $4  }
0x104: {  	_ = 	snop  }
0x105: {  	v9 =	vsub.f32 v5, v9;
	v10 =	vsub.f32 v8, v6;
	v7 =	vmax.f32 v7, $0.0e+00  }
0x106: {  	v6 =	vmul.f32 v7, v0;
	v7 =	vmul.f32 v7, v1  }
0x107: {  	v5 =	vsel vm0, v5, v9;
	v8 =	vsel vm0, v8, v10  }
0x108: {  	v6 =	vadd.f32 v6, v3  }
0x109: {  	v7 =	vadd.f32 v7, v4;
	[tilespmem:s16+$0x18380] =	vst v8  }
0x10a: {  	[tilespmem:s16+$0x18300] =	vst v5;
	v3 =	vsel vm0, v3, v6  }
0x10b: {  	v4 =	vsel vm0, v4, v7;
	[tilespmem:s16+$0x18200] =	vst v3  }
0x10c: {  	s17 =	rddreg [dreg:$0xe];
	[tilespmem:s16+$0x18280] =	vst v4  }
0x10d: {  	[hbm4b:s17+s1] =	stream.linear.scatter [tilespmem:s9], [sflag:$0x6], $0x8000, $0x38;
	[tilespmem:$0x18080] =	vst v63  }
0x10e: {  	_ =	swait.ge [sflag:s13], $0x8000  }
0x10f: {  	[sflag:s13] =	ssyncset.done $0x0  }
0x110: {  	s18 =	rddreg [dreg:$0xf];
	[sflag:s13] =	ssyncadd.s32 $0xFFFF8000  }
0x111: {  	[tilespmem:s7], [sflag:$0x2] =	stream.linear.gather [hbm4b:s18+s1], $0x8000, $0x38;
	[tilespmem:$0x18080] =	vst v63  }
0x112: {  	_ =	swait.ge [sflag:s8], $0x8000  }
0x113: {  	[sflag:s8] =	ssyncset.done $0x0  }
0x114: {  	s16 =	simm.s32 $0xFFFF8000;
	[sflag:s8] =	ssyncadd.s32 $0xFFFF8000  }
0x115: {  	v8 =	vld [tilespmem:s16+$0x8380]  }
0x116: {  	v5 =	vld [tilespmem:s16+$0x8300]  }
0x117: {  	v3 =	vld [tilespmem:s16+$0x8200]  }
0x118: {  	v4 =	vld [tilespmem:s16+$0x8280];
	_ =	sdelay $0x2  }
0x119: {  	v6 =	vmul.f32 v5, v0;
	v7 =	vmul.f32 v8, v1;
	_ =	sdelay $0x1  }
0x11a: {  	v9 =	vmul.f32 v4, v1;
	v6 =	vadd.f32 v7, v6;
	v7 =	vmul.f32 v3, v0;
	_ =	sdelay $0x1  }
0x11b: {  	v6 =	vadd.f32 v6, v6;
	v7 =	vadd.f32 v9, v7;
	_ =	sdelay $0x1  }
0x11c: {  	v9 =	vmul.f32 v6, v0;
	v6 =	vmul.f32 v6, v1;
	v7 =	vsub.f32 v2, v7;
	_ =	sdelay $0x1  }
0x11d: {  	v9 =	vsub.f32 v5, v9;
	v10 =	vsub.f32 v8, v6;
	v7 =	vmax.f32 v7, $0.0e+00  }
0x11e: {  	v6 =	vmul.f32 v7, v0;
	v7 =	vmul.f32 v7, v1  }
0x11f: {  	s17 =	simm.s32 $0xFFFE2000;
	v5 =	vsel vm0, v5, v9;
	v8 =	vsel vm0, v8, v10  }
.LBB2_14:
0x120: {  	p0 =	sne.s32 s17, $0xFFFFE000;
	v6 =	vadd.f32 v6, v3;
	v7 =	vadd.f32 v7, v4;
	[tilespmem:s16+$0x8380] =	vst v8;
	s18 =	smov.u32 s17;
	s17 =	sadd.s32 $0x2000, s17  }
0x121: {  	s18 =	sshra.s32 s18, $0x2  }
0x122: {  	v8 =	vld [tilespmem:s18+$0x8380];
	v3 =	vsel vm0, v3, v6;
	v4 =	vsel vm0, v4, v7;
	[tilespmem:s16+$0x8300] =	vst v5  }
0x123: {  	v5 =	vld [tilespmem:s18+$0x8300];
	[tilespmem:s16+$0x8200] =	vst v3  }
0x124: {  	v3 =	vld [tilespmem:s18+$0x8200];
	[tilespmem:s16+$0x8280] =	vst v4;
	s16 =	smov.u32 s18  }
0x125: {  	v4 =	vld [tilespmem:s16+$0x8280];
	_ =	sdelay $0x2  }
0x126: {  	v7 =	vmul.f32 v8, v1;
	v6 =	vmul.f32 v5, v0;
	_ =	sdelay $0x1  }
0x127: {  	v6 =	vadd.f32 v7, v6;
	v7 =	vmul.f32 v3, v0;
	v9 =	vmul.f32 v4, v1;
	_ =	sdelay $0x1  }
0x128: {  	v6 =	vadd.f32 v6, v6;
	v7 =	vadd.f32 v9, v7;
	_ =	sdelay $0x1  }
.Ltmp6:
0x129: {  	v9 =	vmul.f32 v6, v0;
	v6 =	vmul.f32 v6, v1;
	v7 =	vsub.f32 v2, v7;
	(pc) =	sbr.rel @p0 .LBB2_14-.Ltmp6, $4  }
0x12a: {  	_ = 	snop  }
0x12b: {  	v9 =	vsub.f32 v5, v9;
	v10 =	vsub.f32 v8, v6;
	v7 =	vmax.f32 v7, $0.0e+00  }
0x12c: {  	v6 =	vmul.f32 v7, v0;
	v7 =	vmul.f32 v7, v1  }
0x12d: {  	v5 =	vsel vm0, v5, v9;
	v8 =	vsel vm0, v8, v10  }
0x12e: {  	v6 =	vadd.f32 v6, v3  }
0x12f: {  	v7 =	vadd.f32 v7, v4;
	[tilespmem:s16+$0x8380] =	vst v8  }
0x130: {  	[tilespmem:s16+$0x8300] =	vst v5;
	v3 =	vsel vm0, v3, v6  }
0x131: {  	v4 =	vsel vm0, v4, v7;
	[tilespmem:s16+$0x8200] =	vst v3  }
0x132: {  	s17 =	rddreg [dreg:$0x10];
	[tilespmem:s16+$0x8280] =	vst v4  }
0x133: {  	[hbm4b:s17+s1] =	stream.linear.scatter [tilespmem:s1], [sflag:$0x4], $0x8000, $0x38;
	[tilespmem:$0x18080] =	vst v63  }
0x134: {  	_ =	swait.ge [sflag:s14], $0x8000  }
0x135: {  	[sflag:s14] =	ssyncset.done $0x0  }
0x136: {  	s18 =	rddreg [dreg:$0x11];
	[sflag:s14] =	ssyncadd.s32 $0xFFFF8000  }
0x137: {  	[tilespmem:s9], [sflag:$0x3] =	stream.linear.gather [hbm4b:s18+s1], $0x8000, $0x38;
	[tilespmem:$0x18080] =	vst v63  }
0x138: {  	_ =	swait.ge [sflag:s10], $0x8000  }
0x139: {  	[sflag:s10] =	ssyncset.done $0x0  }
0x13a: {  	s16 =	simm.s32 $0xFFFF8000;
	[sflag:s10] =	ssyncadd.s32 $0xFFFF8000  }
0x13b: {  	v8 =	vld [tilespmem:s16+$0x10380]  }
0x13c: {  	v5 =	vld [tilespmem:s16+$0x10300]  }
0x13d: {  	v3 =	vld [tilespmem:s16+$0x10200]  }
0x13e: {  	v4 =	vld [tilespmem:s16+$0x10280];
	_ =	sdelay $0x2  }
0x13f: {  	v6 =	vmul.f32 v5, v0;
	v7 =	vmul.f32 v8, v1;
	_ =	sdelay $0x1  }
0x140: {  	v9 =	vmul.f32 v4, v1;
	v6 =	vadd.f32 v7, v6;
	v7 =	vmul.f32 v3, v0;
	_ =	sdelay $0x1  }
0x141: {  	v6 =	vadd.f32 v6, v6;
	v7 =	vadd.f32 v9, v7;
	_ =	sdelay $0x1  }
0x142: {  	v9 =	vmul.f32 v6, v0;
	v6 =	vmul.f32 v6, v1;
	v7 =	vsub.f32 v2, v7;
	_ =	sdelay $0x1  }
0x143: {  	v9 =	vsub.f32 v5, v9;
	v10 =	vsub.f32 v8, v6;
	v7 =	vmax.f32 v7, $0.0e+00  }
0x144: {  	v6 =	vmul.f32 v7, v0;
	v7 =	vmul.f32 v7, v1  }
0x145: {  	s17 =	simm.s32 $0xFFFE2000;
	v5 =	vsel vm0, v5, v9;
	v8 =	vsel vm0, v8, v10  }
.LBB2_16:
0x146: {  	p0 =	sne.s32 s17, $0xFFFFE000;
	v6 =	vadd.f32 v6, v3;
	v7 =	vadd.f32 v7, v4;
	[tilespmem:s16+$0x10380] =	vst v8;
	s18 =	smov.u32 s17;
	s17 =	sadd.s32 $0x2000, s17  }
0x147: {  	s18 =	sshra.s32 s18, $0x2  }
0x148: {  	v8 =	vld [tilespmem:s18+$0x10380];
	v3 =	vsel vm0, v3, v6;
	v4 =	vsel vm0, v4, v7;
	[tilespmem:s16+$0x10300] =	vst v5  }
0x149: {  	v5 =	vld [tilespmem:s18+$0x10300];
	[tilespmem:s16+$0x10200] =	vst v3  }
0x14a: {  	v3 =	vld [tilespmem:s18+$0x10200];
	[tilespmem:s16+$0x10280] =	vst v4;
	s16 =	smov.u32 s18  }
0x14b: {  	v4 =	vld [tilespmem:s16+$0x10280];
	_ =	sdelay $0x2  }
0x14c: {  	v7 =	vmul.f32 v8, v1;
	v6 =	vmul.f32 v5, v0;
	_ =	sdelay $0x1  }
0x14d: {  	v6 =	vadd.f32 v7, v6;
	v7 =	vmul.f32 v3, v0;
	v9 =	vmul.f32 v4, v1;
	_ =	sdelay $0x1  }
0x14e: {  	v6 =	vadd.f32 v6, v6;
	v7 =	vadd.f32 v9, v7;
	_ =	sdelay $0x1  }
.Ltmp7:
0x14f: {  	v9 =	vmul.f32 v6, v0;
	v6 =	vmul.f32 v6, v1;
	v7 =	vsub.f32 v2, v7;
	(pc) =	sbr.rel @p0 .LBB2_16-.Ltmp7, $4  }
0x150: {  	_ = 	snop  }
0x151: {  	v9 =	vsub.f32 v5, v9;
	v10 =	vsub.f32 v8, v6;
	v7 =	vmax.f32 v7, $0.0e+00  }
0x152: {  	v6 =	vmul.f32 v7, v0;
	v7 =	vmul.f32 v7, v1  }
0x153: {  	v5 =	vsel vm0, v5, v9;
	v8 =	vsel vm0, v8, v10  }
0x154: {  	v6 =	vadd.f32 v6, v3  }
0x155: {  	v7 =	vadd.f32 v7, v4;
	[tilespmem:s16+$0x10380] =	vst v8  }
0x156: {  	[tilespmem:s16+$0x10300] =	vst v5;
	v3 =	vsel vm0, v3, v6  }
0x157: {  	v4 =	vsel vm0, v4, v7;
	[tilespmem:s16+$0x10200] =	vst v3  }
0x158: {  	s17 =	rddreg [dreg:$0x12];
	[tilespmem:s16+$0x10280] =	vst v4  }
0x159: {  	[hbm4b:s17+s1] =	stream.linear.scatter [tilespmem:s7], [sflag:$0x5], $0x8000, $0x38;
	[tilespmem:$0x18080] =	vst v63  }
0x15a: {  	_ =	swait.ge [sflag:s11], $0x8000  }
0x15b: {  	[sflag:s11] =	ssyncset.done $0x0  }
0x15c: {  	s18 =	rddreg [dreg:$0x13];
	[sflag:s11] =	ssyncadd.s32 $0xFFFF8000  }
0x15d: {  	[tilespmem:s1], [sflag:$0x1] =	stream.linear.gather [hbm4b:s18+s1], $0x8000, $0x38;
	[tilespmem:$0x18080] =	vst v63  }
0x15e: {  	_ =	swait.ge [sflag:s12], $0x8000  }
0x15f: {  	[sflag:s12] =	ssyncset.done $0x0  }
0x160: {  	s16 =	simm.s32 $0xFFFF8000;
	[sflag:s12] =	ssyncadd.s32 $0xFFFF8000  }
0x161: {  	v8 =	vld [tilespmem:s16+$0x18380]  }
0x162: {  	v5 =	vld [tilespmem:s16+$0x18300]  }
0x163: {  	v3 =	vld [tilespmem:s16+$0x18200]  }
0x164: {  	v4 =	vld [tilespmem:s16+$0x18280];
	_ =	sdelay $0x2  }
0x165: {  	v6 =	vmul.f32 v5, v0;
	v7 =	vmul.f32 v8, v1;
	_ =	sdelay $0x1  }
0x166: {  	v9 =	vmul.f32 v4, v1;
	v6 =	vadd.f32 v7, v6;
	v7 =	vmul.f32 v3, v0;
	_ =	sdelay $0x1  }
0x167: {  	v6 =	vadd.f32 v6, v6;
	v7 =	vadd.f32 v9, v7;
	_ =	sdelay $0x1  }
0x168: {  	v9 =	vmul.f32 v6, v0;
	v6 =	vmul.f32 v6, v1;
	v7 =	vsub.f32 v2, v7;
	_ =	sdelay $0x1  }
0x169: {  	v9 =	vsub.f32 v5, v9;
	v10 =	vsub.f32 v8, v6;
	v7 =	vmax.f32 v7, $0.0e+00  }
0x16a: {  	v6 =	vmul.f32 v7, v0;
	v7 =	vmul.f32 v7, v1  }
0x16b: {  	s17 =	simm.s32 $0xFFFE2000;
	v5 =	vsel vm0, v5, v9;
	v8 =	vsel vm0, v8, v10  }
.LBB2_18:
0x16c: {  	p0 =	sne.s32 s17, $0xFFFFE000;
	v6 =	vadd.f32 v6, v3;
	v7 =	vadd.f32 v7, v4;
	[tilespmem:s16+$0x18380] =	vst v8;
	s18 =	smov.u32 s17;
	s17 =	sadd.s32 $0x2000, s17  }
0x16d: {  	s18 =	sshra.s32 s18, $0x2  }
0x16e: {  	v8 =	vld [tilespmem:s18+$0x18380];
	v3 =	vsel vm0, v3, v6;
	v4 =	vsel vm0, v4, v7;
	[tilespmem:s16+$0x18300] =	vst v5  }
0x16f: {  	v5 =	vld [tilespmem:s18+$0x18300];
	[tilespmem:s16+$0x18200] =	vst v3  }
0x170: {  	v3 =	vld [tilespmem:s18+$0x18200];
	[tilespmem:s16+$0x18280] =	vst v4;
	s16 =	smov.u32 s18  }
0x171: {  	v4 =	vld [tilespmem:s16+$0x18280];
	_ =	sdelay $0x2  }
0x172: {  	v7 =	vmul.f32 v8, v1;
	v6 =	vmul.f32 v5, v0;
	_ =	sdelay $0x1  }
0x173: {  	v6 =	vadd.f32 v7, v6;
	v7 =	vmul.f32 v3, v0;
	v9 =	vmul.f32 v4, v1;
	_ =	sdelay $0x1  }
0x174: {  	v6 =	vadd.f32 v6, v6;
	v7 =	vadd.f32 v9, v7;
	_ =	sdelay $0x1  }
.Ltmp8:
0x175: {  	v9 =	vmul.f32 v6, v0;
	v6 =	vmul.f32 v6, v1;
	v7 =	vsub.f32 v2, v7;
	(pc) =	sbr.rel @p0 .LBB2_18-.Ltmp8, $4  }
0x176: {  	_ = 	snop  }
0x177: {  	v9 =	vsub.f32 v5, v9;
	v10 =	vsub.f32 v8, v6;
	v7 =	vmax.f32 v7, $0.0e+00  }
0x178: {  	v6 =	vmul.f32 v7, v0;
	v7 =	vmul.f32 v7, v1  }
0x179: {  	v5 =	vsel vm0, v5, v9;
	v8 =	vsel vm0, v8, v10  }
0x17a: {  	v6 =	vadd.f32 v6, v3  }
0x17b: {  	v7 =	vadd.f32 v7, v4;
	[tilespmem:s16+$0x18380] =	vst v8  }
0x17c: {  	[tilespmem:s16+$0x18300] =	vst v5;
	v3 =	vsel vm0, v3, v6  }
0x17d: {  	v4 =	vsel vm0, v4, v7;
	[tilespmem:s16+$0x18200] =	vst v3  }
0x17e: {  	s18 =	rddreg [dreg:$0x14];
	[tilespmem:s16+$0x18280] =	vst v4  }
0x17f: {  	[hbm4b:s18+s1] =	stream.linear.scatter [tilespmem:s9], [sflag:$0x6], $0x8000, $0x38;
	[tilespmem:$0x18080] =	vst v63  }
0x180: {  	_ =	swait.ge [sflag:s13], $0x8000  }
0x181: {  	[sflag:s13] =	ssyncset.done $0x0  }
0x182: {  	[sflag:s13] =	ssyncadd.s32 $0xFFFF8000  }
0x183: {  	[tilespmem:s7], [sflag:$0x2] =	stream.linear.gather [hbm4b:s19+s1], $0x8000, $0x38;
	[tilespmem:$0x18080] =	vst v63  }
0x184: {  	_ =	swait.ge [sflag:s8], $0x8000  }
0x185: {  	[sflag:s8] =	ssyncset.done $0x0  }
0x186: {  	s16 =	simm.s32 $0xFFFF8000;
	[sflag:s8] =	ssyncadd.s32 $0xFFFF8000  }
0x187: {  	v8 =	vld [tilespmem:s16+$0x8380]  }
0x188: {  	v5 =	vld [tilespmem:s16+$0x8300]  }
0x189: {  	v3 =	vld [tilespmem:s16+$0x8200]  }
0x18a: {  	v4 =	vld [tilespmem:s16+$0x8280];
	_ =	sdelay $0x2  }
0x18b: {  	v6 =	vmul.f32 v5, v0;
	v7 =	vmul.f32 v8, v1;
	_ =	sdelay $0x1  }
0x18c: {  	v9 =	vmul.f32 v4, v1;
	v6 =	vadd.f32 v7, v6;
	v7 =	vmul.f32 v3, v0;
	_ =	sdelay $0x1  }
0x18d: {  	v6 =	vadd.f32 v6, v6;
	v7 =	vadd.f32 v9, v7;
	_ =	sdelay $0x1  }
0x18e: {  	v9 =	vmul.f32 v6, v0;
	v6 =	vmul.f32 v6, v1;
	v7 =	vsub.f32 v2, v7;
	_ =	sdelay $0x1  }
0x18f: {  	v9 =	vsub.f32 v5, v9;
	v10 =	vsub.f32 v8, v6;
	v7 =	vmax.f32 v7, $0.0e+00  }
0x190: {  	v6 =	vmul.f32 v7, v0;
	v7 =	vmul.f32 v7, v1  }
0x191: {  	s17 =	simm.s32 $0xFFFE2000;
	v5 =	vsel vm0, v5, v9;
	v8 =	vsel vm0, v8, v10  }
.LBB2_20:
0x192: {  	p0 =	sne.s32 s17, $0xFFFFE000;
	v6 =	vadd.f32 v6, v3;
	v7 =	vadd.f32 v7, v4;
	[tilespmem:s16+$0x8380] =	vst v8;
	s18 =	smov.u32 s17;
	s17 =	sadd.s32 $0x2000, s17  }
0x193: {  	s18 =	sshra.s32 s18, $0x2  }
0x194: {  	v8 =	vld [tilespmem:s18+$0x8380];
	v3 =	vsel vm0, v3, v6;
	v4 =	vsel vm0, v4, v7;
	[tilespmem:s16+$0x8300] =	vst v5  }
0x195: {  	v5 =	vld [tilespmem:s18+$0x8300];
	[tilespmem:s16+$0x8200] =	vst v3  }
0x196: {  	v3 =	vld [tilespmem:s18+$0x8200];
	[tilespmem:s16+$0x8280] =	vst v4;
	s16 =	smov.u32 s18  }
0x197: {  	v4 =	vld [tilespmem:s16+$0x8280];
	_ =	sdelay $0x2  }
0x198: {  	v7 =	vmul.f32 v8, v1;
	v6 =	vmul.f32 v5, v0;
	_ =	sdelay $0x1  }
0x199: {  	v6 =	vadd.f32 v7, v6;
	v7 =	vmul.f32 v3, v0;
	v9 =	vmul.f32 v4, v1;
	_ =	sdelay $0x1  }
0x19a: {  	v6 =	vadd.f32 v6, v6;
	v7 =	vadd.f32 v9, v7;
	_ =	sdelay $0x1  }
.Ltmp9:
0x19b: {  	v9 =	vmul.f32 v6, v0;
	v6 =	vmul.f32 v6, v1;
	v7 =	vsub.f32 v2, v7;
	(pc) =	sbr.rel @p0 .LBB2_20-.Ltmp9, $4  }
0x19c: {  	_ = 	snop  }
0x19d: {  	v9 =	vsub.f32 v5, v9;
	v10 =	vsub.f32 v8, v6;
	v7 =	vmax.f32 v7, $0.0e+00  }
0x19e: {  	v6 =	vmul.f32 v7, v0;
	v7 =	vmul.f32 v7, v1  }
0x19f: {  	v5 =	vsel vm0, v5, v9;
	v8 =	vsel vm0, v8, v10  }
0x1a0: {  	v6 =	vadd.f32 v6, v3  }
0x1a1: {  	v7 =	vadd.f32 v7, v4;
	[tilespmem:s16+$0x8380] =	vst v8  }
0x1a2: {  	[tilespmem:s16+$0x8300] =	vst v5;
	v3 =	vsel vm0, v3, v6  }
0x1a3: {  	v4 =	vsel vm0, v4, v7;
	[tilespmem:s16+$0x8200] =	vst v3  }
0x1a4: {  	[tilespmem:s16+$0x8280] =	vst v4  }
0x1a5: {  	[hbm4b:s20+s1] =	stream.linear.scatter [tilespmem:s1], [sflag:$0x4], $0x8000, $0x38;
	[tilespmem:$0x18080] =	vst v63  }
0x1a6: {  	_ =	swait.ge [sflag:s14], $0x8000  }
0x1a7: {  	[sflag:s14] =	ssyncset.done $0x0  }
0x1a8: {  	[sflag:s14] =	ssyncadd.s32 $0xFFFF8000  }
0x1a9: {  	[tilespmem:s9], [sflag:$0x3] =	stream.linear.gather [hbm4b:s22+s1], $0x8000, $0x38;
	[tilespmem:$0x18080] =	vst v63  }
0x1aa: {  	_ =	swait.ge [sflag:s10], $0x8000  }
0x1ab: {  	[sflag:s10] =	ssyncset.done $0x0  }
0x1ac: {  	s16 =	simm.s32 $0xFFFF8000;
	[sflag:s10] =	ssyncadd.s32 $0xFFFF8000  }
0x1ad: {  	v8 =	vld [tilespmem:s16+$0x10380]  }
0x1ae: {  	v5 =	vld [tilespmem:s16+$0x10300]  }
0x1af: {  	v3 =	vld [tilespmem:s16+$0x10200]  }
0x1b0: {  	v4 =	vld [tilespmem:s16+$0x10280];
	_ =	sdelay $0x2  }
0x1b1: {  	v6 =	vmul.f32 v5, v0;
	v7 =	vmul.f32 v8, v1;
	_ =	sdelay $0x1  }
0x1b2: {  	v9 =	vmul.f32 v4, v1;
	v6 =	vadd.f32 v7, v6;
	v7 =	vmul.f32 v3, v0;
	_ =	sdelay $0x1  }
0x1b3: {  	v6 =	vadd.f32 v6, v6;
	v7 =	vadd.f32 v9, v7;
	_ =	sdelay $0x1  }
0x1b4: {  	v9 =	vmul.f32 v6, v0;
	v6 =	vmul.f32 v6, v1;
	v7 =	vsub.f32 v2, v7;
	_ =	sdelay $0x1  }
0x1b5: {  	v9 =	vsub.f32 v5, v9;
	v10 =	vsub.f32 v8, v6;
	v7 =	vmax.f32 v7, $0.0e+00  }
0x1b6: {  	v6 =	vmul.f32 v7, v0;
	v7 =	vmul.f32 v7, v1  }
0x1b7: {  	s17 =	simm.s32 $0xFFFE2000;
	v5 =	vsel vm0, v5, v9;
	v8 =	vsel vm0, v8, v10  }
.LBB2_22:
0x1b8: {  	p0 =	sne.s32 s17, $0xFFFFE000;
	v6 =	vadd.f32 v6, v3;
	v7 =	vadd.f32 v7, v4;
	[tilespmem:s16+$0x10380] =	vst v8;
	s18 =	smov.u32 s17;
	s17 =	sadd.s32 $0x2000, s17  }
0x1b9: {  	s18 =	sshra.s32 s18, $0x2  }
0x1ba: {  	v8 =	vld [tilespmem:s18+$0x10380];
	v3 =	vsel vm0, v3, v6;
	v4 =	vsel vm0, v4, v7;
	[tilespmem:s16+$0x10300] =	vst v5  }
0x1bb: {  	v5 =	vld [tilespmem:s18+$0x10300];
	[tilespmem:s16+$0x10200] =	vst v3  }
0x1bc: {  	v3 =	vld [tilespmem:s18+$0x10200];
	[tilespmem:s16+$0x10280] =	vst v4;
	s16 =	smov.u32 s18  }
0x1bd: {  	v4 =	vld [tilespmem:s16+$0x10280];
	_ =	sdelay $0x2  }
0x1be: {  	v7 =	vmul.f32 v8, v1;
	v6 =	vmul.f32 v5, v0;
	_ =	sdelay $0x1  }
0x1bf: {  	v6 =	vadd.f32 v7, v6;
	v7 =	vmul.f32 v3, v0;
	v9 =	vmul.f32 v4, v1;
	_ =	sdelay $0x1  }
0x1c0: {  	v6 =	vadd.f32 v6, v6;
	v7 =	vadd.f32 v9, v7;
	_ =	sdelay $0x1  }
.Ltmp10:
0x1c1: {  	v9 =	vmul.f32 v6, v0;
	v6 =	vmul.f32 v6, v1;
	v7 =	vsub.f32 v2, v7;
	(pc) =	sbr.rel @p0 .LBB2_22-.Ltmp10, $4  }
0x1c2: {  	_ = 	snop  }
0x1c3: {  	v9 =	vsub.f32 v5, v9;
	v10 =	vsub.f32 v8, v6;
	v7 =	vmax.f32 v7, $0.0e+00  }
0x1c4: {  	v6 =	vmul.f32 v7, v0;
	v7 =	vmul.f32 v7, v1  }
0x1c5: {  	v5 =	vsel vm0, v5, v9;
	v8 =	vsel vm0, v8, v10  }
0x1c6: {  	v6 =	vadd.f32 v6, v3  }
0x1c7: {  	v7 =	vadd.f32 v7, v4;
	[tilespmem:s16+$0x10380] =	vst v8  }
0x1c8: {  	[tilespmem:s16+$0x10300] =	vst v5;
	v3 =	vsel vm0, v3, v6  }
0x1c9: {  	v4 =	vsel vm0, v4, v7;
	[tilespmem:s16+$0x10200] =	vst v3  }
0x1ca: {  	[tilespmem:s16+$0x10280] =	vst v4  }
0x1cb: {  	[hbm4b:s21+s1] =	stream.linear.scatter [tilespmem:s7], [sflag:$0x5], $0x8000, $0x38;
	[tilespmem:$0x18080] =	vst v63  }
0x1cc: {  	_ =	swait.ge [sflag:s11], $0x8000  }
0x1cd: {  	[sflag:s11] =	ssyncset.done $0x0  }
0x1ce: {  	[sflag:s11] =	ssyncadd.s32 $0xFFFF8000  }
0x1cf: {  	[tilespmem:s1], [sflag:$0x1] =	stream.linear.gather [hbm4b:s24+s1], $0x8000, $0x38;
	[tilespmem:$0x18080] =	vst v63  }
0x1d0: {  	_ =	swait.ge [sflag:s12], $0x8000  }
0x1d1: {  	[sflag:s12] =	ssyncset.done $0x0  }
0x1d2: {  	s16 =	simm.s32 $0xFFFF8000;
	[sflag:s12] =	ssyncadd.s32 $0xFFFF8000  }
0x1d3: {  	v8 =	vld [tilespmem:s16+$0x18380]  }
0x1d4: {  	v5 =	vld [tilespmem:s16+$0x18300]  }
0x1d5: {  	v3 =	vld [tilespmem:s16+$0x18200]  }
0x1d6: {  	v4 =	vld [tilespmem:s16+$0x18280];
	_ =	sdelay $0x2  }
0x1d7: {  	v6 =	vmul.f32 v5, v0;
	v7 =	vmul.f32 v8, v1;
	_ =	sdelay $0x1  }
0x1d8: {  	v9 =	vmul.f32 v4, v1;
	v6 =	vadd.f32 v7, v6;
	v7 =	vmul.f32 v3, v0;
	_ =	sdelay $0x1  }
0x1d9: {  	v6 =	vadd.f32 v6, v6;
	v7 =	vadd.f32 v9, v7;
	_ =	sdelay $0x1  }
0x1da: {  	v9 =	vmul.f32 v6, v0;
	v6 =	vmul.f32 v6, v1;
	v7 =	vsub.f32 v2, v7;
	_ =	sdelay $0x1  }
0x1db: {  	v9 =	vsub.f32 v5, v9;
	v10 =	vsub.f32 v8, v6;
	v7 =	vmax.f32 v7, $0.0e+00  }
0x1dc: {  	v6 =	vmul.f32 v7, v0;
	v7 =	vmul.f32 v7, v1  }
0x1dd: {  	s17 =	simm.s32 $0xFFFE2000;
	v5 =	vsel vm0, v5, v9;
	v8 =	vsel vm0, v8, v10  }
.LBB2_24:
0x1de: {  	p0 =	sne.s32 s17, $0xFFFFE000;
	v6 =	vadd.f32 v6, v3;
	v7 =	vadd.f32 v7, v4;
	[tilespmem:s16+$0x18380] =	vst v8;
	s18 =	smov.u32 s17;
	s17 =	sadd.s32 $0x2000, s17  }
0x1df: {  	s18 =	sshra.s32 s18, $0x2  }
0x1e0: {  	v8 =	vld [tilespmem:s18+$0x18380];
	v3 =	vsel vm0, v3, v6;
	v4 =	vsel vm0, v4, v7;
	[tilespmem:s16+$0x18300] =	vst v5  }
0x1e1: {  	v5 =	vld [tilespmem:s18+$0x18300];
	[tilespmem:s16+$0x18200] =	vst v3  }
0x1e2: {  	v3 =	vld [tilespmem:s18+$0x18200];
	[tilespmem:s16+$0x18280] =	vst v4;
	s16 =	smov.u32 s18  }
0x1e3: {  	v4 =	vld [tilespmem:s16+$0x18280];
	_ =	sdelay $0x2  }
0x1e4: {  	v7 =	vmul.f32 v8, v1;
	v6 =	vmul.f32 v5, v0;
	_ =	sdelay $0x1  }
0x1e5: {  	v6 =	vadd.f32 v7, v6;
	v7 =	vmul.f32 v3, v0;
	v9 =	vmul.f32 v4, v1;
	_ =	sdelay $0x1  }
0x1e6: {  	v6 =	vadd.f32 v6, v6;
	v7 =	vadd.f32 v9, v7;
	_ =	sdelay $0x1  }
.Ltmp11:
0x1e7: {  	v9 =	vmul.f32 v6, v0;
	v6 =	vmul.f32 v6, v1;
	v7 =	vsub.f32 v2, v7;
	(pc) =	sbr.rel @p0 .LBB2_24-.Ltmp11, $4  }
0x1e8: {  	_ = 	snop  }
0x1e9: {  	v9 =	vsub.f32 v5, v9;
	v10 =	vsub.f32 v8, v6;
	v7 =	vmax.f32 v7, $0.0e+00  }
0x1ea: {  	v6 =	vmul.f32 v7, v0;
	v7 =	vmul.f32 v7, v1  }
0x1eb: {  	v5 =	vsel vm0, v5, v9;
	v8 =	vsel vm0, v8, v10  }
0x1ec: {  	v6 =	vadd.f32 v6, v3  }
0x1ed: {  	v7 =	vadd.f32 v7, v4;
	[tilespmem:s16+$0x18380] =	vst v8  }
0x1ee: {  	[tilespmem:s16+$0x18300] =	vst v5;
	v3 =	vsel vm0, v3, v6  }
0x1ef: {  	v4 =	vsel vm0, v4, v7;
	[tilespmem:s16+$0x18200] =	vst v3  }
0x1f0: {  	[tilespmem:s16+$0x18280] =	vst v4  }
0x1f1: {  	[hbm4b:s23+s1] =	stream.linear.scatter [tilespmem:s9], [sflag:$0x6], $0x8000, $0x38;
	[tilespmem:$0x18080] =	vst v63  }
0x1f2: {  	_ =	swait.ge [sflag:s13], $0x8000  }
0x1f3: {  	[sflag:s13] =	ssyncset.done $0x0  }
0x1f4: {  	[sflag:s13] =	ssyncadd.s32 $0xFFFF8000  }
0x1f5: {  	[tilespmem:s7], [sflag:$0x2] =	stream.linear.gather [hbm4b:s26+s1], $0x8000, $0x38;
	[tilespmem:$0x18080] =	vst v63  }
0x1f6: {  	_ =	swait.ge [sflag:s8], $0x8000  }
0x1f7: {  	[sflag:s8] =	ssyncset.done $0x0  }
0x1f8: {  	s16 =	simm.s32 $0xFFFF8000;
	[sflag:s8] =	ssyncadd.s32 $0xFFFF8000  }
0x1f9: {  	v8 =	vld [tilespmem:s16+$0x8380]  }
0x1fa: {  	v5 =	vld [tilespmem:s16+$0x8300]  }
0x1fb: {  	v3 =	vld [tilespmem:s16+$0x8200]  }
0x1fc: {  	v4 =	vld [tilespmem:s16+$0x8280];
	_ =	sdelay $0x2  }
0x1fd: {  	v6 =	vmul.f32 v5, v0;
	v7 =	vmul.f32 v8, v1;
	_ =	sdelay $0x1  }
0x1fe: {  	v9 =	vmul.f32 v4, v1;
	v6 =	vadd.f32 v7, v6;
	v7 =	vmul.f32 v3, v0;
	_ =	sdelay $0x1  }
0x1ff: {  	v6 =	vadd.f32 v6, v6;
	v7 =	vadd.f32 v9, v7;
	_ =	sdelay $0x1  }
0x200: {  	v9 =	vmul.f32 v6, v0;
	v6 =	vmul.f32 v6, v1;
	v7 =	vsub.f32 v2, v7;
	_ =	sdelay $0x1  }
0x201: {  	v9 =	vsub.f32 v5, v9;
	v10 =	vsub.f32 v8, v6;
	v7 =	vmax.f32 v7, $0.0e+00  }
0x202: {  	v6 =	vmul.f32 v7, v0;
	v7 =	vmul.f32 v7, v1  }
0x203: {  	s17 =	simm.s32 $0xFFFE2000;
	v5 =	vsel vm0, v5, v9;
	v8 =	vsel vm0, v8, v10  }
.LBB2_26:
0x204: {  	p0 =	sne.s32 s17, $0xFFFFE000;
	v6 =	vadd.f32 v6, v3;
	v7 =	vadd.f32 v7, v4;
	[tilespmem:s16+$0x8380] =	vst v8;
	s18 =	smov.u32 s17;
	s17 =	sadd.s32 $0x2000, s17  }
0x205: {  	s18 =	sshra.s32 s18, $0x2  }
0x206: {  	v8 =	vld [tilespmem:s18+$0x8380];
	v3 =	vsel vm0, v3, v6;
	v4 =	vsel vm0, v4, v7;
	[tilespmem:s16+$0x8300] =	vst v5  }
0x207: {  	v5 =	vld [tilespmem:s18+$0x8300];
	[tilespmem:s16+$0x8200] =	vst v3  }
0x208: {  	v3 =	vld [tilespmem:s18+$0x8200];
	[tilespmem:s16+$0x8280] =	vst v4;
	s16 =	smov.u32 s18  }
0x209: {  	v4 =	vld [tilespmem:s16+$0x8280];
	_ =	sdelay $0x2  }
0x20a: {  	v7 =	vmul.f32 v8, v1;
	v6 =	vmul.f32 v5, v0;
	_ =	sdelay $0x1  }
0x20b: {  	v6 =	vadd.f32 v7, v6;
	v7 =	vmul.f32 v3, v0;
	v9 =	vmul.f32 v4, v1;
	_ =	sdelay $0x1  }
0x20c: {  	v6 =	vadd.f32 v6, v6;
	v7 =	vadd.f32 v9, v7;
	_ =	sdelay $0x1  }
.Ltmp12:
0x20d: {  	v9 =	vmul.f32 v6, v0;
	v6 =	vmul.f32 v6, v1;
	v7 =	vsub.f32 v2, v7;
	(pc) =	sbr.rel @p0 .LBB2_26-.Ltmp12, $4  }
0x20e: {  	_ = 	snop  }
0x20f: {  	v9 =	vsub.f32 v5, v9;
	v10 =	vsub.f32 v8, v6;
	v7 =	vmax.f32 v7, $0.0e+00  }
0x210: {  	v6 =	vmul.f32 v7, v0;
	v7 =	vmul.f32 v7, v1  }
0x211: {  	v5 =	vsel vm0, v5, v9;
	v8 =	vsel vm0, v8, v10  }
0x212: {  	v6 =	vadd.f32 v6, v3  }
0x213: {  	v7 =	vadd.f32 v7, v4;
	[tilespmem:s16+$0x8380] =	vst v8  }
0x214: {  	[tilespmem:s16+$0x8300] =	vst v5;
	v3 =	vsel vm0, v3, v6  }
0x215: {  	v4 =	vsel vm0, v4, v7;
	[tilespmem:s16+$0x8200] =	vst v3  }
0x216: {  	[tilespmem:s16+$0x8280] =	vst v4  }
0x217: {  	[hbm4b:s25+s1] =	stream.linear.scatter [tilespmem:s1], [sflag:$0x4], $0x8000, $0x38;
	[tilespmem:$0x18080] =	vst v63  }
0x218: {  	_ =	swait.ge [sflag:s14], $0x8000  }
0x219: {  	[sflag:s14] =	ssyncset.done $0x0  }
0x21a: {  	[sflag:s14] =	ssyncadd.s32 $0xFFFF8000  }
0x21b: {  	[tilespmem:s9], [sflag:$0x3] =	stream.linear.gather [hbm4b:s31+s1], $0x8000, $0x38;
	[tilespmem:$0x18080] =	vst v63  }
0x21c: {  	_ =	swait.ge [sflag:s10], $0x8000  }
0x21d: {  	[sflag:s10] =	ssyncset.done $0x0  }
0x21e: {  	s16 =	simm.s32 $0xFFFF8000;
	[sflag:s10] =	ssyncadd.s32 $0xFFFF8000  }
0x21f: {  	v8 =	vld [tilespmem:s16+$0x10380]  }
0x220: {  	v5 =	vld [tilespmem:s16+$0x10300]  }
0x221: {  	v3 =	vld [tilespmem:s16+$0x10200]  }
0x222: {  	v4 =	vld [tilespmem:s16+$0x10280];
	_ =	sdelay $0x2  }
0x223: {  	v6 =	vmul.f32 v5, v0;
	v7 =	vmul.f32 v8, v1;
	_ =	sdelay $0x1  }
0x224: {  	v9 =	vmul.f32 v4, v1;
	v6 =	vadd.f32 v7, v6;
	v7 =	vmul.f32 v3, v0;
	_ =	sdelay $0x1  }
0x225: {  	v6 =	vadd.f32 v6, v6;
	v7 =	vadd.f32 v9, v7;
	_ =	sdelay $0x1  }
0x226: {  	v9 =	vmul.f32 v6, v0;
	v6 =	vmul.f32 v6, v1;
	v7 =	vsub.f32 v2, v7;
	_ =	sdelay $0x1  }
0x227: {  	v9 =	vsub.f32 v5, v9;
	v10 =	vsub.f32 v8, v6;
	v7 =	vmax.f32 v7, $0.0e+00  }
0x228: {  	v6 =	vmul.f32 v7, v0;
	v7 =	vmul.f32 v7, v1  }
0x229: {  	s17 =	simm.s32 $0xFFFE2000;
	v5 =	vsel vm0, v5, v9;
	v8 =	vsel vm0, v8, v10  }
.LBB2_28:
0x22a: {  	p0 =	sne.s32 s17, $0xFFFFE000;
	v6 =	vadd.f32 v6, v3;
	v7 =	vadd.f32 v7, v4;
	[tilespmem:s16+$0x10380] =	vst v8;
	s18 =	smov.u32 s17;
	s17 =	sadd.s32 $0x2000, s17  }
0x22b: {  	s18 =	sshra.s32 s18, $0x2  }
0x22c: {  	v8 =	vld [tilespmem:s18+$0x10380];
	v3 =	vsel vm0, v3, v6;
	v4 =	vsel vm0, v4, v7;
	[tilespmem:s16+$0x10300] =	vst v5  }
0x22d: {  	v5 =	vld [tilespmem:s18+$0x10300];
	[tilespmem:s16+$0x10200] =	vst v3  }
0x22e: {  	v3 =	vld [tilespmem:s18+$0x10200];
	[tilespmem:s16+$0x10280] =	vst v4;
	s16 =	smov.u32 s18  }
0x22f: {  	v4 =	vld [tilespmem:s16+$0x10280];
	_ =	sdelay $0x2  }
0x230: {  	v7 =	vmul.f32 v8, v1;
	v6 =	vmul.f32 v5, v0;
	_ =	sdelay $0x1  }
0x231: {  	v6 =	vadd.f32 v7, v6;
	v7 =	vmul.f32 v3, v0;
	v9 =	vmul.f32 v4, v1;
	_ =	sdelay $0x1  }
0x232: {  	v6 =	vadd.f32 v6, v6;
	v7 =	vadd.f32 v9, v7;
	_ =	sdelay $0x1  }
.Ltmp13:
0x233: {  	v9 =	vmul.f32 v6, v0;
	v6 =	vmul.f32 v6, v1;
	v7 =	vsub.f32 v2, v7;
	(pc) =	sbr.rel @p0 .LBB2_28-.Ltmp13, $4  }
0x234: {  	_ = 	snop  }
0x235: {  	v9 =	vsub.f32 v5, v9;
	v10 =	vsub.f32 v8, v6;
	v7 =	vmax.f32 v7, $0.0e+00  }
0x236: {  	v6 =	vmul.f32 v7, v0;
	v7 =	vmul.f32 v7, v1  }
0x237: {  	v5 =	vsel vm0, v5, v9;
	v8 =	vsel vm0, v8, v10  }
0x238: {  	v6 =	vadd.f32 v6, v3  }
0x239: {  	v7 =	vadd.f32 v7, v4;
	[tilespmem:s16+$0x10380] =	vst v8  }
0x23a: {  	[tilespmem:s16+$0x10300] =	vst v5;
	v3 =	vsel vm0, v3, v6  }
0x23b: {  	v4 =	vsel vm0, v4, v7;
	[tilespmem:s16+$0x10200] =	vst v3  }
0x23c: {  	[tilespmem:s16+$0x10280] =	vst v4  }
0x23d: {  	[hbm4b:s28+s1] =	stream.linear.scatter [tilespmem:s7], [sflag:$0x5], $0x8000, $0x38;
	[tilespmem:$0x18080] =	vst v63  }
0x23e: {  	_ =	swait.ge [sflag:s11], $0x8000  }
0x23f: {  	[sflag:s11] =	ssyncset.done $0x0  }
0x240: {  	[sflag:s11] =	ssyncadd.s32 $0xFFFF8000  }
0x241: {  	[tilespmem:s1], [sflag:$0x1] =	stream.linear.gather [hbm4b:s0+s1], $0x8000, $0x38;
	[tilespmem:$0x18080] =	vst v63  }
0x242: {  	_ =	swait.ge [sflag:s12], $0x8000  }
0x243: {  	[sflag:s12] =	ssyncset.done $0x0  }
0x244: {  	s16 =	simm.s32 $0xFFFF8000;
	[sflag:s12] =	ssyncadd.s32 $0xFFFF8000  }
0x245: {  	v8 =	vld [tilespmem:s16+$0x18380]  }
0x246: {  	v5 =	vld [tilespmem:s16+$0x18300]  }
0x247: {  	v3 =	vld [tilespmem:s16+$0x18200]  }
0x248: {  	v4 =	vld [tilespmem:s16+$0x18280];
	_ =	sdelay $0x2  }
0x249: {  	v6 =	vmul.f32 v5, v0;
	v7 =	vmul.f32 v8, v1;
	_ =	sdelay $0x1  }
0x24a: {  	v9 =	vmul.f32 v4, v1;
	v6 =	vadd.f32 v7, v6;
	v7 =	vmul.f32 v3, v0;
	_ =	sdelay $0x1  }
0x24b: {  	v6 =	vadd.f32 v6, v6;
	v7 =	vadd.f32 v9, v7;
	_ =	sdelay $0x1  }
0x24c: {  	v9 =	vmul.f32 v6, v0;
	v6 =	vmul.f32 v6, v1;
	v7 =	vsub.f32 v2, v7;
	_ =	sdelay $0x1  }
0x24d: {  	v9 =	vsub.f32 v5, v9;
	v10 =	vsub.f32 v8, v6;
	v7 =	vmax.f32 v7, $0.0e+00  }
0x24e: {  	v6 =	vmul.f32 v7, v0;
	v7 =	vmul.f32 v7, v1  }
0x24f: {  	s17 =	simm.s32 $0xFFFE2000;
	v5 =	vsel vm0, v5, v9;
	v8 =	vsel vm0, v8, v10  }
.LBB2_30:
0x250: {  	p0 =	sne.s32 s17, $0xFFFFE000;
	v6 =	vadd.f32 v6, v3;
	v7 =	vadd.f32 v7, v4;
	[tilespmem:s16+$0x18380] =	vst v8;
	s18 =	smov.u32 s17;
	s17 =	sadd.s32 $0x2000, s17  }
0x251: {  	s18 =	sshra.s32 s18, $0x2  }
0x252: {  	v8 =	vld [tilespmem:s18+$0x18380];
	v3 =	vsel vm0, v3, v6;
	v4 =	vsel vm0, v4, v7;
	[tilespmem:s16+$0x18300] =	vst v5  }
0x253: {  	v5 =	vld [tilespmem:s18+$0x18300];
	[tilespmem:s16+$0x18200] =	vst v3  }
0x254: {  	v3 =	vld [tilespmem:s18+$0x18200];
	[tilespmem:s16+$0x18280] =	vst v4;
	s16 =	smov.u32 s18  }
0x255: {  	v4 =	vld [tilespmem:s16+$0x18280];
	_ =	sdelay $0x2  }
0x256: {  	v7 =	vmul.f32 v8, v1;
	v6 =	vmul.f32 v5, v0;
	_ =	sdelay $0x1  }
0x257: {  	v6 =	vadd.f32 v7, v6;
	v7 =	vmul.f32 v3, v0;
	v9 =	vmul.f32 v4, v1;
	_ =	sdelay $0x1  }
0x258: {  	v6 =	vadd.f32 v6, v6;
	v7 =	vadd.f32 v9, v7;
	_ =	sdelay $0x1  }
.Ltmp14:
0x259: {  	v9 =	vmul.f32 v6, v0;
	v6 =	vmul.f32 v6, v1;
	v7 =	vsub.f32 v2, v7;
	(pc) =	sbr.rel @p0 .LBB2_30-.Ltmp14, $4  }
0x25a: {  	_ = 	snop  }
0x25b: {  	v9 =	vsub.f32 v5, v9;
	v10 =	vsub.f32 v8, v6;
	v7 =	vmax.f32 v7, $0.0e+00  }
0x25c: {  	v6 =	vmul.f32 v7, v0;
	v7 =	vmul.f32 v7, v1  }
0x25d: {  	v5 =	vsel vm0, v5, v9;
	v8 =	vsel vm0, v8, v10  }
0x25e: {  	v6 =	vadd.f32 v6, v3  }
0x25f: {  	v7 =	vadd.f32 v7, v4;
	[tilespmem:s16+$0x18380] =	vst v8  }
0x260: {  	[tilespmem:s16+$0x18300] =	vst v5;
	v3 =	vsel vm0, v3, v6  }
0x261: {  	v4 =	vsel vm0, v4, v7;
	[tilespmem:s16+$0x18200] =	vst v3  }
0x262: {  	[tilespmem:s16+$0x18280] =	vst v4  }
0x263: {  	[hbm4b:s2+s1] =	stream.linear.scatter [tilespmem:s9], [sflag:$0x6], $0x8000, $0x38;
	[tilespmem:$0x18080] =	vst v63  }
0x264: {  	_ =	swait.ge [sflag:s8], $0x8000  }
0x265: {  	[sflag:s8] =	ssyncset.done $0x0  }
0x266: {  	s16 =	simm.s32 $0xFFFF8000;
	[sflag:s8] =	ssyncadd.s32 $0xFFFF8000  }
0x267: {  	v8 =	vld [tilespmem:s16+$0x8380]  }
0x268: {  	v5 =	vld [tilespmem:s16+$0x8300]  }
0x269: {  	v3 =	vld [tilespmem:s16+$0x8200]  }
0x26a: {  	v4 =	vld [tilespmem:s16+$0x8280];
	_ =	sdelay $0x2  }
0x26b: {  	v6 =	vmul.f32 v5, v0;
	v7 =	vmul.f32 v8, v1;
	_ =	sdelay $0x1  }
0x26c: {  	v9 =	vmul.f32 v4, v1;
	v6 =	vadd.f32 v7, v6;
	v7 =	vmul.f32 v3, v0;
	_ =	sdelay $0x1  }
0x26d: {  	v6 =	vadd.f32 v6, v6;
	v7 =	vadd.f32 v9, v7;
	_ =	sdelay $0x1  }
0x26e: {  	v9 =	vmul.f32 v6, v0;
	v6 =	vmul.f32 v6, v1;
	v7 =	vsub.f32 v2, v7;
	_ =	sdelay $0x1  }
0x26f: {  	v9 =	vsub.f32 v5, v9;
	v10 =	vsub.f32 v8, v6;
	v7 =	vmax.f32 v7, $0.0e+00  }
0x270: {  	v6 =	vmul.f32 v7, v0;
	v7 =	vmul.f32 v7, v1  }
0x271: {  	s17 =	simm.s32 $0xFFFE2000;
	v5 =	vsel vm0, v5, v9;
	v8 =	vsel vm0, v8, v10  }
.LBB2_32:
0x272: {  	p0 =	sne.s32 s17, $0xFFFFE000;
	v6 =	vadd.f32 v6, v3;
	v7 =	vadd.f32 v7, v4;
	[tilespmem:s16+$0x8380] =	vst v8;
	s18 =	smov.u32 s17;
	s17 =	sadd.s32 $0x2000, s17  }
0x273: {  	s18 =	sshra.s32 s18, $0x2  }
0x274: {  	v8 =	vld [tilespmem:s18+$0x8380];
	v3 =	vsel vm0, v3, v6;
	v4 =	vsel vm0, v4, v7;
	[tilespmem:s16+$0x8300] =	vst v5  }
0x275: {  	v5 =	vld [tilespmem:s18+$0x8300];
	[tilespmem:s16+$0x8200] =	vst v3  }
0x276: {  	v3 =	vld [tilespmem:s18+$0x8200];
	[tilespmem:s16+$0x8280] =	vst v4;
	s16 =	smov.u32 s18  }
0x277: {  	v4 =	vld [tilespmem:s16+$0x8280];
	_ =	sdelay $0x2  }
0x278: {  	v7 =	vmul.f32 v8, v1;
	v6 =	vmul.f32 v5, v0;
	_ =	sdelay $0x1  }
0x279: {  	v6 =	vadd.f32 v7, v6;
	v7 =	vmul.f32 v3, v0;
	v9 =	vmul.f32 v4, v1;
	_ =	sdelay $0x1  }
0x27a: {  	v6 =	vadd.f32 v6, v6;
	v7 =	vadd.f32 v9, v7;
	_ =	sdelay $0x1  }
.Ltmp15:
0x27b: {  	v9 =	vmul.f32 v6, v0;
	v6 =	vmul.f32 v6, v1;
	v7 =	vsub.f32 v2, v7;
	(pc) =	sbr.rel @p0 .LBB2_32-.Ltmp15, $4  }
0x27c: {  	_ = 	snop  }
0x27d: {  	v9 =	vsub.f32 v5, v9;
	v10 =	vsub.f32 v8, v6;
	v7 =	vmax.f32 v7, $0.0e+00  }
0x27e: {  	v6 =	vmul.f32 v7, v0;
	v7 =	vmul.f32 v7, v1  }
0x27f: {  	v5 =	vsel vm0, v5, v9;
	v8 =	vsel vm0, v8, v10  }
0x280: {  	v0 =	vadd.f32 v6, v3  }
0x281: {  	v1 =	vadd.f32 v7, v4;
	[tilespmem:s16+$0x8380] =	vst v8  }
0x282: {  	[tilespmem:s16+$0x8300] =	vst v5;
	v0 =	vsel vm0, v3, v0  }
0x283: {  	v1 =	vsel vm0, v4, v1;
	[tilespmem:s16+$0x8200] =	vst v0  }
0x284: {  	[tilespmem:s16+$0x8280] =	vst v1  }
0x285: {  	[hbm4b:s3+s1] =	stream.linear.scatter [tilespmem:s1], [sflag:$0x4], $0x8000, $0x38;
	[tilespmem:$0x18080] =	vst v63  }
0x286: {  	_ =	swait.ge [sflag:s13], $0x8000  }
0x287: {  	[sflag:s13] =	ssyncset.done $0x0  }
0x288: {  	s15 =	sadd.s32 $0x1, s15;
	[sflag:s13] =	ssyncadd.s32 $0xFFFF8000  }
0x289: {  	p0 =	sne.s32 s15, s5;
	_ =	swait.ge [sflag:s14], $0x8000  }
.Ltmp16:
0x28a: {  	[sflag:s14] =	ssyncset.done $0x0;
	(pc) =	sbr.rel @p0 .LBB2_1-.Ltmp16, $4  }
0x28b: {  	[sflag:s14] =	ssyncadd.s32 $0xFFFF8000  }
0x28c: {  	_ =	swait.ge [sflag:s11], $0x8000  }
0x28d: {  	[sflag:s11] =	ssyncset.done $0x0  }
0x28e: {  	[sflag:s11] =	ssyncadd.s32 $0xFFFF8000  }
0x28f: {  	_ =	sfence.sel $0x180000  }
0x290: {  	[bflag:$0x0] =	sbarrier.arrive $0xFFFF  }
0x291: {  	_ =	strace $0x90000047  }
0x292: {  	s0 =	stileid.u32;
	[bflag:$0x2] =	sbarrier.arrive $0xFFFF  }
0x293: {  	p0 =	sne.s32 s0, $0x0;
	s0 =	rddreg [dreg:$0x3]  }
0x294: {  	s0 =	sadd.s32 @!p0 $0x100000, s0  }
0x295: {  	[sflag:s0] =	ssyncadd.tile.s32 @!p0 $0x1;
	_ =	shalt  }
.Lfunc_end2:
_tile_overlayer_lowered:
.L_overlay_start_2:
0x296: {  	(tag) =	ssettag $0x2  }
0x297: {  	s0 =	rddreg [dreg:$0x0];
	s2 =	stileid.u32  }
0x298: {  	s1 =	rddreg [dreg:$0x1];
	p0 =	sne.s32 s2, $0x0  }
0x299: {  	s3 =	rddreg [dreg:$0x2];
	[bflag:$0x3] =	sbarrier.arrive $0xFFFF;
	s2 =	simm.s32 @!p0 $0x1C07  }
0x29a: {  	[timem:s3], [sflag:s2] =	dma.local @!p0 [hbm:s0], s1  }
0x29b: {  	s0 =	simm.s32 @!p0 $0x7  }
0x29c: {  	_ =	swait.ge @!p0 [sflag:s0], s1  }
0x29d: {  	s1 =	ssub.s32 @!p0 $0x0, s1;
	[sflag:s0] =	ssyncset.done @!p0 $0x0  }
0x29e: {  	[sflag:s0] =	ssyncadd.s32 @!p0 s1  }
0x29f: {  	[bflag:$0x3] =	sbarrier.arrive $0xFFFF  }
0x2a0: {  	_ =	shalt  }

</sc_bundles>
